<compile_context>
chip_gen: v7x
topology: tpu7x:2x2x1
jax: 0.10.2.dev20260603
libtpu: 0.0.44.dev20260713+nightly
codegen_flags: <defaults>
</compile_context>

<pallas_src>
import jax
import jax.numpy as jnp
from jax import lax
from jax.experimental import pallas as pl
from jax.experimental.pallas import tpu as pltpu
from jax.experimental.pallas import tpu_sc as plsc

B, L, F, V, D = 4096, 50, 26, 100000, 16
C = 13
H = 64
HALF = 32
N = B * L
NR = N * F
RB = 128
NBLK = NR // RB
NC, NS = 2, 16
NW = NC * NS
K = 26
BPW = NBLK // NW
ITERS = BPW // K


def _sc_gather_body(table_hbm, idx_hbm, out_hbm, idx_v, rows_v, sem0, sem1):
    wid = lax.axis_index("s") * NC + lax.axis_index("c")
    base = wid * BPW
    sems = (sem0, sem1)

    def load_idx(g, buf):
        b0 = (base + g * K) * RB
        pltpu.sync_copy(idx_hbm.at[pl.ds(b0, K * RB)], idx_v.at[buf])

    def fire(buf):
        for j in range(K):
            pltpu.async_copy(
                table_hbm.at[idx_v.at[buf, pl.ds(j * RB, RB)]],
                rows_v.at[buf, j], sems[buf])

    def drain(buf):
        for j in range(K):
            pltpu.make_async_copy(
                table_hbm.at[idx_v.at[buf, pl.ds(j * RB, RB)]],
                rows_v.at[buf, j], sems[buf]).wait()

    def store(g, buf):
        pltpu.sync_copy(rows_v.at[buf], out_hbm.at[pl.ds(base + g * K, K)])

    load_idx(0, 0)
    fire(0)

    def body(gg, carry):
        g0 = gg * 2
        load_idx(g0 + 1, 1)
        fire(1)
        drain(0)
        store(g0, 0)
        @pl.when(gg != ITERS // 2 - 1)
        def _():
            load_idx(g0 + 2, 0)
            fire(0)
        drain(1)
        store(g0 + 1, 1)
        return carry

    lax.fori_loop(0, ITERS // 2, body, 0)


_sc_gather = pl.kernel(
    _sc_gather_body,
    out_type=jax.ShapeDtypeStruct((NBLK, RB, D), jnp.float32),
    mesh=plsc.VectorSubcoreMesh(core_axis_name="c", subcore_axis_name="s"),
    compiler_params=pltpu.CompilerParams(use_tc_tiling_on_sc=False),
    scratch_types=[
        pltpu.VMEM((2, K * RB), jnp.int32),
        pltpu.VMEM((2, K, RB, D), jnp.float32),
        pltpu.SemaphoreType.DMA,
        pltpu.SemaphoreType.DMA,
    ],
)


TCHUNK = 4096


def _tc_mlp_body(g_ref, cont_ref, mask_ref, wcate_ref, bcate_ref,
                 wcont_ref, bcont_ref, wcomb_ref, bcomb_ref, out_ref):
    cate = jnp.maximum(
        jnp.dot(g_ref[...], wcate_ref[...],
                preferred_element_type=jnp.float32) + bcate_ref[...], 0.0)
    cont = jnp.maximum(
        jnp.dot(cont_ref[...], wcont_ref[...],
                preferred_element_type=jnp.float32) + bcont_ref[...], 0.0)
    h = (jnp.dot(cate, wcomb_ref[:HALF, :],
                 preferred_element_type=jnp.float32)
         + jnp.dot(cont, wcomb_ref[HALF:, :],
                   preferred_element_type=jnp.float32)
         + bcomb_ref[...])
    out_ref[...] = jnp.maximum(h, 0.0) * mask_ref[...]


def _tc_mlp(gathered, cont2, mask2, W_cate, b_cate, W_cont, b_cont,
            W_comb, b_comb):
    grid = (N // TCHUNK,)
    return pl.pallas_call(
        _tc_mlp_body,
        grid=grid,
        in_specs=[
            pl.BlockSpec((TCHUNK, F * D), lambda i: (i, 0)),
            pl.BlockSpec((TCHUNK, C), lambda i: (i, 0)),
            pl.BlockSpec((TCHUNK, 1), lambda i: (i, 0)),
            pl.BlockSpec((F * D, HALF), lambda i: (0, 0)),
            pl.BlockSpec((1, HALF), lambda i: (0, 0)),
            pl.BlockSpec((C, HALF), lambda i: (0, 0)),
            pl.BlockSpec((1, HALF), lambda i: (0, 0)),
            pl.BlockSpec((2 * HALF, H), lambda i: (0, 0)),
            pl.BlockSpec((1, H), lambda i: (0, 0)),
        ],
        out_specs=pl.BlockSpec((TCHUNK, H), lambda i: (i, 0)),
        out_shape=jax.ShapeDtypeStruct((N, H), jnp.float32),
    )(gathered, cont2, mask2, W_cate, b_cate, W_cont, b_cont, W_comb, b_comb)


@jax.jit
def kernel(cate_x, cont_x, mask, targets, emb_tables, W_cate, b_cate,
           W_cont, b_cont, W_comb, b_comb):
    table = emb_tables.reshape(F * V, D)
    offs = (jnp.arange(F, dtype=jnp.int32) * V)[None, None, :]
    flat_idx = (cate_x.astype(jnp.int32) + offs).reshape(NR)
    gathered = _sc_gather(table, flat_idx).reshape(N, F * D)
    cont2 = cont_x.reshape(N, C)
    mask2 = mask.reshape(N, 1).astype(jnp.float32)
    out = _tc_mlp(gathered, cont2, mask2,
                  W_cate, b_cate.reshape(1, HALF),
                  W_cont, b_cont.reshape(1, HALF),
                  W_comb, b_comb.reshape(1, H))
    return out.reshape(B, L, H)

# --- scband reference (transcript-rebuilt; emitter-appended) ---
"""Pipeline reference for scband-self-attention-32255204393040 (READ-ONLY COPY).

The authoritative reference and input builder live on the scoring server;
editing this copy changes nothing except your own understanding.
"""

import jax, jax.numpy as jnp
import numpy as np

B, L, F, V, D = 4096, 50, 26, 100000, 16
C = 13
H = 64
HALF = 32


def setup_inputs(seed: int = 0) -> dict:
    key = jax.random.key(seed)
    ks = jax.random.split(key, 12)
    cate_x = jax.random.randint(ks[0], (B, L, F), 0, V)
    cont_x = jax.random.normal(ks[1], (B, L, C), dtype=jnp.float32)
    mask = jnp.ones((B, L), dtype=bool)
    targets = jax.random.randint(ks[2], (B, L), 0, 2)
    emb_tables = jax.random.normal(ks[3], (F, V, D), dtype=jnp.float32) * 0.02
    W_cate = jax.random.normal(ks[4], (F * D, HALF), dtype=jnp.float32) * 0.02
    b_cate = jnp.zeros((HALF,), dtype=jnp.float32)
    W_cont = jax.random.normal(ks[5], (C, HALF), dtype=jnp.float32) * 0.02
    b_cont = jnp.zeros((HALF,), dtype=jnp.float32)
    W_comb = jax.random.normal(ks[6], (2 * HALF, H), dtype=jnp.float32) * 0.02
    b_comb = jnp.zeros((H,), dtype=jnp.float32)
    return {"cate_x": cate_x, "cont_x": cont_x, "mask": mask, "targets": targets,
            "emb_tables": emb_tables, "W_cate": W_cate, "b_cate": b_cate,
            "W_cont": W_cont, "b_cont": b_cont, "W_comb": W_comb, "b_comb": b_comb}


def reference(cate_x, cont_x, mask, targets, emb_tables, W_cate, b_cate, W_cont, b_cont, W_comb, b_comb):
    # EntireEmbedding: per-field categorical embedding lookup (SparseCore gather),
    # concat + linear proj; continuous features linear proj; combined projection.
    Fn = emb_tables.shape[0]
    f_idx = jnp.arange(Fn)[None, None, :]  # [1,1,F]
    gathered = emb_tables[f_idx, cate_x]  # [B, L, F, D] gather over vocab axis
    cate_flat = gathered.reshape(cate_x.shape[0], cate_x.shape[1], -1)  # [B, L, F*D]
    cate_proj = jax.nn.relu(cate_flat @ W_cate + b_cate)  # [B, L, HALF]
    cont_proj = jax.nn.relu(cont_x @ W_cont + b_cont)  # [B, L, HALF]
    comb = jnp.concatenate([cate_proj, cont_proj], axis=-1)  # [B, L, 2*HALF]
    comb_proj_x = jax.nn.relu(comb @ W_comb + b_comb)  # [B, L, H]
    comb_proj_x = comb_proj_x * mask[..., None].astype(comb_proj_x.dtype)
    return comb_proj_x

if __name__ == "__main__":
    import jax
    _d = setup_inputs()
    print(jax.jit(kernel)(*tuple(_d.values())))

</pallas_src>

<mosaic_0001>
#map = affine_map<(d0, d1) -> (0, 0)>
#map1 = affine_map<(d0, d1) -> (0)>
#map2 = affine_map<(d0, d1) -> (0, 0, 0)>
module attributes {stable_mosaic.version = 14 : i64} {
  func.func @_sc_gather_body(%arg0: i32, %arg1: i32, %arg2: memref<2600000x16xf32, #tpu.memory_space<hbm>>, %arg3: memref<5324800xi32, #tpu.memory_space<hbm>>, %arg4: memref<41600x128x16xf32, #tpu.memory_space<hbm>>, %arg5: memref<2x3328xi32, #tpu.memory_space<vmem>>, %arg6: memref<2x26x128x16xf32, #tpu.memory_space<vmem>>, %arg7: memref<!tpu.dma_semaphore, #tpu.memory_space<semaphore_mem>>, %arg8: memref<!tpu.dma_semaphore, #tpu.memory_space<semaphore_mem>>) attributes {dimension_semantics = [#tpu.dimension_semantics<core_parallel>, #tpu.dimension_semantics<subcore_parallel>], iteration_bounds = array<i64: 2, 16>, scalar_prefetch = 0 : i64, scratch_operands = 4 : i64, tpu.core_type = #tpu.core_type<sc_vector_subcore>, window_params = [{transform_indices = #map}, {transform_indices = #map1}, {transform_indices = #map2}]} {
    %mul3A = arith.constant 2 : i32
    %mul3A_0 = arith.muli %arg1, %mul3A : i32
    %add3A = arith.addi %mul3A_0, %arg0 : i32
    %mul3A_1 = arith.constant 1300 : i32
    %mul3A_2 = arith.muli %add3A, %mul3A_1 : i32
    %add3A_3 = arith.constant 0 : i32
    %add3A_4 = arith.addi %mul3A_2, %add3A_3 : i32
    %mul3A_5 = arith.constant 128 : i32
    %mul3A_6 = arith.muli %add3A_4, %mul3A_5 : i32
    %run_scoped3A = arith.constant 0 : i32
    "tpu.region"() ({
      %run_scoped3A_349 = tpu.sem_alloc : memref<!tpu.dma_semaphore, #tpu.memory_space<semaphore_mem>>
      %dma_start3A_350 = arith.constant 0 : i32
      %dma_start3A_351 = tpu.memref_slice %arg5[%run_scoped3A, %dma_start3A_350] : memref<2x3328xi32, #tpu.memory_space<vmem>> -> memref<1x3328xi32, #tpu.memory_space<vmem>>
      %dma_start3A_352 = tpu.memref_squeeze %dma_start3A_351 : memref<1x3328xi32, #tpu.memory_space<vmem>> -> memref<3328xi32, #tpu.memory_space<vmem>>
      %dma_start3A_353 = tpu.memref_slice %arg3[%mul3A_6] : memref<5324800xi32, #tpu.memory_space<hbm>> -> memref<3328xi32, #tpu.memory_space<hbm>>
      %dma_start3A_354 = arith.constant 0 : i32
      %dma_start3A_355 = tpu.memref_slice %arg5[%run_scoped3A, %dma_start3A_354] : memref<2x3328xi32, #tpu.memory_space<vmem>> -> memref<1x3328xi32, #tpu.memory_space<vmem>>
      %dma_start3A_356 = tpu.memref_squeeze %dma_start3A_355 : memref<1x3328xi32, #tpu.memory_space<vmem>> -> memref<3328xi32, #tpu.memory_space<vmem>>
      %dma_start3A_357 = tpu.memref_slice %arg3[%mul3A_6] : memref<5324800xi32, #tpu.memory_space<hbm>> -> memref<3328xi32, #tpu.memory_space<hbm>>
      tpu.enqueue_dma source(%dma_start3A_357 : memref<3328xi32, #tpu.memory_space<hbm>>) target(%dma_start3A_356 : memref<3328xi32, #tpu.memory_space<vmem>>) target_semaphore(%run_scoped3A_349 : memref<!tpu.dma_semaphore, #tpu.memory_space<semaphore_mem>>)
      %dma_wait3A = arith.constant 0 : i32
      %dma_wait3A_358 = tpu.memref_slice %arg5[%run_scoped3A, %dma_wait3A] : memref<2x3328xi32, #tpu.memory_space<vmem>> -> memref<1x3328xi32, #tpu.memory_space<vmem>>
      %dma_wait3A_359 = tpu.memref_squeeze %dma_wait3A_358 : memref<1x3328xi32, #tpu.memory_space<vmem>> -> memref<3328xi32, #tpu.memory_space<vmem>>
      %dma_wait3A_360 = tpu.memref_slice %arg3[%mul3A_6] : memref<5324800xi32, #tpu.memory_space<hbm>> -> memref<3328xi32, #tpu.memory_space<hbm>>
      %dma_wait3A_361 = arith.constant 0 : i32
      %dma_wait3A_362 = tpu.memref_slice %arg5[%run_scoped3A, %dma_wait3A_361] : memref<2x3328xi32, #tpu.memory_space<vmem>> -> memref<1x3328xi32, #tpu.memory_space<vmem>>
      %dma_wait3A_363 = tpu.memref_squeeze %dma_wait3A_362 : memref<1x3328xi32, #tpu.memory_space<vmem>> -> memref<3328xi32, #tpu.memory_space<vmem>>
      %dma_wait3A_364 = tpu.memref_slice %arg3[%mul3A_6] : memref<5324800xi32, #tpu.memory_space<hbm>> -> memref<3328xi32, #tpu.memory_space<hbm>>
      tpu.wait_dma2 semaphore(%run_scoped3A_349 : memref<!tpu.dma_semaphore, #tpu.memory_space<semaphore_mem>>) src(%dma_wait3A_364 : memref<3328xi32, #tpu.memory_space<hbm>>) dst(%dma_wait3A_363 : memref<3328xi32, #tpu.memory_space<vmem>>)
      tpu.yield
    }) : () -> ()
    %dma_start3A = arith.constant 0 : i32
    %dma_start3A_7 = arith.constant 0 : i32
    %dma_start3A_8 = arith.constant 0 : i32
    %dma_start3A_9 = arith.constant 0 : i32
    %dma_start3A_10 = arith.constant 0 : i32
    %dma_start3A_11 = tpu.memref_slice %arg6[%dma_start3A_7, %dma_start3A_8, %dma_start3A_9, %dma_start3A_10] : memref<2x26x128x16xf32, #tpu.memory_space<vmem>> -> memref<1x1x128x16xf32, #tpu.memory_space<vmem>>
    %dma_start3A_12 = tpu.memref_squeeze %dma_start3A_11 : memref<1x1x128x16xf32, #tpu.memory_space<vmem>> -> memref<128x16xf32, #tpu.memory_space<vmem>>
    %dma_start3A_13 = arith.constant 0 : i32
    %dma_start3A_14 = tpu.memref_slice %arg5[%dma_start3A, %dma_start3A_13] : memref<2x3328xi32, #tpu.memory_space<vmem>> -> memref<1x128xi32, #tpu.memory_space<vmem>>
    %dma_start3A_15 = tpu.memref_squeeze %dma_start3A_14 : memref<1x128xi32, #tpu.memory_space<vmem>> -> memref<128xi32, #tpu.memory_space<vmem>>
    %dma_start3A_16 = arith.constant 0 : i32
    %dma_start3A_17 = arith.constant 0 : i32
    %dma_start3A_18 = tpu.memref_slice %arg2[%dma_start3A_16, %dma_start3A_17] : memref<2600000x16xf32, #tpu.memory_space<hbm>> -> memref<2600000x16xf32, #tpu.memory_space<hbm>>
    tpu.enqueue_indirect_dma source(%dma_start3A_18 : memref<2600000x16xf32, #tpu.memory_space<hbm>>) target(%dma_start3A_12 : memref<128x16xf32, #tpu.memory_space<vmem>>) offsets(%dma_start3A_15 : memref<128xi32, #tpu.memory_space<vmem>>) semaphore(%arg7 : memref<!tpu.dma_semaphore, #tpu.memory_space<semaphore_mem>>)
    %dma_start3A_19 = arith.constant 0 : i32
    %dma_start3A_20 = arith.constant 0 : i32
    %dma_start3A_21 = arith.constant 1 : i32
    %dma_start3A_22 = arith.constant 0 : i32
    %dma_start3A_23 = arith.constant 0 : i32
    %dma_start3A_24 = tpu.memref_slice %arg6[%dma_start3A_20, %dma_start3A_21, %dma_start3A_22, %dma_start3A_23] : memref<2x26x128x16xf32, #tpu.memory_space<vmem>> -> memref<1x1x128x16xf32, #tpu.memory_space<vmem>>
    %dma_start3A_25 = tpu.memref_squeeze %dma_start3A_24 : memref<1x1x128x16xf32, #tpu.memory_space<vmem>> -> memref<128x16xf32, #tpu.memory_space<vmem>>
    %dma_start3A_26 = arith.constant 128 : i32
    %dma_start3A_27 = tpu.memref_slice %arg5[%dma_start3A_19, %dma_start3A_26] : memref<2x3328xi32, #tpu.memory_space<vmem>> -> memref<1x128xi32, #tpu.memory_space<vmem>>
    %dma_start3A_28 = tpu.memref_squeeze %dma_start3A_27 : memref<1x128xi32, #tpu.memory_space<vmem>> -> memref<128xi32, #tpu.memory_space<vmem>>
    %dma_start3A_29 = arith.constant 0 : i32
    %dma_start3A_30 = arith.constant 0 : i32
    %dma_start3A_31 = tpu.memref_slice %arg2[%dma_start3A_29, %dma_start3A_30] : memref<2600000x16xf32, #tpu.memory_space<hbm>> -> memref<2600000x16xf32, #tpu.memory_space<hbm>>
    tpu.enqueue_indirect_dma source(%dma_start3A_31 : memref<2600000x16xf32, #tpu.memory_space<hbm>>) target(%dma_start3A_25 : memref<128x16xf32, #tpu.memory_space<vmem>>) offsets(%dma_start3A_28 : memref<128xi32, #tpu.memory_space<vmem>>) semaphore(%arg7 : memref<!tpu.dma_semaphore, #tpu.memory_space<semaphore_mem>>)
    %dma_start3A_32 = arith.constant 0 : i32
    %dma_start3A_33 = arith.constant 0 : i32
    %dma_start3A_34 = arith.constant 2 : i32
    %dma_start3A_35 = arith.constant 0 : i32
    %dma_start3A_36 = arith.constant 0 : i32
    %dma_start3A_37 = tpu.memref_slice %arg6[%dma_start3A_33, %dma_start3A_34, %dma_start3A_35, %dma_start3A_36] : memref<2x26x128x16xf32, #tpu.memory_space<vmem>> -> memref<1x1x128x16xf32, #tpu.memory_space<vmem>>
    %dma_start3A_38 = tpu.memref_squeeze %dma_start3A_37 : memref<1x1x128x16xf32, #tpu.memory_space<vmem>> -> memref<128x16xf32, #tpu.memory_space<vmem>>
    %dma_start3A_39 = arith.constant 256 : i32
    %dma_start3A_40 = tpu.memref_slice %arg5[%dma_start3A_32, %dma_start3A_39] : memref<2x3328xi32, #tpu.memory_space<vmem>> -> memref<1x128xi32, #tpu.memory_space<vmem>>
    %dma_start3A_41 = tpu.memref_squeeze %dma_start3A_40 : memref<1x128xi32, #tpu.memory_space<vmem>> -> memref<128xi32, #tpu.memory_space<vmem>>
    %dma_start3A_42 = arith.constant 0 : i32
    %dma_start3A_43 = arith.constant 0 : i32
    %dma_start3A_44 = tpu.memref_slice %arg2[%dma_start3A_42, %dma_start3A_43] : memref<2600000x16xf32, #tpu.memory_space<hbm>> -> memref<2600000x16xf32, #tpu.memory_space<hbm>>
    tpu.enqueue_indirect_dma source(%dma_start3A_44 : memref<2600000x16xf32, #tpu.memory_space<hbm>>) target(%dma_start3A_38 : memref<128x16xf32, #tpu.memory_space<vmem>>) offsets(%dma_start3A_41 : memref<128xi32, #tpu.memory_space<vmem>>) semaphore(%arg7 : memref<!tpu.dma_semaphore, #tpu.memory_space<semaphore_mem>>)
    %dma_start3A_45 = arith.constant 0 : i32
    %dma_start3A_46 = arith.constant 0 : i32
    %dma_start3A_47 = arith.constant 3 : i32
    %dma_start3A_48 = arith.constant 0 : i32
    %dma_start3A_49 = arith.constant 0 : i32
    %dma_start3A_50 = tpu.memref_slice %arg6[%dma_start3A_46, %dma_start3A_47, %dma_start3A_48, %dma_start3A_49] : memref<2x26x128x16xf32, #tpu.memory_space<vmem>> -> memref<1x1x128x16xf32, #tpu.memory_space<vmem>>
    %dma_start3A_51 = tpu.memref_squeeze %dma_start3A_50 : memref<1x1x128x16xf32, #tpu.memory_space<vmem>> -> memref<128x16xf32, #tpu.memory_space<vmem>>
    %dma_start3A_52 = arith.constant 384 : i32
    %dma_start3A_53 = tpu.memref_slice %arg5[%dma_start3A_45, %dma_start3A_52] : memref<2x3328xi32, #tpu.memory_space<vmem>> -> memref<1x128xi32, #tpu.memory_space<vmem>>
    %dma_start3A_54 = tpu.memref_squeeze %dma_start3A_53 : memref<1x128xi32, #tpu.memory_space<vmem>> -> memref<128xi32, #tpu.memory_space<vmem>>
    %dma_start3A_55 = arith.constant 0 : i32
    %dma_start3A_56 = arith.constant 0 : i32
    %dma_start3A_57 = tpu.memref_slice %arg2[%dma_start3A_55, %dma_start3A_56] : memref<2600000x16xf32, #tpu.memory_space<hbm>> -> memref<2600000x16xf32, #tpu.memory_space<hbm>>
    tpu.enqueue_indirect_dma source(%dma_start3A_57 : memref<2600000x16xf32, #tpu.memory_space<hbm>>) target(%dma_start3A_51 : memref<128x16xf32, #tpu.memory_space<vmem>>) offsets(%dma_start3A_54 : memref<128xi32, #tpu.memory_space<vmem>>) semaphore(%arg7 : memref<!tpu.dma_semaphore, #tpu.memory_space<semaphore_mem>>)
    %dma_start3A_58 = arith.constant 0 : i32
    %dma_start3A_59 = arith.constant 0 : i32
    %dma_start3A_60 = arith.constant 4 : i32
    %dma_start3A_61 = arith.constant 0 : i32
    %dma_start3A_62 = arith.constant 0 : i32
    %dma_start3A_63 = tpu.memref_slice %arg6[%dma_start3A_59, %dma_start3A_60, %dma_start3A_61, %dma_start3A_62] : memref<2x26x128x16xf32, #tpu.memory_space<vmem>> -> memref<1x1x128x16xf32, #tpu.memory_space<vmem>>
    %dma_start3A_64 = tpu.memref_squeeze %dma_start3A_63 : memref<1x1x128x16xf32, #tpu.memory_space<vmem>> -> memref<128x16xf32, #tpu.memory_space<vmem>>
    %dma_start3A_65 = arith.constant 512 : i32
    %dma_start3A_66 = tpu.memref_slice %arg5[%dma_start3A_58, %dma_start3A_65] : memref<2x3328xi32, #tpu.memory_space<vmem>> -> memref<1x128xi32, #tpu.memory_space<vmem>>
    %dma_start3A_67 = tpu.memref_squeeze %dma_start3A_66 : memref<1x128xi32, #tpu.memory_space<vmem>> -> memref<128xi32, #tpu.memory_space<vmem>>
    %dma_start3A_68 = arith.constant 0 : i32
    %dma_start3A_69 = arith.constant 0 : i32
    %dma_start3A_70 = tpu.memref_slice %arg2[%dma_start3A_68, %dma_start3A_69] : memref<2600000x16xf32, #tpu.memory_space<hbm>> -> memref<2600000x16xf32, #tpu.memory_space<hbm>>
    tpu.enqueue_indirect_dma source(%dma_start3A_70 : memref<2600000x16xf32, #tpu.memory_space<hbm>>) target(%dma_start3A_64 : memref<128x16xf32, #tpu.memory_space<vmem>>) offsets(%dma_start3A_67 : memref<128xi32, #tpu.memory_space<vmem>>) semaphore(%arg7 : memref<!tpu.dma_semaphore, #tpu.memory_space<semaphore_mem>>)
    %dma_start3A_71 = arith.constant 0 : i32
    %dma_start3A_72 = arith.constant 0 : i32
    %dma_start3A_73 = arith.constant 5 : i32
    %dma_start3A_74 = arith.constant 0 : i32
    %dma_start3A_75 = arith.constant 0 : i32
    %dma_start3A_76 = tpu.memref_slice %arg6[%dma_start3A_72, %dma_start3A_73, %dma_start3A_74, %dma_start3A_75] : memref<2x26x128x16xf32, #tpu.memory_space<vmem>> -> memref<1x1x128x16xf32, #tpu.memory_space<vmem>>
    %dma_start3A_77 = tpu.memref_squeeze %dma_start3A_76 : memref<1x1x128x16xf32, #tpu.memory_space<vmem>> -> memref<128x16xf32, #tpu.memory_space<vmem>>
    %dma_start3A_78 = arith.constant 640 : i32
    %dma_start3A_79 = tpu.memref_slice %arg5[%dma_start3A_71, %dma_start3A_78] : memref<2x3328xi32, #tpu.memory_space<vmem>> -> memref<1x128xi32, #tpu.memory_space<vmem>>
    %dma_start3A_80 = tpu.memref_squeeze %dma_start3A_79 : memref<1x128xi32, #tpu.memory_space<vmem>> -> memref<128xi32, #tpu.memory_space<vmem>>
    %dma_start3A_81 = arith.constant 0 : i32
    %dma_start3A_82 = arith.constant 0 : i32
    %dma_start3A_83 = tpu.memref_slice %arg2[%dma_start3A_81, %dma_start3A_82] : memref<2600000x16xf32, #tpu.memory_space<hbm>> -> memref<2600000x16xf32, #tpu.memory_space<hbm>>
    tpu.enqueue_indirect_dma source(%dma_start3A_83 : memref<2600000x16xf32, #tpu.memory_space<hbm>>) target(%dma_start3A_77 : memref<128x16xf32, #tpu.memory_space<vmem>>) offsets(%dma_start3A_80 : memref<128xi32, #tpu.memory_space<vmem>>) semaphore(%arg7 : memref<!tpu.dma_semaphore, #tpu.memory_space<semaphore_mem>>)
    %dma_start3A_84 = arith.constant 0 : i32
    %dma_start3A_85 = arith.constant 0 : i32
    %dma_start3A_86 = arith.constant 6 : i32
    %dma_start3A_87 = arith.constant 0 : i32
    %dma_start3A_88 = arith.constant 0 : i32
    %dma_start3A_89 = tpu.memref_slice %arg6[%dma_start3A_85, %dma_start3A_86, %dma_start3A_87, %dma_start3A_88] : memref<2x26x128x16xf32, #tpu.memory_space<vmem>> -> memref<1x1x128x16xf32, #tpu.memory_space<vmem>>
    %dma_start3A_90 = tpu.memref_squeeze %dma_start3A_89 : memref<1x1x128x16xf32, #tpu.memory_space<vmem>> -> memref<128x16xf32, #tpu.memory_space<vmem>>
    %dma_start3A_91 = arith.constant 768 : i32
    %dma_start3A_92 = tpu.memref_slice %arg5[%dma_start3A_84, %dma_start3A_91] : memref<2x3328xi32, #tpu.memory_space<vmem>> -> memref<1x128xi32, #tpu.memory_space<vmem>>
    %dma_start3A_93 = tpu.memref_squeeze %dma_start3A_92 : memref<1x128xi32, #tpu.memory_space<vmem>> -> memref<128xi32, #tpu.memory_space<vmem>>
    %dma_start3A_94 = arith.constant 0 : i32
    %dma_start3A_95 = arith.constant 0 : i32
    %dma_start3A_96 = tpu.memref_slice %arg2[%dma_start3A_94, %dma_start3A_95] : memref<2600000x16xf32, #tpu.memory_space<hbm>> -> memref<2600000x16xf32, #tpu.memory_space<hbm>>
    tpu.enqueue_indirect_dma source(%dma_start3A_96 : memref<2600000x16xf32, #tpu.memory_space<hbm>>) target(%dma_start3A_90 : memref<128x16xf32, #tpu.memory_space<vmem>>) offsets(%dma_start3A_93 : memref<128xi32, #tpu.memory_space<vmem>>) semaphore(%arg7 : memref<!tpu.dma_semaphore, #tpu.memory_space<semaphore_mem>>)
    %dma_start3A_97 = arith.constant 0 : i32
    %dma_start3A_98 = arith.constant 0 : i32
    %dma_start3A_99 = arith.constant 7 : i32
    %dma_start3A_100 = arith.constant 0 : i32
    %dma_start3A_101 = arith.constant 0 : i32
    %dma_start3A_102 = tpu.memref_slice %arg6[%dma_start3A_98, %dma_start3A_99, %dma_start3A_100, %dma_start3A_101] : memref<2x26x128x16xf32, #tpu.memory_space<vmem>> -> memref<1x1x128x16xf32, #tpu.memory_space<vmem>>
    %dma_start3A_103 = tpu.memref_squeeze %dma_start3A_102 : memref<1x1x128x16xf32, #tpu.memory_space<vmem>> -> memref<128x16xf32, #tpu.memory_space<vmem>>
    %dma_start3A_104 = arith.constant 896 : i32
    %dma_start3A_105 = tpu.memref_slice %arg5[%dma_start3A_97, %dma_start3A_104] : memref<2x3328xi32, #tpu.memory_space<vmem>> -> memref<1x128xi32, #tpu.memory_space<vmem>>
    %dma_start3A_106 = tpu.memref_squeeze %dma_start3A_105 : memref<1x128xi32, #tpu.memory_space<vmem>> -> memref<128xi32, #tpu.memory_space<vmem>>
    %dma_start3A_107 = arith.constant 0 : i32
    %dma_start3A_108 = arith.constant 0 : i32
    %dma_start3A_109 = tpu.memref_slice %arg2[%dma_start3A_107, %dma_start3A_108] : memref<2600000x16xf32, #tpu.memory_space<hbm>> -> memref<2600000x16xf32, #tpu.memory_space<hbm>>
    tpu.enqueue_indirect_dma source(%dma_start3A_109 : memref<2600000x16xf32, #tpu.memory_space<hbm>>) target(%dma_start3A_103 : memref<128x16xf32, #tpu.memory_space<vmem>>) offsets(%dma_start3A_106 : memref<128xi32, #tpu.memory_space<vmem>>) semaphore(%arg7 : memref<!tpu.dma_semaphore, #tpu.memory_space<semaphore_mem>>)
    %dma_start3A_110 = arith.constant 0 : i32
    %dma_start3A_111 = arith.constant 0 : i32
    %dma_start3A_112 = arith.constant 8 : i32
    %dma_start3A_113 = arith.constant 0 : i32
    %dma_start3A_114 = arith.constant 0 : i32
    %dma_start3A_115 = tpu.memref_slice %arg6[%dma_start3A_111, %dma_start3A_112, %dma_start3A_113, %dma_start3A_114] : memref<2x26x128x16xf32, #tpu.memory_space<vmem>> -> memref<1x1x128x16xf32, #tpu.memory_space<vmem>>
    %dma_start3A_116 = tpu.memref_squeeze %dma_start3A_115 : memref<1x1x128x16xf32, #tpu.memory_space<vmem>> -> memref<128x16xf32, #tpu.memory_space<vmem>>
    %dma_start3A_117 = arith.constant 1024 : i32
    %dma_start3A_118 = tpu.memref_slice %arg5[%dma_start3A_110, %dma_start3A_117] : memref<2x3328xi32, #tpu.memory_space<vmem>> -> memref<1x128xi32, #tpu.memory_space<vmem>>
    %dma_start3A_119 = tpu.memref_squeeze %dma_start3A_118 : memref<1x128xi32, #tpu.memory_space<vmem>> -> memref<128xi32, #tpu.memory_space<vmem>>
    %dma_start3A_120 = arith.constant 0 : i32
    %dma_start3A_121 = arith.constant 0 : i32
    %dma_start3A_122 = tpu.memref_slice %arg2[%dma_start3A_120, %dma_start3A_121] : memref<2600000x16xf32, #tpu.memory_space<hbm>> -> memref<2600000x16xf32, #tpu.memory_space<hbm>>
    tpu.enqueue_indirect_dma source(%dma_start3A_122 : memref<2600000x16xf32, #tpu.memory_space<hbm>>) target(%dma_start3A_116 : memref<128x16xf32, #tpu.memory_space<vmem>>) offsets(%dma_start3A_119 : memref<128xi32, #tpu.memory_space<vmem>>) semaphore(%arg7 : memref<!tpu.dma_semaphore, #tpu.memory_space<semaphore_mem>>)
    %dma_start3A_123 = arith.constant 0 : i32
    %dma_start3A_124 = arith.constant 0 : i32
    %dma_start3A_125 = arith.constant 9 : i32
    %dma_start3A_126 = arith.constant 0 : i32
    %dma_start3A_127 = arith.constant 0 : i32
    %dma_start3A_128 = tpu.memref_slice %arg6[%dma_start3A_124, %dma_start3A_125, %dma_start3A_126, %dma_start3A_127] : memref<2x26x128x16xf32, #tpu.memory_space<vmem>> -> memref<1x1x128x16xf32, #tpu.memory_space<vmem>>
    %dma_start3A_129 = tpu.memref_squeeze %dma_start3A_128 : memref<1x1x128x16xf32, #tpu.memory_space<vmem>> -> memref<128x16xf32, #tpu.memory_space<vmem>>
    %dma_start3A_130 = arith.constant 1152 : i32
    %dma_start3A_131 = tpu.memref_slice %arg5[%dma_start3A_123, %dma_start3A_130] : memref<2x3328xi32, #tpu.memory_space<vmem>> -> memref<1x128xi32, #tpu.memory_space<vmem>>
    %dma_start3A_132 = tpu.memref_squeeze %dma_start3A_131 : memref<1x128xi32, #tpu.memory_space<vmem>> -> memref<128xi32, #tpu.memory_space<vmem>>
    %dma_start3A_133 = arith.constant 0 : i32
    %dma_start3A_134 = arith.constant 0 : i32
    %dma_start3A_135 = tpu.memref_slice %arg2[%dma_start3A_133, %dma_start3A_134] : memref<2600000x16xf32, #tpu.memory_space<hbm>> -> memref<2600000x16xf32, #tpu.memory_space<hbm>>
    tpu.enqueue_indirect_dma source(%dma_start3A_135 : memref<2600000x16xf32, #tpu.memory_space<hbm>>) target(%dma_start3A_129 : memref<128x16xf32, #tpu.memory_space<vmem>>) offsets(%dma_start3A_132 : memref<128xi32, #tpu.memory_space<vmem>>) semaphore(%arg7 : memref<!tpu.dma_semaphore, #tpu.memory_space<semaphore_mem>>)
    %dma_start3A_136 = arith.constant 0 : i32
    %dma_start3A_137 = arith.constant 0 : i32
    %dma_start3A_138 = arith.constant 10 : i32
    %dma_start3A_139 = arith.constant 0 : i32
    %dma_start3A_140 = arith.constant 0 : i32
    %dma_start3A_141 = tpu.memref_slice %arg6[%dma_start3A_137, %dma_start3A_138, %dma_start3A_139, %dma_start3A_140] : memref<2x26x128x16xf32, #tpu.memory_space<vmem>> -> memref<1x1x128x16xf32, #tpu.memory_space<vmem>>
    %dma_start3A_142 = tpu.memref_squeeze %dma_start3A_141 : memref<1x1x128x16xf32, #tpu.memory_space<vmem>> -> memref<128x16xf32, #tpu.memory_space<vmem>>
    %dma_start3A_143 = arith.constant 1280 : i32
    %dma_start3A_144 = tpu.memref_slice %arg5[%dma_start3A_136, %dma_start3A_143] : memref<2x3328xi32, #tpu.memory_space<vmem>> -> memref<1x128xi32, #tpu.memory_space<vmem>>
    %dma_start3A_145 = tpu.memref_squeeze %dma_start3A_144 : memref<1x128xi32, #tpu.memory_space<vmem>> -> memref<128xi32, #tpu.memory_space<vmem>>
    %dma_start3A_146 = arith.constant 0 : i32
    %dma_start3A_147 = arith.constant 0 : i32
    %dma_start3A_148 = tpu.memref_slice %arg2[%dma_start3A_146, %dma_start3A_147] : memref<2600000x16xf32, #tpu.memory_space<hbm>> -> memref<2600000x16xf32, #tpu.memory_space<hbm>>
    tpu.enqueue_indirect_dma source(%dma_start3A_148 : memref<2600000x16xf32, #tpu.memory_space<hbm>>) target(%dma_start3A_142 : memref<128x16xf32, #tpu.memory_space<vmem>>) offsets(%dma_start3A_145 : memref<128xi32, #tpu.memory_space<vmem>>) semaphore(%arg7 : memref<!tpu.dma_semaphore, #tpu.memory_space<semaphore_mem>>)
    %dma_start3A_149 = arith.constant 0 : i32
    %dma_start3A_150 = arith.constant 0 : i32
    %dma_start3A_151 = arith.constant 11 : i32
    %dma_start3A_152 = arith.constant 0 : i32
    %dma_start3A_153 = arith.constant 0 : i32
    %dma_start3A_154 = tpu.memref_slice %arg6[%dma_start3A_150, %dma_start3A_151, %dma_start3A_152, %dma_start3A_153] : memref<2x26x128x16xf32, #tpu.memory_space<vmem>> -> memref<1x1x128x16xf32, #tpu.memory_space<vmem>>
    %dma_start3A_155 = tpu.memref_squeeze %dma_start3A_154 : memref<1x1x128x16xf32, #tpu.memory_space<vmem>> -> memref<128x16xf32, #tpu.memory_space<vmem>>
    %dma_start3A_156 = arith.constant 1408 : i32
    %dma_start3A_157 = tpu.memref_slice %arg5[%dma_start3A_149, %dma_start3A_156] : memref<2x3328xi32, #tpu.memory_space<vmem>> -> memref<1x128xi32, #tpu.memory_space<vmem>>
    %dma_start3A_158 = tpu.memref_squeeze %dma_start3A_157 : memref<1x128xi32, #tpu.memory_space<vmem>> -> memref<128xi32, #tpu.memory_space<vmem>>
    %dma_start3A_159 = arith.constant 0 : i32
    %dma_start3A_160 = arith.constant 0 : i32
    %dma_start3A_161 = tpu.memref_slice %arg2[%dma_start3A_159, %dma_start3A_160] : memref<2600000x16xf32, #tpu.memory_space<hbm>> -> memref<2600000x16xf32, #tpu.memory_space<hbm>>
    tpu.enqueue_indirect_dma source(%dma_start3A_161 : memref<2600000x16xf32, #tpu.memory_space<hbm>>) target(%dma_start3A_155 : memref<128x16xf32, #tpu.memory_space<vmem>>) offsets(%dma_start3A_158 : memref<128xi32, #tpu.memory_space<vmem>>) semaphore(%arg7 : memref<!tpu.dma_semaphore, #tpu.memory_space<semaphore_mem>>)
    %dma_start3A_162 = arith.constant 0 : i32
    %dma_start3A_163 = arith.constant 0 : i32
    %dma_start3A_164 = arith.constant 12 : i32
    %dma_start3A_165 = arith.constant 0 : i32
    %dma_start3A_166 = arith.constant 0 : i32
    %dma_start3A_167 = tpu.memref_slice %arg6[%dma_start3A_163, %dma_start3A_164, %dma_start3A_165, %dma_start3A_166] : memref<2x26x128x16xf32, #tpu.memory_space<vmem>> -> memref<1x1x128x16xf32, #tpu.memory_space<vmem>>
    %dma_start3A_168 = tpu.memref_squeeze %dma_start3A_167 : memref<1x1x128x16xf32, #tpu.memory_space<vmem>> -> memref<128x16xf32, #tpu.memory_space<vmem>>
    %dma_start3A_169 = arith.constant 1536 : i32
    %dma_start3A_170 = tpu.memref_slice %arg5[%dma_start3A_162, %dma_start3A_169] : memref<2x3328xi32, #tpu.memory_space<vmem>> -> memref<1x128xi32, #tpu.memory_space<vmem>>
    %dma_start3A_171 = tpu.memref_squeeze %dma_start3A_170 : memref<1x128xi32, #tpu.memory_space<vmem>> -> memref<128xi32, #tpu.memory_space<vmem>>
    %dma_start3A_172 = arith.constant 0 : i32
    %dma_start3A_173 = arith.constant 0 : i32
    %dma_start3A_174 = tpu.memref_slice %arg2[%dma_start3A_172, %dma_start3A_173] : memref<2600000x16xf32, #tpu.memory_space<hbm>> -> memref<2600000x16xf32, #tpu.memory_space<hbm>>
    tpu.enqueue_indirect_dma source(%dma_start3A_174 : memref<2600000x16xf32, #tpu.memory_space<hbm>>) target(%dma_start3A_168 : memref<128x16xf32, #tpu.memory_space<vmem>>) offsets(%dma_start3A_171 : memref<128xi32, #tpu.memory_space<vmem>>) semaphore(%arg7 : memref<!tpu.dma_semaphore, #tpu.memory_space<semaphore_mem>>)
    %dma_start3A_175 = arith.constant 0 : i32
    %dma_start3A_176 = arith.constant 0 : i32
    %dma_start3A_177 = arith.constant 13 : i32
    %dma_start3A_178 = arith.constant 0 : i32
    %dma_start3A_179 = arith.constant 0 : i32
    %dma_start3A_180 = tpu.memref_slice %arg6[%dma_start3A_176, %dma_start3A_177, %dma_start3A_178, %dma_start3A_179] : memref<2x26x128x16xf32, #tpu.memory_space<vmem>> -> memref<1x1x128x16xf32, #tpu.memory_space<vmem>>
    %dma_start3A_181 = tpu.memref_squeeze %dma_start3A_180 : memref<1x1x128x16xf32, #tpu.memory_space<vmem>> -> memref<128x16xf32, #tpu.memory_space<vmem>>
    %dma_start3A_182 = arith.constant 1664 : i32
    %dma_start3A_183 = tpu.memref_slice %arg5[%dma_start3A_175, %dma_start3A_182] : memref<2x3328xi32, #tpu.memory_space<vmem>> -> memref<1x128xi32, #tpu.memory_space<vmem>>
    %dma_start3A_184 = tpu.memref_squeeze %dma_start3A_183 : memref<1x128xi32, #tpu.memory_space<vmem>> -> memref<128xi32, #tpu.memory_space<vmem>>
    %dma_start3A_185 = arith.constant 0 : i32
    %dma_start3A_186 = arith.constant 0 : i32
    %dma_start3A_187 = tpu.memref_slice %arg2[%dma_start3A_185, %dma_start3A_186] : memref<2600000x16xf32, #tpu.memory_space<hbm>> -> memref<2600000x16xf32, #tpu.memory_space<hbm>>
    tpu.enqueue_indirect_dma source(%dma_start3A_187 : memref<2600000x16xf32, #tpu.memory_space<hbm>>) target(%dma_start3A_181 : memref<128x16xf32, #tpu.memory_space<vmem>>) offsets(%dma_start3A_184 : memref<128xi32, #tpu.memory_space<vmem>>) semaphore(%arg7 : memref<!tpu.dma_semaphore, #tpu.memory_space<semaphore_mem>>)
    %dma_start3A_188 = arith.constant 0 : i32
    %dma_start3A_189 = arith.constant 0 : i32
    %dma_start3A_190 = arith.constant 14 : i32
    %dma_start3A_191 = arith.constant 0 : i32
    %dma_start3A_192 = arith.constant 0 : i32
    %dma_start3A_193 = tpu.memref_slice %arg6[%dma_start3A_189, %dma_start3A_190, %dma_start3A_191, %dma_start3A_192] : memref<2x26x128x16xf32, #tpu.memory_space<vmem>> -> memref<1x1x128x16xf32, #tpu.memory_space<vmem>>
    %dma_start3A_194 = tpu.memref_squeeze %dma_start3A_193 : memref<1x1x128x16xf32, #tpu.memory_space<vmem>> -> memref<128x16xf32, #tpu.memory_space<vmem>>
    %dma_start3A_195 = arith.constant 1792 : i32
    %dma_start3A_196 = tpu.memref_slice %arg5[%dma_start3A_188, %dma_start3A_195] : memref<2x3328xi32, #tpu.memory_space<vmem>> -> memref<1x128xi32, #tpu.memory_space<vmem>>
    %dma_start3A_197 = tpu.memref_squeeze %dma_start3A_196 : memref<1x128xi32, #tpu.memory_space<vmem>> -> memref<128xi32, #tpu.memory_space<vmem>>
    %dma_start3A_198 = arith.constant 0 : i32
    %dma_start3A_199 = arith.constant 0 : i32
    %dma_start3A_200 = tpu.memref_slice %arg2[%dma_start3A_198, %dma_start3A_199] : memref<2600000x16xf32, #tpu.memory_space<hbm>> -> memref<2600000x16xf32, #tpu.memory_space<hbm>>
    tpu.enqueue_indirect_dma source(%dma_start3A_200 : memref<2600000x16xf32, #tpu.memory_space<hbm>>) target(%dma_start3A_194 : memref<128x16xf32, #tpu.memory_space<vmem>>) offsets(%dma_start3A_197 : memref<128xi32, #tpu.memory_space<vmem>>) semaphore(%arg7 : memref<!tpu.dma_semaphore, #tpu.memory_space<semaphore_mem>>)
    %dma_start3A_201 = arith.constant 0 : i32
    %dma_start3A_202 = arith.constant 0 : i32
    %dma_start3A_203 = arith.constant 15 : i32
    %dma_start3A_204 = arith.constant 0 : i32
    %dma_start3A_205 = arith.constant 0 : i32
    %dma_start3A_206 = tpu.memref_slice %arg6[%dma_start3A_202, %dma_start3A_203, %dma_start3A_204, %dma_start3A_205] : memref<2x26x128x16xf32, #tpu.memory_space<vmem>> -> memref<1x1x128x16xf32, #tpu.memory_space<vmem>>
    %dma_start3A_207 = tpu.memref_squeeze %dma_start3A_206 : memref<1x1x128x16xf32, #tpu.memory_space<vmem>> -> memref<128x16xf32, #tpu.memory_space<vmem>>
    %dma_start3A_208 = arith.constant 1920 : i32
    %dma_start3A_209 = tpu.memref_slice %arg5[%dma_start3A_201, %dma_start3A_208] : memref<2x3328xi32, #tpu.memory_space<vmem>> -> memref<1x128xi32, #tpu.memory_space<vmem>>
    %dma_start3A_210 = tpu.memref_squeeze %dma_start3A_209 : memref<1x128xi32, #tpu.memory_space<vmem>> -> memref<128xi32, #tpu.memory_space<vmem>>
    %dma_start3A_211 = arith.constant 0 : i32
    %dma_start3A_212 = arith.constant 0 : i32
    %dma_start3A_213 = tpu.memref_slice %arg2[%dma_start3A_211, %dma_start3A_212] : memref<2600000x16xf32, #tpu.memory_space<hbm>> -> memref<2600000x16xf32, #tpu.memory_space<hbm>>
    tpu.enqueue_indirect_dma source(%dma_start3A_213 : memref<2600000x16xf32, #tpu.memory_space<hbm>>) target(%dma_start3A_207 : memref<128x16xf32, #tpu.memory_space<vmem>>) offsets(%dma_start3A_210 : memref<128xi32, #tpu.memory_space<vmem>>) semaphore(%arg7 : memref<!tpu.dma_semaphore, #tpu.memory_space<semaphore_mem>>)
    %dma_start3A_214 = arith.constant 0 : i32
    %dma_start3A_215 = arith.constant 0 : i32
    %dma_start3A_216 = arith.constant 16 : i32
    %dma_start3A_217 = arith.constant 0 : i32
    %dma_start3A_218 = arith.constant 0 : i32
    %dma_start3A_219 = tpu.memref_slice %arg6[%dma_start3A_215, %dma_start3A_216, %dma_start3A_217, %dma_start3A_218] : memref<2x26x128x16xf32, #tpu.memory_space<vmem>> -> memref<1x1x128x16xf32, #tpu.memory_space<vmem>>
    %dma_start3A_220 = tpu.memref_squeeze %dma_start3A_219 : memref<1x1x128x16xf32, #tpu.memory_space<vmem>> -> memref<128x16xf32, #tpu.memory_space<vmem>>
    %dma_start3A_221 = arith.constant 2048 : i32
    %dma_start3A_222 = tpu.memref_slice %arg5[%dma_start3A_214, %dma_start3A_221] : memref<2x3328xi32, #tpu.memory_space<vmem>> -> memref<1x128xi32, #tpu.memory_space<vmem>>
    %dma_start3A_223 = tpu.memref_squeeze %dma_start3A_222 : memref<1x128xi32, #tpu.memory_space<vmem>> -> memref<128xi32, #tpu.memory_space<vmem>>
    %dma_start3A_224 = arith.constant 0 : i32
    %dma_start3A_225 = arith.constant 0 : i32
    %dma_start3A_226 = tpu.memref_slice %arg2[%dma_start3A_224, %dma_start3A_225] : memref<2600000x16xf32, #tpu.memory_space<hbm>> -> memref<2600000x16xf32, #tpu.memory_space<hbm>>
    tpu.enqueue_indirect_dma source(%dma_start3A_226 : memref<2600000x16xf32, #tpu.memory_space<hbm>>) target(%dma_start3A_220 : memref<128x16xf32, #tpu.memory_space<vmem>>) offsets(%dma_start3A_223 : memref<128xi32, #tpu.memory_space<vmem>>) semaphore(%arg7 : memref<!tpu.dma_semaphore, #tpu.memory_space<semaphore_mem>>)
    %dma_start3A_227 = arith.constant 0 : i32
    %dma_start3A_228 = arith.constant 0 : i32
    %dma_start3A_229 = arith.constant 17 : i32
    %dma_start3A_230 = arith.constant 0 : i32
    %dma_start3A_231 = arith.constant 0 : i32
    %dma_start3A_232 = tpu.memref_slice %arg6[%dma_start3A_228, %dma_start3A_229, %dma_start3A_230, %dma_start3A_231] : memref<2x26x128x16xf32, #tpu.memory_space<vmem>> -> memref<1x1x128x16xf32, #tpu.memory_space<vmem>>
    %dma_start3A_233 = tpu.memref_squeeze %dma_start3A_232 : memref<1x1x128x16xf32, #tpu.memory_space<vmem>> -> memref<128x16xf32, #tpu.memory_space<vmem>>
    %dma_start3A_234 = arith.constant 2176 : i32
    %dma_start3A_235 = tpu.memref_slice %arg5[%dma_start3A_227, %dma_start3A_234] : memref<2x3328xi32, #tpu.memory_space<vmem>> -> memref<1x128xi32, #tpu.memory_space<vmem>>
    %dma_start3A_236 = tpu.memref_squeeze %dma_start3A_235 : memref<1x128xi32, #tpu.memory_space<vmem>> -> memref<128xi32, #tpu.memory_space<vmem>>
    %dma_start3A_237 = arith.constant 0 : i32
    %dma_start3A_238 = arith.constant 0 : i32
    %dma_start3A_239 = tpu.memref_slice %arg2[%dma_start3A_237, %dma_start3A_238] : memref<2600000x16xf32, #tpu.memory_space<hbm>> -> memref<2600000x16xf32, #tpu.memory_space<hbm>>
    tpu.enqueue_indirect_dma source(%dma_start3A_239 : memref<2600000x16xf32, #tpu.memory_space<hbm>>) target(%dma_start3A_233 : memref<128x16xf32, #tpu.memory_space<vmem>>) offsets(%dma_start3A_236 : memref<128xi32, #tpu.memory_space<vmem>>) semaphore(%arg7 : memref<!tpu.dma_semaphore, #tpu.memory_space<semaphore_mem>>)
    %dma_start3A_240 = arith.constant 0 : i32
    %dma_start3A_241 = arith.constant 0 : i32
    %dma_start3A_242 = arith.constant 18 : i32
    %dma_start3A_243 = arith.constant 0 : i32
    %dma_start3A_244 = arith.constant 0 : i32
    %dma_start3A_245 = tpu.memref_slice %arg6[%dma_start3A_241, %dma_start3A_242, %dma_start3A_243, %dma_start3A_244] : memref<2x26x128x16xf32, #tpu.memory_space<vmem>> -> memref<1x1x128x16xf32, #tpu.memory_space<vmem>>
    %dma_start3A_246 = tpu.memref_squeeze %dma_start3A_245 : memref<1x1x128x16xf32, #tpu.memory_space<vmem>> -> memref<128x16xf32, #tpu.memory_space<vmem>>
    %dma_start3A_247 = arith.constant 2304 : i32
    %dma_start3A_248 = tpu.memref_slice %arg5[%dma_start3A_240, %dma_start3A_247] : memref<2x3328xi32, #tpu.memory_space<vmem>> -> memref<1x128xi32, #tpu.memory_space<vmem>>
    %dma_start3A_249 = tpu.memref_squeeze %dma_start3A_248 : memref<1x128xi32, #tpu.memory_space<vmem>> -> memref<128xi32, #tpu.memory_space<vmem>>
    %dma_start3A_250 = arith.constant 0 : i32
    %dma_start3A_251 = arith.constant 0 : i32
    %dma_start3A_252 = tpu.memref_slice %arg2[%dma_start3A_250, %dma_start3A_251] : memref<2600000x16xf32, #tpu.memory_space<hbm>> -> memref<2600000x16xf32, #tpu.memory_space<hbm>>
    tpu.enqueue_indirect_dma source(%dma_start3A_252 : memref<2600000x16xf32, #tpu.memory_space<hbm>>) target(%dma_start3A_246 : memref<128x16xf32, #tpu.memory_space<vmem>>) offsets(%dma_start3A_249 : memref<128xi32, #tpu.memory_space<vmem>>) semaphore(%arg7 : memref<!tpu.dma_semaphore, #tpu.memory_space<semaphore_mem>>)
    %dma_start3A_253 = arith.constant 0 : i32
    %dma_start3A_254 = arith.constant 0 : i32
    %dma_start3A_255 = arith.constant 19 : i32
    %dma_start3A_256 = arith.constant 0 : i32
    %dma_start3A_257 = arith.constant 0 : i32
    %dma_start3A_258 = tpu.memref_slice %arg6[%dma_start3A_254, %dma_start3A_255, %dma_start3A_256, %dma_start3A_257] : memref<2x26x128x16xf32, #tpu.memory_space<vmem>> -> memref<1x1x128x16xf32, #tpu.memory_space<vmem>>
    %dma_start3A_259 = tpu.memref_squeeze %dma_start3A_258 : memref<1x1x128x16xf32, #tpu.memory_space<vmem>> -> memref<128x16xf32, #tpu.memory_space<vmem>>
    %dma_start3A_260 = arith.constant 2432 : i32
    %dma_start3A_261 = tpu.memref_slice %arg5[%dma_start3A_253, %dma_start3A_260] : memref<2x3328xi32, #tpu.memory_space<vmem>> -> memref<1x128xi32, #tpu.memory_space<vmem>>
    %dma_start3A_262 = tpu.memref_squeeze %dma_start3A_261 : memref<1x128xi32, #tpu.memory_space<vmem>> -> memref<128xi32, #tpu.memory_space<vmem>>
    %dma_start3A_263 = arith.constant 0 : i32
    %dma_start3A_264 = arith.constant 0 : i32
    %dma_start3A_265 = tpu.memref_slice %arg2[%dma_start3A_263, %dma_start3A_264] : memref<2600000x16xf32, #tpu.memory_space<hbm>> -> memref<2600000x16xf32, #tpu.memory_space<hbm>>
    tpu.enqueue_indirect_dma source(%dma_start3A_265 : memref<2600000x16xf32, #tpu.memory_space<hbm>>) target(%dma_start3A_259 : memref<128x16xf32, #tpu.memory_space<vmem>>) offsets(%dma_start3A_262 : memref<128xi32, #tpu.memory_space<vmem>>) semaphore(%arg7 : memref<!tpu.dma_semaphore, #tpu.memory_space<semaphore_mem>>)
    %dma_start3A_266 = arith.constant 0 : i32
    %dma_start3A_267 = arith.constant 0 : i32
    %dma_start3A_268 = arith.constant 20 : i32
    %dma_start3A_269 = arith.constant 0 : i32
    %dma_start3A_270 = arith.constant 0 : i32
    %dma_start3A_271 = tpu.memref_slice %arg6[%dma_start3A_267, %dma_start3A_268, %dma_start3A_269, %dma_start3A_270] : memref<2x26x128x16xf32, #tpu.memory_space<vmem>> -> memref<1x1x128x16xf32, #tpu.memory_space<vmem>>
    %dma_start3A_272 = tpu.memref_squeeze %dma_start3A_271 : memref<1x1x128x16xf32, #tpu.memory_space<vmem>> -> memref<128x16xf32, #tpu.memory_space<vmem>>
    %dma_start3A_273 = arith.constant 2560 : i32
    %dma_start3A_274 = tpu.memref_slice %arg5[%dma_start3A_266, %dma_start3A_273] : memref<2x3328xi32, #tpu.memory_space<vmem>> -> memref<1x128xi32, #tpu.memory_space<vmem>>
    %dma_start3A_275 = tpu.memref_squeeze %dma_start3A_274 : memref<1x128xi32, #tpu.memory_space<vmem>> -> memref<128xi32, #tpu.memory_space<vmem>>
    %dma_start3A_276 = arith.constant 0 : i32
    %dma_start3A_277 = arith.constant 0 : i32
    %dma_start3A_278 = tpu.memref_slice %arg2[%dma_start3A_276, %dma_start3A_277] : memref<2600000x16xf32, #tpu.memory_space<hbm>> -> memref<2600000x16xf32, #tpu.memory_space<hbm>>
    tpu.enqueue_indirect_dma source(%dma_start3A_278 : memref<2600000x16xf32, #tpu.memory_space<hbm>>) target(%dma_start3A_272 : memref<128x16xf32, #tpu.memory_space<vmem>>) offsets(%dma_start3A_275 : memref<128xi32, #tpu.memory_space<vmem>>) semaphore(%arg7 : memref<!tpu.dma_semaphore, #tpu.memory_space<semaphore_mem>>)
    %dma_start3A_279 = arith.constant 0 : i32
    %dma_start3A_280 = arith.constant 0 : i32
    %dma_start3A_281 = arith.constant 21 : i32
    %dma_start3A_282 = arith.constant 0 : i32
    %dma_start3A_283 = arith.constant 0 : i32
    %dma_start3A_284 = tpu.memref_slice %arg6[%dma_start3A_280, %dma_start3A_281, %dma_start3A_282, %dma_start3A_283] : memref<2x26x128x16xf32, #tpu.memory_space<vmem>> -> memref<1x1x128x16xf32, #tpu.memory_space<vmem>>
    %dma_start3A_285 = tpu.memref_squeeze %dma_start3A_284 : memref<1x1x128x16xf32, #tpu.memory_space<vmem>> -> memref<128x16xf32, #tpu.memory_space<vmem>>
    %dma_start3A_286 = arith.constant 2688 : i32
    %dma_start3A_287 = tpu.memref_slice %arg5[%dma_start3A_279, %dma_start3A_286] : memref<2x3328xi32, #tpu.memory_space<vmem>> -> memref<1x128xi32, #tpu.memory_space<vmem>>
    %dma_start3A_288 = tpu.memref_squeeze %dma_start3A_287 : memref<1x128xi32, #tpu.memory_space<vmem>> -> memref<128xi32, #tpu.memory_space<vmem>>
    %dma_start3A_289 = arith.constant 0 : i32
    %dma_start3A_290 = arith.constant 0 : i32
    %dma_start3A_291 = tpu.memref_slice %arg2[%dma_start3A_289, %dma_start3A_290] : memref<2600000x16xf32, #tpu.memory_space<hbm>> -> memref<2600000x16xf32, #tpu.memory_space<hbm>>
    tpu.enqueue_indirect_dma source(%dma_start3A_291 : memref<2600000x16xf32, #tpu.memory_space<hbm>>) target(%dma_start3A_285 : memref<128x16xf32, #tpu.memory_space<vmem>>) offsets(%dma_start3A_288 : memref<128xi32, #tpu.memory_space<vmem>>) semaphore(%arg7 : memref<!tpu.dma_semaphore, #tpu.memory_space<semaphore_mem>>)
    %dma_start3A_292 = arith.constant 0 : i32
    %dma_start3A_293 = arith.constant 0 : i32
    %dma_start3A_294 = arith.constant 22 : i32
    %dma_start3A_295 = arith.constant 0 : i32
    %dma_start3A_296 = arith.constant 0 : i32
    %dma_start3A_297 = tpu.memref_slice %arg6[%dma_start3A_293, %dma_start3A_294, %dma_start3A_295, %dma_start3A_296] : memref<2x26x128x16xf32, #tpu.memory_space<vmem>> -> memref<1x1x128x16xf32, #tpu.memory_space<vmem>>
    %dma_start3A_298 = tpu.memref_squeeze %dma_start3A_297 : memref<1x1x128x16xf32, #tpu.memory_space<vmem>> -> memref<128x16xf32, #tpu.memory_space<vmem>>
    %dma_start3A_299 = arith.constant 2816 : i32
    %dma_start3A_300 = tpu.memref_slice %arg5[%dma_start3A_292, %dma_start3A_299] : memref<2x3328xi32, #tpu.memory_space<vmem>> -> memref<1x128xi32, #tpu.memory_space<vmem>>
    %dma_start3A_301 = tpu.memref_squeeze %dma_start3A_300 : memref<1x128xi32, #tpu.memory_space<vmem>> -> memref<128xi32, #tpu.memory_space<vmem>>
    %dma_start3A_302 = arith.constant 0 : i32
    %dma_start3A_303 = arith.constant 0 : i32
    %dma_start3A_304 = tpu.memref_slice %arg2[%dma_start3A_302, %dma_start3A_303] : memref<2600000x16xf32, #tpu.memory_space<hbm>> -> memref<2600000x16xf32, #tpu.memory_space<hbm>>
    tpu.enqueue_indirect_dma source(%dma_start3A_304 : memref<2600000x16xf32, #tpu.memory_space<hbm>>) target(%dma_start3A_298 : memref<128x16xf32, #tpu.memory_space<vmem>>) offsets(%dma_start3A_301 : memref<128xi32, #tpu.memory_space<vmem>>) semaphore(%arg7 : memref<!tpu.dma_semaphore, #tpu.memory_space<semaphore_mem>>)
    %dma_start3A_305 = arith.constant 0 : i32
    %dma_start3A_306 = arith.constant 0 : i32
    %dma_start3A_307 = arith.constant 23 : i32
    %dma_start3A_308 = arith.constant 0 : i32
    %dma_start3A_309 = arith.constant 0 : i32
    %dma_start3A_310 = tpu.memref_slice %arg6[%dma_start3A_306, %dma_start3A_307, %dma_start3A_308, %dma_start3A_309] : memref<2x26x128x16xf32, #tpu.memory_space<vmem>> -> memref<1x1x128x16xf32, #tpu.memory_space<vmem>>
    %dma_start3A_311 = tpu.memref_squeeze %dma_start3A_310 : memref<1x1x128x16xf32, #tpu.memory_space<vmem>> -> memref<128x16xf32, #tpu.memory_space<vmem>>
    %dma_start3A_312 = arith.constant 2944 : i32
    %dma_start3A_313 = tpu.memref_slice %arg5[%dma_start3A_305, %dma_start3A_312] : memref<2x3328xi32, #tpu.memory_space<vmem>> -> memref<1x128xi32, #tpu.memory_space<vmem>>
    %dma_start3A_314 = tpu.memref_squeeze %dma_start3A_313 : memref<1x128xi32, #tpu.memory_space<vmem>> -> memref<128xi32, #tpu.memory_space<vmem>>
    %dma_start3A_315 = arith.constant 0 : i32
    %dma_start3A_316 = arith.constant 0 : i32
    %dma_start3A_317 = tpu.memref_slice %arg2[%dma_start3A_315, %dma_start3A_316] : memref<2600000x16xf32, #tpu.memory_space<hbm>> -> memref<2600000x16xf32, #tpu.memory_space<hbm>>
    tpu.enqueue_indirect_dma source(%dma_start3A_317 : memref<2600000x16xf32, #tpu.memory_space<hbm>>) target(%dma_start3A_311 : memref<128x16xf32, #tpu.memory_space<vmem>>) offsets(%dma_start3A_314 : memref<128xi32, #tpu.memory_space<vmem>>) semaphore(%arg7 : memref<!tpu.dma_semaphore, #tpu.memory_space<semaphore_mem>>)
    %dma_start3A_318 = arith.constant 0 : i32
    %dma_start3A_319 = arith.constant 0 : i32
    %dma_start3A_320 = arith.constant 24 : i32
    %dma_start3A_321 = arith.constant 0 : i32
    %dma_start3A_322 = arith.constant 0 : i32
    %dma_start3A_323 = tpu.memref_slice %arg6[%dma_start3A_319, %dma_start3A_320, %dma_start3A_321, %dma_start3A_322] : memref<2x26x128x16xf32, #tpu.memory_space<vmem>> -> memref<1x1x128x16xf32, #tpu.memory_space<vmem>>
    %dma_start3A_324 = tpu.memref_squeeze %dma_start3A_323 : memref<1x1x128x16xf32, #tpu.memory_space<vmem>> -> memref<128x16xf32, #tpu.memory_space<vmem>>
    %dma_start3A_325 = arith.constant 3072 : i32
    %dma_start3A_326 = tpu.memref_slice %arg5[%dma_start3A_318, %dma_start3A_325] : memref<2x3328xi32, #tpu.memory_space<vmem>> -> memref<1x128xi32, #tpu.memory_space<vmem>>
    %dma_start3A_327 = tpu.memref_squeeze %dma_start3A_326 : memref<1x128xi32, #tpu.memory_space<vmem>> -> memref<128xi32, #tpu.memory_space<vmem>>
    %dma_start3A_328 = arith.constant 0 : i32
    %dma_start3A_329 = arith.constant 0 : i32
    %dma_start3A_330 = tpu.memref_slice %arg2[%dma_start3A_328, %dma_start3A_329] : memref<2600000x16xf32, #tpu.memory_space<hbm>> -> memref<2600000x16xf32, #tpu.memory_space<hbm>>
    tpu.enqueue_indirect_dma source(%dma_start3A_330 : memref<2600000x16xf32, #tpu.memory_space<hbm>>) target(%dma_start3A_324 : memref<128x16xf32, #tpu.memory_space<vmem>>) offsets(%dma_start3A_327 : memref<128xi32, #tpu.memory_space<vmem>>) semaphore(%arg7 : memref<!tpu.dma_semaphore, #tpu.memory_space<semaphore_mem>>)
    %dma_start3A_331 = arith.constant 0 : i32
    %dma_start3A_332 = arith.constant 0 : i32
    %dma_start3A_333 = arith.constant 25 : i32
    %dma_start3A_334 = arith.constant 0 : i32
    %dma_start3A_335 = arith.constant 0 : i32
    %dma_start3A_336 = tpu.memref_slice %arg6[%dma_start3A_332, %dma_start3A_333, %dma_start3A_334, %dma_start3A_335] : memref<2x26x128x16xf32, #tpu.memory_space<vmem>> -> memref<1x1x128x16xf32, #tpu.memory_space<vmem>>
    %dma_start3A_337 = tpu.memref_squeeze %dma_start3A_336 : memref<1x1x128x16xf32, #tpu.memory_space<vmem>> -> memref<128x16xf32, #tpu.memory_space<vmem>>
    %dma_start3A_338 = arith.constant 3200 : i32
    %dma_start3A_339 = tpu.memref_slice %arg5[%dma_start3A_331, %dma_start3A_338] : memref<2x3328xi32, #tpu.memory_space<vmem>> -> memref<1x128xi32, #tpu.memory_space<vmem>>
    %dma_start3A_340 = tpu.memref_squeeze %dma_start3A_339 : memref<1x128xi32, #tpu.memory_space<vmem>> -> memref<128xi32, #tpu.memory_space<vmem>>
    %dma_start3A_341 = arith.constant 0 : i32
    %dma_start3A_342 = arith.constant 0 : i32
    %dma_start3A_343 = tpu.memref_slice %arg2[%dma_start3A_341, %dma_start3A_342] : memref<2600000x16xf32, #tpu.memory_space<hbm>> -> memref<2600000x16xf32, #tpu.memory_space<hbm>>
    tpu.enqueue_indirect_dma source(%dma_start3A_343 : memref<2600000x16xf32, #tpu.memory_space<hbm>>) target(%dma_start3A_337 : memref<128x16xf32, #tpu.memory_space<vmem>>) offsets(%dma_start3A_340 : memref<128xi32, #tpu.memory_space<vmem>>) semaphore(%arg7 : memref<!tpu.dma_semaphore, #tpu.memory_space<semaphore_mem>>)
    %scan3A = arith.constant 0 : i32
    %scan3A_344 = arith.constant 0 : i32
    %scan3A_345 = arith.constant 25 : i32
    %scan3A_346 = arith.addi %scan3A_344, %scan3A_345 : i32
    %scan3A_347 = arith.constant 1 : i32
    scf.for %scan3A_349 = %scan3A_344 to %scan3A_346 step %scan3A_347  : i32 {
      %mul3A_350 = arith.constant 2 : i32
      %mul3A_351 = arith.muli %scan3A_349, %mul3A_350 : i32
      %add3A_352 = arith.constant 1 : i32
      %add3A_353 = arith.addi %mul3A_351, %add3A_352 : i32
      %mul3A_354 = arith.constant 26 : i32
      %mul3A_355 = arith.muli %add3A_353, %mul3A_354 : i32
      %add3A_356 = arith.addi %mul3A_2, %mul3A_355 : i32
      %mul3A_357 = arith.constant 128 : i32
      %mul3A_358 = arith.muli %add3A_356, %mul3A_357 : i32
      %run_scoped3A_359 = arith.constant 1 : i32
      "tpu.region"() ({
        %run_scoped3A_1385 = tpu.sem_alloc : memref<!tpu.dma_semaphore, #tpu.memory_space<semaphore_mem>>
        %dma_start3A_1386 = arith.constant 0 : i32
        %dma_start3A_1387 = tpu.memref_slice %arg5[%run_scoped3A_359, %dma_start3A_1386] : memref<2x3328xi32, #tpu.memory_space<vmem>> -> memref<1x3328xi32, #tpu.memory_space<vmem>>
        %dma_start3A_1388 = tpu.memref_squeeze %dma_start3A_1387 : memref<1x3328xi32, #tpu.memory_space<vmem>> -> memref<3328xi32, #tpu.memory_space<vmem>>
        %dma_start3A_1389 = tpu.memref_slice %arg3[%mul3A_358] : memref<5324800xi32, #tpu.memory_space<hbm>> -> memref<3328xi32, #tpu.memory_space<hbm>>
        %dma_start3A_1390 = arith.constant 0 : i32
        %dma_start3A_1391 = tpu.memref_slice %arg5[%run_scoped3A_359, %dma_start3A_1390] : memref<2x3328xi32, #tpu.memory_space<vmem>> -> memref<1x3328xi32, #tpu.memory_space<vmem>>
        %dma_start3A_1392 = tpu.memref_squeeze %dma_start3A_1391 : memref<1x3328xi32, #tpu.memory_space<vmem>> -> memref<3328xi32, #tpu.memory_space<vmem>>
        %dma_start3A_1393 = tpu.memref_slice %arg3[%mul3A_358] : memref<5324800xi32, #tpu.memory_space<hbm>> -> memref<3328xi32, #tpu.memory_space<hbm>>
        tpu.enqueue_dma source(%dma_start3A_1393 : memref<3328xi32, #tpu.memory_space<hbm>>) target(%dma_start3A_1392 : memref<3328xi32, #tpu.memory_space<vmem>>) target_semaphore(%run_scoped3A_1385 : memref<!tpu.dma_semaphore, #tpu.memory_space<semaphore_mem>>)
        %dma_wait3A_1394 = arith.constant 0 : i32
        %dma_wait3A_1395 = tpu.memref_slice %arg5[%run_scoped3A_359, %dma_wait3A_1394] : memref<2x3328xi32, #tpu.memory_space<vmem>> -> memref<1x3328xi32, #tpu.memory_space<vmem>>
        %dma_wait3A_1396 = tpu.memref_squeeze %dma_wait3A_1395 : memref<1x3328xi32, #tpu.memory_space<vmem>> -> memref<3328xi32, #tpu.memory_space<vmem>>
        %dma_wait3A_1397 = tpu.memref_slice %arg3[%mul3A_358] : memref<5324800xi32, #tpu.memory_space<hbm>> -> memref<3328xi32, #tpu.memory_space<hbm>>
        %dma_wait3A_1398 = arith.constant 0 : i32
        %dma_wait3A_1399 = tpu.memref_slice %arg5[%run_scoped3A_359, %dma_wait3A_1398] : memref<2x3328xi32, #tpu.memory_space<vmem>> -> memref<1x3328xi32, #tpu.memory_space<vmem>>
        %dma_wait3A_1400 = tpu.memref_squeeze %dma_wait3A_1399 : memref<1x3328xi32, #tpu.memory_space<vmem>> -> memref<3328xi32, #tpu.memory_space<vmem>>
        %dma_wait3A_1401 = tpu.memref_slice %arg3[%mul3A_358] : memref<5324800xi32, #tpu.memory_space<hbm>> -> memref<3328xi32, #tpu.memory_space<hbm>>
        tpu.wait_dma2 semaphore(%run_scoped3A_1385 : memref<!tpu.dma_semaphore, #tpu.memory_space<semaphore_mem>>) src(%dma_wait3A_1401 : memref<3328xi32, #tpu.memory_space<hbm>>) dst(%dma_wait3A_1400 : memref<3328xi32, #tpu.memory_space<vmem>>)
        tpu.yield
      }) : () -> ()
      %dma_start3A_360 = arith.constant 1 : i32
      %dma_start3A_361 = arith.constant 1 : i32
      %dma_start3A_362 = arith.constant 0 : i32
      %dma_start3A_363 = arith.constant 0 : i32
      %dma_start3A_364 = arith.constant 0 : i32
      %dma_start3A_365 = tpu.memref_slice %arg6[%dma_start3A_361, %dma_start3A_362, %dma_start3A_363, %dma_start3A_364] : memref<2x26x128x16xf32, #tpu.memory_space<vmem>> -> memref<1x1x128x16xf32, #tpu.memory_space<vmem>>
      %dma_start3A_366 = tpu.memref_squeeze %dma_start3A_365 : memref<1x1x128x16xf32, #tpu.memory_space<vmem>> -> memref<128x16xf32, #tpu.memory_space<vmem>>
      %dma_start3A_367 = arith.constant 0 : i32
      %dma_start3A_368 = tpu.memref_slice %arg5[%dma_start3A_360, %dma_start3A_367] : memref<2x3328xi32, #tpu.memory_space<vmem>> -> memref<1x128xi32, #tpu.memory_space<vmem>>
      %dma_start3A_369 = tpu.memref_squeeze %dma_start3A_368 : memref<1x128xi32, #tpu.memory_space<vmem>> -> memref<128xi32, #tpu.memory_space<vmem>>
      %dma_start3A_370 = arith.constant 0 : i32
      %dma_start3A_371 = arith.constant 0 : i32
      %dma_start3A_372 = tpu.memref_slice %arg2[%dma_start3A_370, %dma_start3A_371] : memref<2600000x16xf32, #tpu.memory_space<hbm>> -> memref<2600000x16xf32, #tpu.memory_space<hbm>>
      tpu.enqueue_indirect_dma source(%dma_start3A_372 : memref<2600000x16xf32, #tpu.memory_space<hbm>>) target(%dma_start3A_366 : memref<128x16xf32, #tpu.memory_space<vmem>>) offsets(%dma_start3A_369 : memref<128xi32, #tpu.memory_space<vmem>>) semaphore(%arg8 : memref<!tpu.dma_semaphore, #tpu.memory_space<semaphore_mem>>)
      %dma_start3A_373 = arith.constant 1 : i32
      %dma_start3A_374 = arith.constant 1 : i32
      %dma_start3A_375 = arith.constant 1 : i32
      %dma_start3A_376 = arith.constant 0 : i32
      %dma_start3A_377 = arith.constant 0 : i32
      %dma_start3A_378 = tpu.memref_slice %arg6[%dma_start3A_374, %dma_start3A_375, %dma_start3A_376, %dma_start3A_377] : memref<2x26x128x16xf32, #tpu.memory_space<vmem>> -> memref<1x1x128x16xf32, #tpu.memory_space<vmem>>
      %dma_start3A_379 = tpu.memref_squeeze %dma_start3A_378 : memref<1x1x128x16xf32, #tpu.memory_space<vmem>> -> memref<128x16xf32, #tpu.memory_space<vmem>>
      %dma_start3A_380 = arith.constant 128 : i32
      %dma_start3A_381 = tpu.memref_slice %arg5[%dma_start3A_373, %dma_start3A_380] : memref<2x3328xi32, #tpu.memory_space<vmem>> -> memref<1x128xi32, #tpu.memory_space<vmem>>
      %dma_start3A_382 = tpu.memref_squeeze %dma_start3A_381 : memref<1x128xi32, #tpu.memory_space<vmem>> -> memref<128xi32, #tpu.memory_space<vmem>>
      %dma_start3A_383 = arith.constant 0 : i32
      %dma_start3A_384 = arith.constant 0 : i32
      %dma_start3A_385 = tpu.memref_slice %arg2[%dma_start3A_383, %dma_start3A_384] : memref<2600000x16xf32, #tpu.memory_space<hbm>> -> memref<2600000x16xf32, #tpu.memory_space<hbm>>
      tpu.enqueue_indirect_dma source(%dma_start3A_385 : memref<2600000x16xf32, #tpu.memory_space<hbm>>) target(%dma_start3A_379 : memref<128x16xf32, #tpu.memory_space<vmem>>) offsets(%dma_start3A_382 : memref<128xi32, #tpu.memory_space<vmem>>) semaphore(%arg8 : memref<!tpu.dma_semaphore, #tpu.memory_space<semaphore_mem>>)
      %dma_start3A_386 = arith.constant 1 : i32
      %dma_start3A_387 = arith.constant 1 : i32
      %dma_start3A_388 = arith.constant 2 : i32
      %dma_start3A_389 = arith.constant 0 : i32
      %dma_start3A_390 = arith.constant 0 : i32
      %dma_start3A_391 = tpu.memref_slice %arg6[%dma_start3A_387, %dma_start3A_388, %dma_start3A_389, %dma_start3A_390] : memref<2x26x128x16xf32, #tpu.memory_space<vmem>> -> memref<1x1x128x16xf32, #tpu.memory_space<vmem>>
      %dma_start3A_392 = tpu.memref_squeeze %dma_start3A_391 : memref<1x1x128x16xf32, #tpu.memory_space<vmem>> -> memref<128x16xf32, #tpu.memory_space<vmem>>
      %dma_start3A_393 = arith.constant 256 : i32
      %dma_start3A_394 = tpu.memref_slice %arg5[%dma_start3A_386, %dma_start3A_393] : memref<2x3328xi32, #tpu.memory_space<vmem>> -> memref<1x128xi32, #tpu.memory_space<vmem>>
      %dma_start3A_395 = tpu.memref_squeeze %dma_start3A_394 : memref<1x128xi32, #tpu.memory_space<vmem>> -> memref<128xi32, #tpu.memory_space<vmem>>
      %dma_start3A_396 = arith.constant 0 : i32
      %dma_start3A_397 = arith.constant 0 : i32
      %dma_start3A_398 = tpu.memref_slice %arg2[%dma_start3A_396, %dma_start3A_397] : memref<2600000x16xf32, #tpu.memory_space<hbm>> -> memref<2600000x16xf32, #tpu.memory_space<hbm>>
      tpu.enqueue_indirect_dma source(%dma_start3A_398 : memref<2600000x16xf32, #tpu.memory_space<hbm>>) target(%dma_start3A_392 : memref<128x16xf32, #tpu.memory_space<vmem>>) offsets(%dma_start3A_395 : memref<128xi32, #tpu.memory_space<vmem>>) semaphore(%arg8 : memref<!tpu.dma_semaphore, #tpu.memory_space<semaphore_mem>>)
      %dma_start3A_399 = arith.constant 1 : i32
      %dma_start3A_400 = arith.constant 1 : i32
      %dma_start3A_401 = arith.constant 3 : i32
      %dma_start3A_402 = arith.constant 0 : i32
      %dma_start3A_403 = arith.constant 0 : i32
      %dma_start3A_404 = tpu.memref_slice %arg6[%dma_start3A_400, %dma_start3A_401, %dma_start3A_402, %dma_start3A_403] : memref<2x26x128x16xf32, #tpu.memory_space<vmem>> -> memref<1x1x128x16xf32, #tpu.memory_space<vmem>>
      %dma_start3A_405 = tpu.memref_squeeze %dma_start3A_404 : memref<1x1x128x16xf32, #tpu.memory_space<vmem>> -> memref<128x16xf32, #tpu.memory_space<vmem>>
      %dma_start3A_406 = arith.constant 384 : i32
      %dma_start3A_407 = tpu.memref_slice %arg5[%dma_start3A_399, %dma_start3A_406] : memref<2x3328xi32, #tpu.memory_space<vmem>> -> memref<1x128xi32, #tpu.memory_space<vmem>>
      %dma_start3A_408 = tpu.memref_squeeze %dma_start3A_407 : memref<1x128xi32, #tpu.memory_space<vmem>> -> memref<128xi32, #tpu.memory_space<vmem>>
      %dma_start3A_409 = arith.constant 0 : i32
      %dma_start3A_410 = arith.constant 0 : i32
      %dma_start3A_411 = tpu.memref_slice %arg2[%dma_start3A_409, %dma_start3A_410] : memref<2600000x16xf32, #tpu.memory_space<hbm>> -> memref<2600000x16xf32, #tpu.memory_space<hbm>>
      tpu.enqueue_indirect_dma source(%dma_start3A_411 : memref<2600000x16xf32, #tpu.memory_space<hbm>>) target(%dma_start3A_405 : memref<128x16xf32, #tpu.memory_space<vmem>>) offsets(%dma_start3A_408 : memref<128xi32, #tpu.memory_space<vmem>>) semaphore(%arg8 : memref<!tpu.dma_semaphore, #tpu.memory_space<semaphore_mem>>)
      %dma_start3A_412 = arith.constant 1 : i32
      %dma_start3A_413 = arith.constant 1 : i32
      %dma_start3A_414 = arith.constant 4 : i32
      %dma_start3A_415 = arith.constant 0 : i32
      %dma_start3A_416 = arith.constant 0 : i32
      %dma_start3A_417 = tpu.memref_slice %arg6[%dma_start3A_413, %dma_start3A_414, %dma_start3A_415, %dma_start3A_416] : memref<2x26x128x16xf32, #tpu.memory_space<vmem>> -> memref<1x1x128x16xf32, #tpu.memory_space<vmem>>
      %dma_start3A_418 = tpu.memref_squeeze %dma_start3A_417 : memref<1x1x128x16xf32, #tpu.memory_space<vmem>> -> memref<128x16xf32, #tpu.memory_space<vmem>>
      %dma_start3A_419 = arith.constant 512 : i32
      %dma_start3A_420 = tpu.memref_slice %arg5[%dma_start3A_412, %dma_start3A_419] : memref<2x3328xi32, #tpu.memory_space<vmem>> -> memref<1x128xi32, #tpu.memory_space<vmem>>
      %dma_start3A_421 = tpu.memref_squeeze %dma_start3A_420 : memref<1x128xi32, #tpu.memory_space<vmem>> -> memref<128xi32, #tpu.memory_space<vmem>>
      %dma_start3A_422 = arith.constant 0 : i32
      %dma_start3A_423 = arith.constant 0 : i32
      %dma_start3A_424 = tpu.memref_slice %arg2[%dma_start3A_422, %dma_start3A_423] : memref<2600000x16xf32, #tpu.memory_space<hbm>> -> memref<2600000x16xf32, #tpu.memory_space<hbm>>
      tpu.enqueue_indirect_dma source(%dma_start3A_424 : memref<2600000x16xf32, #tpu.memory_space<hbm>>) target(%dma_start3A_418 : memref<128x16xf32, #tpu.memory_space<vmem>>) offsets(%dma_start3A_421 : memref<128xi32, #tpu.memory_space<vmem>>) semaphore(%arg8 : memref<!tpu.dma_semaphore, #tpu.memory_space<semaphore_mem>>)
      %dma_start3A_425 = arith.constant 1 : i32
      %dma_start3A_426 = arith.constant 1 : i32
      %dma_start3A_427 = arith.constant 5 : i32
      %dma_start3A_428 = arith.constant 0 : i32
      %dma_start3A_429 = arith.constant 0 : i32
      %dma_start3A_430 = tpu.memref_slice %arg6[%dma_start3A_426, %dma_start3A_427, %dma_start3A_428, %dma_start3A_429] : memref<2x26x128x16xf32, #tpu.memory_space<vmem>> -> memref<1x1x128x16xf32, #tpu.memory_space<vmem>>
      %dma_start3A_431 = tpu.memref_squeeze %dma_start3A_430 : memref<1x1x128x16xf32, #tpu.memory_space<vmem>> -> memref<128x16xf32, #tpu.memory_space<vmem>>
      %dma_start3A_432 = arith.constant 640 : i32
      %dma_start3A_433 = tpu.memref_slice %arg5[%dma_start3A_425, %dma_start3A_432] : memref<2x3328xi32, #tpu.memory_space<vmem>> -> memref<1x128xi32, #tpu.memory_space<vmem>>
      %dma_start3A_434 = tpu.memref_squeeze %dma_start3A_433 : memref<1x128xi32, #tpu.memory_space<vmem>> -> memref<128xi32, #tpu.memory_space<vmem>>
      %dma_start3A_435 = arith.constant 0 : i32
      %dma_start3A_436 = arith.constant 0 : i32
      %dma_start3A_437 = tpu.memref_slice %arg2[%dma_start3A_435, %dma_start3A_436] : memref<2600000x16xf32, #tpu.memory_space<hbm>> -> memref<2600000x16xf32, #tpu.memory_space<hbm>>
      tpu.enqueue_indirect_dma source(%dma_start3A_437 : memref<2600000x16xf32, #tpu.memory_space<hbm>>) target(%dma_start3A_431 : memref<128x16xf32, #tpu.memory_space<vmem>>) offsets(%dma_start3A_434 : memref<128xi32, #tpu.memory_space<vmem>>) semaphore(%arg8 : memref<!tpu.dma_semaphore, #tpu.memory_space<semaphore_mem>>)
      %dma_start3A_438 = arith.constant 1 : i32
      %dma_start3A_439 = arith.constant 1 : i32
      %dma_start3A_440 = arith.constant 6 : i32
      %dma_start3A_441 = arith.constant 0 : i32
      %dma_start3A_442 = arith.constant 0 : i32
      %dma_start3A_443 = tpu.memref_slice %arg6[%dma_start3A_439, %dma_start3A_440, %dma_start3A_441, %dma_start3A_442] : memref<2x26x128x16xf32, #tpu.memory_space<vmem>> -> memref<1x1x128x16xf32, #tpu.memory_space<vmem>>
      %dma_start3A_444 = tpu.memref_squeeze %dma_start3A_443 : memref<1x1x128x16xf32, #tpu.memory_space<vmem>> -> memref<128x16xf32, #tpu.memory_space<vmem>>
      %dma_start3A_445 = arith.constant 768 : i32
      %dma_start3A_446 = tpu.memref_slice %arg5[%dma_start3A_438, %dma_start3A_445] : memref<2x3328xi32, #tpu.memory_space<vmem>> -> memref<1x128xi32, #tpu.memory_space<vmem>>
      %dma_start3A_447 = tpu.memref_squeeze %dma_start3A_446 : memref<1x128xi32, #tpu.memory_space<vmem>> -> memref<128xi32, #tpu.memory_space<vmem>>
      %dma_start3A_448 = arith.constant 0 : i32
      %dma_start3A_449 = arith.constant 0 : i32
      %dma_start3A_450 = tpu.memref_slice %arg2[%dma_start3A_448, %dma_start3A_449] : memref<2600000x16xf32, #tpu.memory_space<hbm>> -> memref<2600000x16xf32, #tpu.memory_space<hbm>>
      tpu.enqueue_indirect_dma source(%dma_start3A_450 : memref<2600000x16xf32, #tpu.memory_space<hbm>>) target(%dma_start3A_444 : memref<128x16xf32, #tpu.memory_space<vmem>>) offsets(%dma_start3A_447 : memref<128xi32, #tpu.memory_space<vmem>>) semaphore(%arg8 : memref<!tpu.dma_semaphore, #tpu.memory_space<semaphore_mem>>)
      %dma_start3A_451 = arith.constant 1 : i32
      %dma_start3A_452 = arith.constant 1 : i32
      %dma_start3A_453 = arith.constant 7 : i32
      %dma_start3A_454 = arith.constant 0 : i32
      %dma_start3A_455 = arith.constant 0 : i32
      %dma_start3A_456 = tpu.memref_slice %arg6[%dma_start3A_452, %dma_start3A_453, %dma_start3A_454, %dma_start3A_455] : memref<2x26x128x16xf32, #tpu.memory_space<vmem>> -> memref<1x1x128x16xf32, #tpu.memory_space<vmem>>
      %dma_start3A_457 = tpu.memref_squeeze %dma_start3A_456 : memref<1x1x128x16xf32, #tpu.memory_space<vmem>> -> memref<128x16xf32, #tpu.memory_space<vmem>>
      %dma_start3A_458 = arith.constant 896 : i32
      %dma_start3A_459 = tpu.memref_slice %arg5[%dma_start3A_451, %dma_start3A_458] : memref<2x3328xi32, #tpu.memory_space<vmem>> -> memref<1x128xi32, #tpu.memory_space<vmem>>
      %dma_start3A_460 = tpu.memref_squeeze %dma_start3A_459 : memref<1x128xi32, #tpu.memory_space<vmem>> -> memref<128xi32, #tpu.memory_space<vmem>>
      %dma_start3A_461 = arith.constant 0 : i32
      %dma_start3A_462 = arith.constant 0 : i32
      %dma_start3A_463 = tpu.memref_slice %arg2[%dma_start3A_461, %dma_start3A_462] : memref<2600000x16xf32, #tpu.memory_space<hbm>> -> memref<2600000x16xf32, #tpu.memory_space<hbm>>
      tpu.enqueue_indirect_dma source(%dma_start3A_463 : memref<2600000x16xf32, #tpu.memory_space<hbm>>) target(%dma_start3A_457 : memref<128x16xf32, #tpu.memory_space<vmem>>) offsets(%dma_start3A_460 : memref<128xi32, #tpu.memory_space<vmem>>) semaphore(%arg8 : memref<!tpu.dma_semaphore, #tpu.memory_space<semaphore_mem>>)
      %dma_start3A_464 = arith.constant 1 : i32
      %dma_start3A_465 = arith.constant 1 : i32
      %dma_start3A_466 = arith.constant 8 : i32
      %dma_start3A_467 = arith.constant 0 : i32
      %dma_start3A_468 = arith.constant 0 : i32
      %dma_start3A_469 = tpu.memref_slice %arg6[%dma_start3A_465, %dma_start3A_466, %dma_start3A_467, %dma_start3A_468] : memref<2x26x128x16xf32, #tpu.memory_space<vmem>> -> memref<1x1x128x16xf32, #tpu.memory_space<vmem>>
      %dma_start3A_470 = tpu.memref_squeeze %dma_start3A_469 : memref<1x1x128x16xf32, #tpu.memory_space<vmem>> -> memref<128x16xf32, #tpu.memory_space<vmem>>
      %dma_start3A_471 = arith.constant 1024 : i32
      %dma_start3A_472 = tpu.memref_slice %arg5[%dma_start3A_464, %dma_start3A_471] : memref<2x3328xi32, #tpu.memory_space<vmem>> -> memref<1x128xi32, #tpu.memory_space<vmem>>
      %dma_start3A_473 = tpu.memref_squeeze %dma_start3A_472 : memref<1x128xi32, #tpu.memory_space<vmem>> -> memref<128xi32, #tpu.memory_space<vmem>>
      %dma_start3A_474 = arith.constant 0 : i32
      %dma_start3A_475 = arith.constant 0 : i32
      %dma_start3A_476 = tpu.memref_slice %arg2[%dma_start3A_474, %dma_start3A_475] : memref<2600000x16xf32, #tpu.memory_space<hbm>> -> memref<2600000x16xf32, #tpu.memory_space<hbm>>
      tpu.enqueue_indirect_dma source(%dma_start3A_476 : memref<2600000x16xf32, #tpu.memory_space<hbm>>) target(%dma_start3A_470 : memref<128x16xf32, #tpu.memory_space<vmem>>) offsets(%dma_start3A_473 : memref<128xi32, #tpu.memory_space<vmem>>) semaphore(%arg8 : memref<!tpu.dma_semaphore, #tpu.memory_space<semaphore_mem>>)
      %dma_start3A_477 = arith.constant 1 : i32
      %dma_start3A_478 = arith.constant 1 : i32
      %dma_start3A_479 = arith.constant 9 : i32
      %dma_start3A_480 = arith.constant 0 : i32
      %dma_start3A_481 = arith.constant 0 : i32
      %dma_start3A_482 = tpu.memref_slice %arg6[%dma_start3A_478, %dma_start3A_479, %dma_start3A_480, %dma_start3A_481] : memref<2x26x128x16xf32, #tpu.memory_space<vmem>> -> memref<1x1x128x16xf32, #tpu.memory_space<vmem>>
      %dma_start3A_483 = tpu.memref_squeeze %dma_start3A_482 : memref<1x1x128x16xf32, #tpu.memory_space<vmem>> -> memref<128x16xf32, #tpu.memory_space<vmem>>
      %dma_start3A_484 = arith.constant 1152 : i32
      %dma_start3A_485 = tpu.memref_slice %arg5[%dma_start3A_477, %dma_start3A_484] : memref<2x3328xi32, #tpu.memory_space<vmem>> -> memref<1x128xi32, #tpu.memory_space<vmem>>
      %dma_start3A_486 = tpu.memref_squeeze %dma_start3A_485 : memref<1x128xi32, #tpu.memory_space<vmem>> -> memref<128xi32, #tpu.memory_space<vmem>>
      %dma_start3A_487 = arith.constant 0 : i32
      %dma_start3A_488 = arith.constant 0 : i32
      %dma_start3A_489 = tpu.memref_slice %arg2[%dma_start3A_487, %dma_start3A_488] : memref<2600000x16xf32, #tpu.memory_space<hbm>> -> memref<2600000x16xf32, #tpu.memory_space<hbm>>
      tpu.enqueue_indirect_dma source(%dma_start3A_489 : memref<2600000x16xf32, #tpu.memory_space<hbm>>) target(%dma_start3A_483 : memref<128x16xf32, #tpu.memory_space<vmem>>) offsets(%dma_start3A_486 : memref<128xi32, #tpu.memory_space<vmem>>) semaphore(%arg8 : memref<!tpu.dma_semaphore, #tpu.memory_space<semaphore_mem>>)
      %dma_start3A_490 = arith.constant 1 : i32
      %dma_start3A_491 = arith.constant 1 : i32
      %dma_start3A_492 = arith.constant 10 : i32
      %dma_start3A_493 = arith.constant 0 : i32
      %dma_start3A_494 = arith.constant 0 : i32
      %dma_start3A_495 = tpu.memref_slice %arg6[%dma_start3A_491, %dma_start3A_492, %dma_start3A_493, %dma_start3A_494] : memref<2x26x128x16xf32, #tpu.memory_space<vmem>> -> memref<1x1x128x16xf32, #tpu.memory_space<vmem>>
      %dma_start3A_496 = tpu.memref_squeeze %dma_start3A_495 : memref<1x1x128x16xf32, #tpu.memory_space<vmem>> -> memref<128x16xf32, #tpu.memory_space<vmem>>
      %dma_start3A_497 = arith.constant 1280 : i32
      %dma_start3A_498 = tpu.memref_slice %arg5[%dma_start3A_490, %dma_start3A_497] : memref<2x3328xi32, #tpu.memory_space<vmem>> -> memref<1x128xi32, #tpu.memory_space<vmem>>
      %dma_start3A_499 = tpu.memref_squeeze %dma_start3A_498 : memref<1x128xi32, #tpu.memory_space<vmem>> -> memref<128xi32, #tpu.memory_space<vmem>>
      %dma_start3A_500 = arith.constant 0 : i32
      %dma_start3A_501 = arith.constant 0 : i32
      %dma_start3A_502 = tpu.memref_slice %arg2[%dma_start3A_500, %dma_start3A_501] : memref<2600000x16xf32, #tpu.memory_space<hbm>> -> memref<2600000x16xf32, #tpu.memory_space<hbm>>
      tpu.enqueue_indirect_dma source(%dma_start3A_502 : memref<2600000x16xf32, #tpu.memory_space<hbm>>) target(%dma_start3A_496 : memref<128x16xf32, #tpu.memory_space<vmem>>) offsets(%dma_start3A_499 : memref<128xi32, #tpu.memory_space<vmem>>) semaphore(%arg8 : memref<!tpu.dma_semaphore, #tpu.memory_space<semaphore_mem>>)
      %dma_start3A_503 = arith.constant 1 : i32
      %dma_start3A_504 = arith.constant 1 : i32
      %dma_start3A_505 = arith.constant 11 : i32
      %dma_start3A_506 = arith.constant 0 : i32
      %dma_start3A_507 = arith.constant 0 : i32
      %dma_start3A_508 = tpu.memref_slice %arg6[%dma_start3A_504, %dma_start3A_505, %dma_start3A_506, %dma_start3A_507] : memref<2x26x128x16xf32, #tpu.memory_space<vmem>> -> memref<1x1x128x16xf32, #tpu.memory_space<vmem>>
      %dma_start3A_509 = tpu.memref_squeeze %dma_start3A_508 : memref<1x1x128x16xf32, #tpu.memory_space<vmem>> -> memref<128x16xf32, #tpu.memory_space<vmem>>
      %dma_start3A_510 = arith.constant 1408 : i32
      %dma_start3A_511 = tpu.memref_slice %arg5[%dma_start3A_503, %dma_start3A_510] : memref<2x3328xi32, #tpu.memory_space<vmem>> -> memref<1x128xi32, #tpu.memory_space<vmem>>
      %dma_start3A_512 = tpu.memref_squeeze %dma_start3A_511 : memref<1x128xi32, #tpu.memory_space<vmem>> -> memref<128xi32, #tpu.memory_space<vmem>>
      %dma_start3A_513 = arith.constant 0 : i32
      %dma_start3A_514 = arith.constant 0 : i32
      %dma_start3A_515 = tpu.memref_slice %arg2[%dma_start3A_513, %dma_start3A_514] : memref<2600000x16xf32, #tpu.memory_space<hbm>> -> memref<2600000x16xf32, #tpu.memory_space<hbm>>
      tpu.enqueue_indirect_dma source(%dma_start3A_515 : memref<2600000x16xf32, #tpu.memory_space<hbm>>) target(%dma_start3A_509 : memref<128x16xf32, #tpu.memory_space<vmem>>) offsets(%dma_start3A_512 : memref<128xi32, #tpu.memory_space<vmem>>) semaphore(%arg8 : memref<!tpu.dma_semaphore, #tpu.memory_space<semaphore_mem>>)
      %dma_start3A_516 = arith.constant 1 : i32
      %dma_start3A_517 = arith.constant 1 : i32
      %dma_start3A_518 = arith.constant 12 : i32
      %dma_start3A_519 = arith.constant 0 : i32
      %dma_start3A_520 = arith.constant 0 : i32
      %dma_start3A_521 = tpu.memref_slice %arg6[%dma_start3A_517, %dma_start3A_518, %dma_start3A_519, %dma_start3A_520] : memref<2x26x128x16xf32, #tpu.memory_space<vmem>> -> memref<1x1x128x16xf32, #tpu.memory_space<vmem>>
      %dma_start3A_522 = tpu.memref_squeeze %dma_start3A_521 : memref<1x1x128x16xf32, #tpu.memory_space<vmem>> -> memref<128x16xf32, #tpu.memory_space<vmem>>
      %dma_start3A_523 = arith.constant 1536 : i32
      %dma_start3A_524 = tpu.memref_slice %arg5[%dma_start3A_516, %dma_start3A_523] : memref<2x3328xi32, #tpu.memory_space<vmem>> -> memref<1x128xi32, #tpu.memory_space<vmem>>
      %dma_start3A_525 = tpu.memref_squeeze %dma_start3A_524 : memref<1x128xi32, #tpu.memory_space<vmem>> -> memref<128xi32, #tpu.memory_space<vmem>>
      %dma_start3A_526 = arith.constant 0 : i32
      %dma_start3A_527 = arith.constant 0 : i32
      %dma_start3A_528 = tpu.memref_slice %arg2[%dma_start3A_526, %dma_start3A_527] : memref<2600000x16xf32, #tpu.memory_space<hbm>> -> memref<2600000x16xf32, #tpu.memory_space<hbm>>
      tpu.enqueue_indirect_dma source(%dma_start3A_528 : memref<2600000x16xf32, #tpu.memory_space<hbm>>) target(%dma_start3A_522 : memref<128x16xf32, #tpu.memory_space<vmem>>) offsets(%dma_start3A_525 : memref<128xi32, #tpu.memory_space<vmem>>) semaphore(%arg8 : memref<!tpu.dma_semaphore, #tpu.memory_space<semaphore_mem>>)
      %dma_start3A_529 = arith.constant 1 : i32
      %dma_start3A_530 = arith.constant 1 : i32
      %dma_start3A_531 = arith.constant 13 : i32
      %dma_start3A_532 = arith.constant 0 : i32
      %dma_start3A_533 = arith.constant 0 : i32
      %dma_start3A_534 = tpu.memref_slice %arg6[%dma_start3A_530, %dma_start3A_531, %dma_start3A_532, %dma_start3A_533] : memref<2x26x128x16xf32, #tpu.memory_space<vmem>> -> memref<1x1x128x16xf32, #tpu.memory_space<vmem>>
      %dma_start3A_535 = tpu.memref_squeeze %dma_start3A_534 : memref<1x1x128x16xf32, #tpu.memory_space<vmem>> -> memref<128x16xf32, #tpu.memory_space<vmem>>
      %dma_start3A_536 = arith.constant 1664 : i32
      %dma_start3A_537 = tpu.memref_slice %arg5[%dma_start3A_529, %dma_start3A_536] : memref<2x3328xi32, #tpu.memory_space<vmem>> -> memref<1x128xi32, #tpu.memory_space<vmem>>
      %dma_start3A_538 = tpu.memref_squeeze %dma_start3A_537 : memref<1x128xi32, #tpu.memory_space<vmem>> -> memref<128xi32, #tpu.memory_space<vmem>>
      %dma_start3A_539 = arith.constant 0 : i32
      %dma_start3A_540 = arith.constant 0 : i32
      %dma_start3A_541 = tpu.memref_slice %arg2[%dma_start3A_539, %dma_start3A_540] : memref<2600000x16xf32, #tpu.memory_space<hbm>> -> memref<2600000x16xf32, #tpu.memory_space<hbm>>
      tpu.enqueue_indirect_dma source(%dma_start3A_541 : memref<2600000x16xf32, #tpu.memory_space<hbm>>) target(%dma_start3A_535 : memref<128x16xf32, #tpu.memory_space<vmem>>) offsets(%dma_start3A_538 : memref<128xi32, #tpu.memory_space<vmem>>) semaphore(%arg8 : memref<!tpu.dma_semaphore, #tpu.memory_space<semaphore_mem>>)
      %dma_start3A_542 = arith.constant 1 : i32
      %dma_start3A_543 = arith.constant 1 : i32
      %dma_start3A_544 = arith.constant 14 : i32
      %dma_start3A_545 = arith.constant 0 : i32
      %dma_start3A_546 = arith.constant 0 : i32
      %dma_start3A_547 = tpu.memref_slice %arg6[%dma_start3A_543, %dma_start3A_544, %dma_start3A_545, %dma_start3A_546] : memref<2x26x128x16xf32, #tpu.memory_space<vmem>> -> memref<1x1x128x16xf32, #tpu.memory_space<vmem>>
      %dma_start3A_548 = tpu.memref_squeeze %dma_start3A_547 : memref<1x1x128x16xf32, #tpu.memory_space<vmem>> -> memref<128x16xf32, #tpu.memory_space<vmem>>
      %dma_start3A_549 = arith.constant 1792 : i32
      %dma_start3A_550 = tpu.memref_slice %arg5[%dma_start3A_542, %dma_start3A_549] : memref<2x3328xi32, #tpu.memory_space<vmem>> -> memref<1x128xi32, #tpu.memory_space<vmem>>
      %dma_start3A_551 = tpu.memref_squeeze %dma_start3A_550 : memref<1x128xi32, #tpu.memory_space<vmem>> -> memref<128xi32, #tpu.memory_space<vmem>>
      %dma_start3A_552 = arith.constant 0 : i32
      %dma_start3A_553 = arith.constant 0 : i32
      %dma_start3A_554 = tpu.memref_slice %arg2[%dma_start3A_552, %dma_start3A_553] : memref<2600000x16xf32, #tpu.memory_space<hbm>> -> memref<2600000x16xf32, #tpu.memory_space<hbm>>
      tpu.enqueue_indirect_dma source(%dma_start3A_554 : memref<2600000x16xf32, #tpu.memory_space<hbm>>) target(%dma_start3A_548 : memref<128x16xf32, #tpu.memory_space<vmem>>) offsets(%dma_start3A_551 : memref<128xi32, #tpu.memory_space<vmem>>) semaphore(%arg8 : memref<!tpu.dma_semaphore, #tpu.memory_space<semaphore_mem>>)
      %dma_start3A_555 = arith.constant 1 : i32
      %dma_start3A_556 = arith.constant 1 : i32
      %dma_start3A_557 = arith.constant 15 : i32
      %dma_start3A_558 = arith.constant 0 : i32
      %dma_start3A_559 = arith.constant 0 : i32
      %dma_start3A_560 = tpu.memref_slice %arg6[%dma_start3A_556, %dma_start3A_557, %dma_start3A_558, %dma_start3A_559] : memref<2x26x128x16xf32, #tpu.memory_space<vmem>> -> memref<1x1x128x16xf32, #tpu.memory_space<vmem>>
      %dma_start3A_561 = tpu.memref_squeeze %dma_start3A_560 : memref<1x1x128x16xf32, #tpu.memory_space<vmem>> -> memref<128x16xf32, #tpu.memory_space<vmem>>
      %dma_start3A_562 = arith.constant 1920 : i32
      %dma_start3A_563 = tpu.memref_slice %arg5[%dma_start3A_555, %dma_start3A_562] : memref<2x3328xi32, #tpu.memory_space<vmem>> -> memref<1x128xi32, #tpu.memory_space<vmem>>
      %dma_start3A_564 = tpu.memref_squeeze %dma_start3A_563 : memref<1x128xi32, #tpu.memory_space<vmem>> -> memref<128xi32, #tpu.memory_space<vmem>>
      %dma_start3A_565 = arith.constant 0 : i32
      %dma_start3A_566 = arith.constant 0 : i32
      %dma_start3A_567 = tpu.memref_slice %arg2[%dma_start3A_565, %dma_start3A_566] : memref<2600000x16xf32, #tpu.memory_space<hbm>> -> memref<2600000x16xf32, #tpu.memory_space<hbm>>
      tpu.enqueue_indirect_dma source(%dma_start3A_567 : memref<2600000x16xf32, #tpu.memory_space<hbm>>) target(%dma_start3A_561 : memref<128x16xf32, #tpu.memory_space<vmem>>) offsets(%dma_start3A_564 : memref<128xi32, #tpu.memory_space<vmem>>) semaphore(%arg8 : memref<!tpu.dma_semaphore, #tpu.memory_space<semaphore_mem>>)
      %dma_start3A_568 = arith.constant 1 : i32
      %dma_start3A_569 = arith.constant 1 : i32
      %dma_start3A_570 = arith.constant 16 : i32
      %dma_start3A_571 = arith.constant 0 : i32
      %dma_start3A_572 = arith.constant 0 : i32
      %dma_start3A_573 = tpu.memref_slice %arg6[%dma_start3A_569, %dma_start3A_570, %dma_start3A_571, %dma_start3A_572] : memref<2x26x128x16xf32, #tpu.memory_space<vmem>> -> memref<1x1x128x16xf32, #tpu.memory_space<vmem>>
      %dma_start3A_574 = tpu.memref_squeeze %dma_start3A_573 : memref<1x1x128x16xf32, #tpu.memory_space<vmem>> -> memref<128x16xf32, #tpu.memory_space<vmem>>
      %dma_start3A_575 = arith.constant 2048 : i32
      %dma_start3A_576 = tpu.memref_slice %arg5[%dma_start3A_568, %dma_start3A_575] : memref<2x3328xi32, #tpu.memory_space<vmem>> -> memref<1x128xi32, #tpu.memory_space<vmem>>
      %dma_start3A_577 = tpu.memref_squeeze %dma_start3A_576 : memref<1x128xi32, #tpu.memory_space<vmem>> -> memref<128xi32, #tpu.memory_space<vmem>>
      %dma_start3A_578 = arith.constant 0 : i32
      %dma_start3A_579 = arith.constant 0 : i32
      %dma_start3A_580 = tpu.memref_slice %arg2[%dma_start3A_578, %dma_start3A_579] : memref<2600000x16xf32, #tpu.memory_space<hbm>> -> memref<2600000x16xf32, #tpu.memory_space<hbm>>
      tpu.enqueue_indirect_dma source(%dma_start3A_580 : memref<2600000x16xf32, #tpu.memory_space<hbm>>) target(%dma_start3A_574 : memref<128x16xf32, #tpu.memory_space<vmem>>) offsets(%dma_start3A_577 : memref<128xi32, #tpu.memory_space<vmem>>) semaphore(%arg8 : memref<!tpu.dma_semaphore, #tpu.memory_space<semaphore_mem>>)
      %dma_start3A_581 = arith.constant 1 : i32
      %dma_start3A_582 = arith.constant 1 : i32
      %dma_start3A_583 = arith.constant 17 : i32
      %dma_start3A_584 = arith.constant 0 : i32
      %dma_start3A_585 = arith.constant 0 : i32
      %dma_start3A_586 = tpu.memref_slice %arg6[%dma_start3A_582, %dma_start3A_583, %dma_start3A_584, %dma_start3A_585] : memref<2x26x128x16xf32, #tpu.memory_space<vmem>> -> memref<1x1x128x16xf32, #tpu.memory_space<vmem>>
      %dma_start3A_587 = tpu.memref_squeeze %dma_start3A_586 : memref<1x1x128x16xf32, #tpu.memory_space<vmem>> -> memref<128x16xf32, #tpu.memory_space<vmem>>
      %dma_start3A_588 = arith.constant 2176 : i32
      %dma_start3A_589 = tpu.memref_slice %arg5[%dma_start3A_581, %dma_start3A_588] : memref<2x3328xi32, #tpu.memory_space<vmem>> -> memref<1x128xi32, #tpu.memory_space<vmem>>
      %dma_start3A_590 = tpu.memref_squeeze %dma_start3A_589 : memref<1x128xi32, #tpu.memory_space<vmem>> -> memref<128xi32, #tpu.memory_space<vmem>>
      %dma_start3A_591 = arith.constant 0 : i32
      %dma_start3A_592 = arith.constant 0 : i32
      %dma_start3A_593 = tpu.memref_slice %arg2[%dma_start3A_591, %dma_start3A_592] : memref<2600000x16xf32, #tpu.memory_space<hbm>> -> memref<2600000x16xf32, #tpu.memory_space<hbm>>
      tpu.enqueue_indirect_dma source(%dma_start3A_593 : memref<2600000x16xf32, #tpu.memory_space<hbm>>) target(%dma_start3A_587 : memref<128x16xf32, #tpu.memory_space<vmem>>) offsets(%dma_start3A_590 : memref<128xi32, #tpu.memory_space<vmem>>) semaphore(%arg8 : memref<!tpu.dma_semaphore, #tpu.memory_space<semaphore_mem>>)
      %dma_start3A_594 = arith.constant 1 : i32
      %dma_start3A_595 = arith.constant 1 : i32
      %dma_start3A_596 = arith.constant 18 : i32
      %dma_start3A_597 = arith.constant 0 : i32
      %dma_start3A_598 = arith.constant 0 : i32
      %dma_start3A_599 = tpu.memref_slice %arg6[%dma_start3A_595, %dma_start3A_596, %dma_start3A_597, %dma_start3A_598] : memref<2x26x128x16xf32, #tpu.memory_space<vmem>> -> memref<1x1x128x16xf32, #tpu.memory_space<vmem>>
      %dma_start3A_600 = tpu.memref_squeeze %dma_start3A_599 : memref<1x1x128x16xf32, #tpu.memory_space<vmem>> -> memref<128x16xf32, #tpu.memory_space<vmem>>
      %dma_start3A_601 = arith.constant 2304 : i32
      %dma_start3A_602 = tpu.memref_slice %arg5[%dma_start3A_594, %dma_start3A_601] : memref<2x3328xi32, #tpu.memory_space<vmem>> -> memref<1x128xi32, #tpu.memory_space<vmem>>
      %dma_start3A_603 = tpu.memref_squeeze %dma_start3A_602 : memref<1x128xi32, #tpu.memory_space<vmem>> -> memref<128xi32, #tpu.memory_space<vmem>>
      %dma_start3A_604 = arith.constant 0 : i32
      %dma_start3A_605 = arith.constant 0 : i32
      %dma_start3A_606 = tpu.memref_slice %arg2[%dma_start3A_604, %dma_start3A_605] : memref<2600000x16xf32, #tpu.memory_space<hbm>> -> memref<2600000x16xf32, #tpu.memory_space<hbm>>
      tpu.enqueue_indirect_dma source(%dma_start3A_606 : memref<2600000x16xf32, #tpu.memory_space<hbm>>) target(%dma_start3A_600 : memref<128x16xf32, #tpu.memory_space<vmem>>) offsets(%dma_start3A_603 : memref<128xi32, #tpu.memory_space<vmem>>) semaphore(%arg8 : memref<!tpu.dma_semaphore, #tpu.memory_space<semaphore_mem>>)
      %dma_start3A_607 = arith.constant 1 : i32
      %dma_start3A_608 = arith.constant 1 : i32
      %dma_start3A_609 = arith.constant 19 : i32
      %dma_start3A_610 = arith.constant 0 : i32
      %dma_start3A_611 = arith.constant 0 : i32
      %dma_start3A_612 = tpu.memref_slice %arg6[%dma_start3A_608, %dma_start3A_609, %dma_start3A_610, %dma_start3A_611] : memref<2x26x128x16xf32, #tpu.memory_space<vmem>> -> memref<1x1x128x16xf32, #tpu.memory_space<vmem>>
      %dma_start3A_613 = tpu.memref_squeeze %dma_start3A_612 : memref<1x1x128x16xf32, #tpu.memory_space<vmem>> -> memref<128x16xf32, #tpu.memory_space<vmem>>
      %dma_start3A_614 = arith.constant 2432 : i32
      %dma_start3A_615 = tpu.memref_slice %arg5[%dma_start3A_607, %dma_start3A_614] : memref<2x3328xi32, #tpu.memory_space<vmem>> -> memref<1x128xi32, #tpu.memory_space<vmem>>
      %dma_start3A_616 = tpu.memref_squeeze %dma_start3A_615 : memref<1x128xi32, #tpu.memory_space<vmem>> -> memref<128xi32, #tpu.memory_space<vmem>>
      %dma_start3A_617 = arith.constant 0 : i32
      %dma_start3A_618 = arith.constant 0 : i32
      %dma_start3A_619 = tpu.memref_slice %arg2[%dma_start3A_617, %dma_start3A_618] : memref<2600000x16xf32, #tpu.memory_space<hbm>> -> memref<2600000x16xf32, #tpu.memory_space<hbm>>
      tpu.enqueue_indirect_dma source(%dma_start3A_619 : memref<2600000x16xf32, #tpu.memory_space<hbm>>) target(%dma_start3A_613 : memref<128x16xf32, #tpu.memory_space<vmem>>) offsets(%dma_start3A_616 : memref<128xi32, #tpu.memory_space<vmem>>) semaphore(%arg8 : memref<!tpu.dma_semaphore, #tpu.memory_space<semaphore_mem>>)
      %dma_start3A_620 = arith.constant 1 : i32
      %dma_start3A_621 = arith.constant 1 : i32
      %dma_start3A_622 = arith.constant 20 : i32
      %dma_start3A_623 = arith.constant 0 : i32
      %dma_start3A_624 = arith.constant 0 : i32
      %dma_start3A_625 = tpu.memref_slice %arg6[%dma_start3A_621, %dma_start3A_622, %dma_start3A_623, %dma_start3A_624] : memref<2x26x128x16xf32, #tpu.memory_space<vmem>> -> memref<1x1x128x16xf32, #tpu.memory_space<vmem>>
      %dma_start3A_626 = tpu.memref_squeeze %dma_start3A_625 : memref<1x1x128x16xf32, #tpu.memory_space<vmem>> -> memref<128x16xf32, #tpu.memory_space<vmem>>
      %dma_start3A_627 = arith.constant 2560 : i32
      %dma_start3A_628 = tpu.memref_slice %arg5[%dma_start3A_620, %dma_start3A_627] : memref<2x3328xi32, #tpu.memory_space<vmem>> -> memref<1x128xi32, #tpu.memory_space<vmem>>
      %dma_start3A_629 = tpu.memref_squeeze %dma_start3A_628 : memref<1x128xi32, #tpu.memory_space<vmem>> -> memref<128xi32, #tpu.memory_space<vmem>>
      %dma_start3A_630 = arith.constant 0 : i32
      %dma_start3A_631 = arith.constant 0 : i32
      %dma_start3A_632 = tpu.memref_slice %arg2[%dma_start3A_630, %dma_start3A_631] : memref<2600000x16xf32, #tpu.memory_space<hbm>> -> memref<2600000x16xf32, #tpu.memory_space<hbm>>
      tpu.enqueue_indirect_dma source(%dma_start3A_632 : memref<2600000x16xf32, #tpu.memory_space<hbm>>) target(%dma_start3A_626 : memref<128x16xf32, #tpu.memory_space<vmem>>) offsets(%dma_start3A_629 : memref<128xi32, #tpu.memory_space<vmem>>) semaphore(%arg8 : memref<!tpu.dma_semaphore, #tpu.memory_space<semaphore_mem>>)
      %dma_start3A_633 = arith.constant 1 : i32
      %dma_start3A_634 = arith.constant 1 : i32
      %dma_start3A_635 = arith.constant 21 : i32
      %dma_start3A_636 = arith.constant 0 : i32
      %dma_start3A_637 = arith.constant 0 : i32
      %dma_start3A_638 = tpu.memref_slice %arg6[%dma_start3A_634, %dma_start3A_635, %dma_start3A_636, %dma_start3A_637] : memref<2x26x128x16xf32, #tpu.memory_space<vmem>> -> memref<1x1x128x16xf32, #tpu.memory_space<vmem>>
      %dma_start3A_639 = tpu.memref_squeeze %dma_start3A_638 : memref<1x1x128x16xf32, #tpu.memory_space<vmem>> -> memref<128x16xf32, #tpu.memory_space<vmem>>
      %dma_start3A_640 = arith.constant 2688 : i32
      %dma_start3A_641 = tpu.memref_slice %arg5[%dma_start3A_633, %dma_start3A_640] : memref<2x3328xi32, #tpu.memory_space<vmem>> -> memref<1x128xi32, #tpu.memory_space<vmem>>
      %dma_start3A_642 = tpu.memref_squeeze %dma_start3A_641 : memref<1x128xi32, #tpu.memory_space<vmem>> -> memref<128xi32, #tpu.memory_space<vmem>>
      %dma_start3A_643 = arith.constant 0 : i32
      %dma_start3A_644 = arith.constant 0 : i32
      %dma_start3A_645 = tpu.memref_slice %arg2[%dma_start3A_643, %dma_start3A_644] : memref<2600000x16xf32, #tpu.memory_space<hbm>> -> memref<2600000x16xf32, #tpu.memory_space<hbm>>
      tpu.enqueue_indirect_dma source(%dma_start3A_645 : memref<2600000x16xf32, #tpu.memory_space<hbm>>) target(%dma_start3A_639 : memref<128x16xf32, #tpu.memory_space<vmem>>) offsets(%dma_start3A_642 : memref<128xi32, #tpu.memory_space<vmem>>) semaphore(%arg8 : memref<!tpu.dma_semaphore, #tpu.memory_space<semaphore_mem>>)
      %dma_start3A_646 = arith.constant 1 : i32
      %dma_start3A_647 = arith.constant 1 : i32
      %dma_start3A_648 = arith.constant 22 : i32
      %dma_start3A_649 = arith.constant 0 : i32
      %dma_start3A_650 = arith.constant 0 : i32
      %dma_start3A_651 = tpu.memref_slice %arg6[%dma_start3A_647, %dma_start3A_648, %dma_start3A_649, %dma_start3A_650] : memref<2x26x128x16xf32, #tpu.memory_space<vmem>> -> memref<1x1x128x16xf32, #tpu.memory_space<vmem>>
      %dma_start3A_652 = tpu.memref_squeeze %dma_start3A_651 : memref<1x1x128x16xf32, #tpu.memory_space<vmem>> -> memref<128x16xf32, #tpu.memory_space<vmem>>
      %dma_start3A_653 = arith.constant 2816 : i32
      %dma_start3A_654 = tpu.memref_slice %arg5[%dma_start3A_646, %dma_start3A_653] : memref<2x3328xi32, #tpu.memory_space<vmem>> -> memref<1x128xi32, #tpu.memory_space<vmem>>
      %dma_start3A_655 = tpu.memref_squeeze %dma_start3A_654 : memref<1x128xi32, #tpu.memory_space<vmem>> -> memref<128xi32, #tpu.memory_space<vmem>>
      %dma_start3A_656 = arith.constant 0 : i32
      %dma_start3A_657 = arith.constant 0 : i32
      %dma_start3A_658 = tpu.memref_slice %arg2[%dma_start3A_656, %dma_start3A_657] : memref<2600000x16xf32, #tpu.memory_space<hbm>> -> memref<2600000x16xf32, #tpu.memory_space<hbm>>
      tpu.enqueue_indirect_dma source(%dma_start3A_658 : memref<2600000x16xf32, #tpu.memory_space<hbm>>) target(%dma_start3A_652 : memref<128x16xf32, #tpu.memory_space<vmem>>) offsets(%dma_start3A_655 : memref<128xi32, #tpu.memory_space<vmem>>) semaphore(%arg8 : memref<!tpu.dma_semaphore, #tpu.memory_space<semaphore_mem>>)
      %dma_start3A_659 = arith.constant 1 : i32
      %dma_start3A_660 = arith.constant 1 : i32
      %dma_start3A_661 = arith.constant 23 : i32
      %dma_start3A_662 = arith.constant 0 : i32
      %dma_start3A_663 = arith.constant 0 : i32
      %dma_start3A_664 = tpu.memref_slice %arg6[%dma_start3A_660, %dma_start3A_661, %dma_start3A_662, %dma_start3A_663] : memref<2x26x128x16xf32, #tpu.memory_space<vmem>> -> memref<1x1x128x16xf32, #tpu.memory_space<vmem>>
      %dma_start3A_665 = tpu.memref_squeeze %dma_start3A_664 : memref<1x1x128x16xf32, #tpu.memory_space<vmem>> -> memref<128x16xf32, #tpu.memory_space<vmem>>
      %dma_start3A_666 = arith.constant 2944 : i32
      %dma_start3A_667 = tpu.memref_slice %arg5[%dma_start3A_659, %dma_start3A_666] : memref<2x3328xi32, #tpu.memory_space<vmem>> -> memref<1x128xi32, #tpu.memory_space<vmem>>
      %dma_start3A_668 = tpu.memref_squeeze %dma_start3A_667 : memref<1x128xi32, #tpu.memory_space<vmem>> -> memref<128xi32, #tpu.memory_space<vmem>>
      %dma_start3A_669 = arith.constant 0 : i32
      %dma_start3A_670 = arith.constant 0 : i32
      %dma_start3A_671 = tpu.memref_slice %arg2[%dma_start3A_669, %dma_start3A_670] : memref<2600000x16xf32, #tpu.memory_space<hbm>> -> memref<2600000x16xf32, #tpu.memory_space<hbm>>
      tpu.enqueue_indirect_dma source(%dma_start3A_671 : memref<2600000x16xf32, #tpu.memory_space<hbm>>) target(%dma_start3A_665 : memref<128x16xf32, #tpu.memory_space<vmem>>) offsets(%dma_start3A_668 : memref<128xi32, #tpu.memory_space<vmem>>) semaphore(%arg8 : memref<!tpu.dma_semaphore, #tpu.memory_space<semaphore_mem>>)
      %dma_start3A_672 = arith.constant 1 : i32
      %dma_start3A_673 = arith.constant 1 : i32
      %dma_start3A_674 = arith.constant 24 : i32
      %dma_start3A_675 = arith.constant 0 : i32
      %dma_start3A_676 = arith.constant 0 : i32
      %dma_start3A_677 = tpu.memref_slice %arg6[%dma_start3A_673, %dma_start3A_674, %dma_start3A_675, %dma_start3A_676] : memref<2x26x128x16xf32, #tpu.memory_space<vmem>> -> memref<1x1x128x16xf32, #tpu.memory_space<vmem>>
      %dma_start3A_678 = tpu.memref_squeeze %dma_start3A_677 : memref<1x1x128x16xf32, #tpu.memory_space<vmem>> -> memref<128x16xf32, #tpu.memory_space<vmem>>
      %dma_start3A_679 = arith.constant 3072 : i32
      %dma_start3A_680 = tpu.memref_slice %arg5[%dma_start3A_672, %dma_start3A_679] : memref<2x3328xi32, #tpu.memory_space<vmem>> -> memref<1x128xi32, #tpu.memory_space<vmem>>
      %dma_start3A_681 = tpu.memref_squeeze %dma_start3A_680 : memref<1x128xi32, #tpu.memory_space<vmem>> -> memref<128xi32, #tpu.memory_space<vmem>>
      %dma_start3A_682 = arith.constant 0 : i32
      %dma_start3A_683 = arith.constant 0 : i32
      %dma_start3A_684 = tpu.memref_slice %arg2[%dma_start3A_682, %dma_start3A_683] : memref<2600000x16xf32, #tpu.memory_space<hbm>> -> memref<2600000x16xf32, #tpu.memory_space<hbm>>
      tpu.enqueue_indirect_dma source(%dma_start3A_684 : memref<2600000x16xf32, #tpu.memory_space<hbm>>) target(%dma_start3A_678 : memref<128x16xf32, #tpu.memory_space<vmem>>) offsets(%dma_start3A_681 : memref<128xi32, #tpu.memory_space<vmem>>) semaphore(%arg8 : memref<!tpu.dma_semaphore, #tpu.memory_space<semaphore_mem>>)
      %dma_start3A_685 = arith.constant 1 : i32
      %dma_start3A_686 = arith.constant 1 : i32
      %dma_start3A_687 = arith.constant 25 : i32
      %dma_start3A_688 = arith.constant 0 : i32
      %dma_start3A_689 = arith.constant 0 : i32
      %dma_start3A_690 = tpu.memref_slice %arg6[%dma_start3A_686, %dma_start3A_687, %dma_start3A_688, %dma_start3A_689] : memref<2x26x128x16xf32, #tpu.memory_space<vmem>> -> memref<1x1x128x16xf32, #tpu.memory_space<vmem>>
      %dma_start3A_691 = tpu.memref_squeeze %dma_start3A_690 : memref<1x1x128x16xf32, #tpu.memory_space<vmem>> -> memref<128x16xf32, #tpu.memory_space<vmem>>
      %dma_start3A_692 = arith.constant 3200 : i32
      %dma_start3A_693 = tpu.memref_slice %arg5[%dma_start3A_685, %dma_start3A_692] : memref<2x3328xi32, #tpu.memory_space<vmem>> -> memref<1x128xi32, #tpu.memory_space<vmem>>
      %dma_start3A_694 = tpu.memref_squeeze %dma_start3A_693 : memref<1x128xi32, #tpu.memory_space<vmem>> -> memref<128xi32, #tpu.memory_space<vmem>>
      %dma_start3A_695 = arith.constant 0 : i32
      %dma_start3A_696 = arith.constant 0 : i32
      %dma_start3A_697 = tpu.memref_slice %arg2[%dma_start3A_695, %dma_start3A_696] : memref<2600000x16xf32, #tpu.memory_space<hbm>> -> memref<2600000x16xf32, #tpu.memory_space<hbm>>
      tpu.enqueue_indirect_dma source(%dma_start3A_697 : memref<2600000x16xf32, #tpu.memory_space<hbm>>) target(%dma_start3A_691 : memref<128x16xf32, #tpu.memory_space<vmem>>) offsets(%dma_start3A_694 : memref<128xi32, #tpu.memory_space<vmem>>) semaphore(%arg8 : memref<!tpu.dma_semaphore, #tpu.memory_space<semaphore_mem>>)
      %dma_wait3A = arith.constant 0 : i32
      %dma_wait3A_698 = arith.constant 0 : i32
      %dma_wait3A_699 = arith.constant 0 : i32
      %dma_wait3A_700 = arith.constant 0 : i32
      %dma_wait3A_701 = arith.constant 0 : i32
      %dma_wait3A_702 = tpu.memref_slice %arg6[%dma_wait3A_698, %dma_wait3A_699, %dma_wait3A_700, %dma_wait3A_701] : memref<2x26x128x16xf32, #tpu.memory_space<vmem>> -> memref<1x1x128x16xf32, #tpu.memory_space<vmem>>
      %dma_wait3A_703 = tpu.memref_squeeze %dma_wait3A_702 : memref<1x1x128x16xf32, #tpu.memory_space<vmem>> -> memref<128x16xf32, #tpu.memory_space<vmem>>
      %dma_wait3A_704 = arith.constant 0 : i32
      %dma_wait3A_705 = tpu.memref_slice %arg5[%dma_wait3A, %dma_wait3A_704] : memref<2x3328xi32, #tpu.memory_space<vmem>> -> memref<1x128xi32, #tpu.memory_space<vmem>>
      %dma_wait3A_706 = tpu.memref_squeeze %dma_wait3A_705 : memref<1x128xi32, #tpu.memory_space<vmem>> -> memref<128xi32, #tpu.memory_space<vmem>>
      %dma_wait3A_707 = arith.constant 0 : i32
      %dma_wait3A_708 = arith.constant 0 : i32
      %dma_wait3A_709 = tpu.memref_slice %arg2[%dma_wait3A_707, %dma_wait3A_708] : memref<2600000x16xf32, #tpu.memory_space<hbm>> -> memref<2600000x16xf32, #tpu.memory_space<hbm>>
      tpu.wait_indirect_dma semaphore(%arg7 : memref<!tpu.dma_semaphore, #tpu.memory_space<semaphore_mem>>) src(%dma_wait3A_709 : memref<2600000x16xf32, #tpu.memory_space<hbm>>) dst(%dma_wait3A_703 : memref<128x16xf32, #tpu.memory_space<vmem>>)
      %dma_wait3A_710 = arith.constant 0 : i32
      %dma_wait3A_711 = arith.constant 0 : i32
      %dma_wait3A_712 = arith.constant 1 : i32
      %dma_wait3A_713 = arith.constant 0 : i32
      %dma_wait3A_714 = arith.constant 0 : i32
      %dma_wait3A_715 = tpu.memref_slice %arg6[%dma_wait3A_711, %dma_wait3A_712, %dma_wait3A_713, %dma_wait3A_714] : memref<2x26x128x16xf32, #tpu.memory_space<vmem>> -> memref<1x1x128x16xf32, #tpu.memory_space<vmem>>
      %dma_wait3A_716 = tpu.memref_squeeze %dma_wait3A_715 : memref<1x1x128x16xf32, #tpu.memory_space<vmem>> -> memref<128x16xf32, #tpu.memory_space<vmem>>
      %dma_wait3A_717 = arith.constant 128 : i32
      %dma_wait3A_718 = tpu.memref_slice %arg5[%dma_wait3A_710, %dma_wait3A_717] : memref<2x3328xi32, #tpu.memory_space<vmem>> -> memref<1x128xi32, #tpu.memory_space<vmem>>
      %dma_wait3A_719 = tpu.memref_squeeze %dma_wait3A_718 : memref<1x128xi32, #tpu.memory_space<vmem>> -> memref<128xi32, #tpu.memory_space<vmem>>
      %dma_wait3A_720 = arith.constant 0 : i32
      %dma_wait3A_721 = arith.constant 0 : i32
      %dma_wait3A_722 = tpu.memref_slice %arg2[%dma_wait3A_720, %dma_wait3A_721] : memref<2600000x16xf32, #tpu.memory_space<hbm>> -> memref<2600000x16xf32, #tpu.memory_space<hbm>>
      tpu.wait_indirect_dma semaphore(%arg7 : memref<!tpu.dma_semaphore, #tpu.memory_space<semaphore_mem>>) src(%dma_wait3A_722 : memref<2600000x16xf32, #tpu.memory_space<hbm>>) dst(%dma_wait3A_716 : memref<128x16xf32, #tpu.memory_space<vmem>>)
      %dma_wait3A_723 = arith.constant 0 : i32
      %dma_wait3A_724 = arith.constant 0 : i32
      %dma_wait3A_725 = arith.constant 2 : i32
      %dma_wait3A_726 = arith.constant 0 : i32
      %dma_wait3A_727 = arith.constant 0 : i32
      %dma_wait3A_728 = tpu.memref_slice %arg6[%dma_wait3A_724, %dma_wait3A_725, %dma_wait3A_726, %dma_wait3A_727] : memref<2x26x128x16xf32, #tpu.memory_space<vmem>> -> memref<1x1x128x16xf32, #tpu.memory_space<vmem>>
      %dma_wait3A_729 = tpu.memref_squeeze %dma_wait3A_728 : memref<1x1x128x16xf32, #tpu.memory_space<vmem>> -> memref<128x16xf32, #tpu.memory_space<vmem>>
      %dma_wait3A_730 = arith.constant 256 : i32
      %dma_wait3A_731 = tpu.memref_slice %arg5[%dma_wait3A_723, %dma_wait3A_730] : memref<2x3328xi32, #tpu.memory_space<vmem>> -> memref<1x128xi32, #tpu.memory_space<vmem>>
      %dma_wait3A_732 = tpu.memref_squeeze %dma_wait3A_731 : memref<1x128xi32, #tpu.memory_space<vmem>> -> memref<128xi32, #tpu.memory_space<vmem>>
      %dma_wait3A_733 = arith.constant 0 : i32
      %dma_wait3A_734 = arith.constant 0 : i32
      %dma_wait3A_735 = tpu.memref_slice %arg2[%dma_wait3A_733, %dma_wait3A_734] : memref<2600000x16xf32, #tpu.memory_space<hbm>> -> memref<2600000x16xf32, #tpu.memory_space<hbm>>
      tpu.wait_indirect_dma semaphore(%arg7 : memref<!tpu.dma_semaphore, #tpu.memory_space<semaphore_mem>>) src(%dma_wait3A_735 : memref<2600000x16xf32, #tpu.memory_space<hbm>>) dst(%dma_wait3A_729 : memref<128x16xf32, #tpu.memory_space<vmem>>)
      %dma_wait3A_736 = arith.constant 0 : i32
      %dma_wait3A_737 = arith.constant 0 : i32
      %dma_wait3A_738 = arith.constant 3 : i32
      %dma_wait3A_739 = arith.constant 0 : i32
      %dma_wait3A_740 = arith.constant 0 : i32
      %dma_wait3A_741 = tpu.memref_slice %arg6[%dma_wait3A_737, %dma_wait3A_738, %dma_wait3A_739, %dma_wait3A_740] : memref<2x26x128x16xf32, #tpu.memory_space<vmem>> -> memref<1x1x128x16xf32, #tpu.memory_space<vmem>>
      %dma_wait3A_742 = tpu.memref_squeeze %dma_wait3A_741 : memref<1x1x128x16xf32, #tpu.memory_space<vmem>> -> memref<128x16xf32, #tpu.memory_space<vmem>>
      %dma_wait3A_743 = arith.constant 384 : i32
      %dma_wait3A_744 = tpu.memref_slice %arg5[%dma_wait3A_736, %dma_wait3A_743] : memref<2x3328xi32, #tpu.memory_space<vmem>> -> memref<1x128xi32, #tpu.memory_space<vmem>>
      %dma_wait3A_745 = tpu.memref_squeeze %dma_wait3A_744 : memref<1x128xi32, #tpu.memory_space<vmem>> -> memref<128xi32, #tpu.memory_space<vmem>>
      %dma_wait3A_746 = arith.constant 0 : i32
      %dma_wait3A_747 = arith.constant 0 : i32
      %dma_wait3A_748 = tpu.memref_slice %arg2[%dma_wait3A_746, %dma_wait3A_747] : memref<2600000x16xf32, #tpu.memory_space<hbm>> -> memref<2600000x16xf32, #tpu.memory_space<hbm>>
      tpu.wait_indirect_dma semaphore(%arg7 : memref<!tpu.dma_semaphore, #tpu.memory_space<semaphore_mem>>) src(%dma_wait3A_748 : memref<2600000x16xf32, #tpu.memory_space<hbm>>) dst(%dma_wait3A_742 : memref<128x16xf32, #tpu.memory_space<vmem>>)
      %dma_wait3A_749 = arith.constant 0 : i32
      %dma_wait3A_750 = arith.constant 0 : i32
      %dma_wait3A_751 = arith.constant 4 : i32
      %dma_wait3A_752 = arith.constant 0 : i32
      %dma_wait3A_753 = arith.constant 0 : i32
      %dma_wait3A_754 = tpu.memref_slice %arg6[%dma_wait3A_750, %dma_wait3A_751, %dma_wait3A_752, %dma_wait3A_753] : memref<2x26x128x16xf32, #tpu.memory_space<vmem>> -> memref<1x1x128x16xf32, #tpu.memory_space<vmem>>
      %dma_wait3A_755 = tpu.memref_squeeze %dma_wait3A_754 : memref<1x1x128x16xf32, #tpu.memory_space<vmem>> -> memref<128x16xf32, #tpu.memory_space<vmem>>
      %dma_wait3A_756 = arith.constant 512 : i32
      %dma_wait3A_757 = tpu.memref_slice %arg5[%dma_wait3A_749, %dma_wait3A_756] : memref<2x3328xi32, #tpu.memory_space<vmem>> -> memref<1x128xi32, #tpu.memory_space<vmem>>
      %dma_wait3A_758 = tpu.memref_squeeze %dma_wait3A_757 : memref<1x128xi32, #tpu.memory_space<vmem>> -> memref<128xi32, #tpu.memory_space<vmem>>
      %dma_wait3A_759 = arith.constant 0 : i32
      %dma_wait3A_760 = arith.constant 0 : i32
      %dma_wait3A_761 = tpu.memref_slice %arg2[%dma_wait3A_759, %dma_wait3A_760] : memref<2600000x16xf32, #tpu.memory_space<hbm>> -> memref<2600000x16xf32, #tpu.memory_space<hbm>>
      tpu.wait_indirect_dma semaphore(%arg7 : memref<!tpu.dma_semaphore, #tpu.memory_space<semaphore_mem>>) src(%dma_wait3A_761 : memref<2600000x16xf32, #tpu.memory_space<hbm>>) dst(%dma_wait3A_755 : memref<128x16xf32, #tpu.memory_space<vmem>>)
      %dma_wait3A_762 = arith.constant 0 : i32
      %dma_wait3A_763 = arith.constant 0 : i32
      %dma_wait3A_764 = arith.constant 5 : i32
      %dma_wait3A_765 = arith.constant 0 : i32
      %dma_wait3A_766 = arith.constant 0 : i32
      %dma_wait3A_767 = tpu.memref_slice %arg6[%dma_wait3A_763, %dma_wait3A_764, %dma_wait3A_765, %dma_wait3A_766] : memref<2x26x128x16xf32, #tpu.memory_space<vmem>> -> memref<1x1x128x16xf32, #tpu.memory_space<vmem>>
      %dma_wait3A_768 = tpu.memref_squeeze %dma_wait3A_767 : memref<1x1x128x16xf32, #tpu.memory_space<vmem>> -> memref<128x16xf32, #tpu.memory_space<vmem>>
      %dma_wait3A_769 = arith.constant 640 : i32
      %dma_wait3A_770 = tpu.memref_slice %arg5[%dma_wait3A_762, %dma_wait3A_769] : memref<2x3328xi32, #tpu.memory_space<vmem>> -> memref<1x128xi32, #tpu.memory_space<vmem>>
      %dma_wait3A_771 = tpu.memref_squeeze %dma_wait3A_770 : memref<1x128xi32, #tpu.memory_space<vmem>> -> memref<128xi32, #tpu.memory_space<vmem>>
      %dma_wait3A_772 = arith.constant 0 : i32
      %dma_wait3A_773 = arith.constant 0 : i32
      %dma_wait3A_774 = tpu.memref_slice %arg2[%dma_wait3A_772, %dma_wait3A_773] : memref<2600000x16xf32, #tpu.memory_space<hbm>> -> memref<2600000x16xf32, #tpu.memory_space<hbm>>
      tpu.wait_indirect_dma semaphore(%arg7 : memref<!tpu.dma_semaphore, #tpu.memory_space<semaphore_mem>>) src(%dma_wait3A_774 : memref<2600000x16xf32, #tpu.memory_space<hbm>>) dst(%dma_wait3A_768 : memref<128x16xf32, #tpu.memory_space<vmem>>)
      %dma_wait3A_775 = arith.constant 0 : i32
      %dma_wait3A_776 = arith.constant 0 : i32
      %dma_wait3A_777 = arith.constant 6 : i32
      %dma_wait3A_778 = arith.constant 0 : i32
      %dma_wait3A_779 = arith.constant 0 : i32
      %dma_wait3A_780 = tpu.memref_slice %arg6[%dma_wait3A_776, %dma_wait3A_777, %dma_wait3A_778, %dma_wait3A_779] : memref<2x26x128x16xf32, #tpu.memory_space<vmem>> -> memref<1x1x128x16xf32, #tpu.memory_space<vmem>>
      %dma_wait3A_781 = tpu.memref_squeeze %dma_wait3A_780 : memref<1x1x128x16xf32, #tpu.memory_space<vmem>> -> memref<128x16xf32, #tpu.memory_space<vmem>>
      %dma_wait3A_782 = arith.constant 768 : i32
      %dma_wait3A_783 = tpu.memref_slice %arg5[%dma_wait3A_775, %dma_wait3A_782] : memref<2x3328xi32, #tpu.memory_space<vmem>> -> memref<1x128xi32, #tpu.memory_space<vmem>>
      %dma_wait3A_784 = tpu.memref_squeeze %dma_wait3A_783 : memref<1x128xi32, #tpu.memory_space<vmem>> -> memref<128xi32, #tpu.memory_space<vmem>>
      %dma_wait3A_785 = arith.constant 0 : i32
      %dma_wait3A_786 = arith.constant 0 : i32
      %dma_wait3A_787 = tpu.memref_slice %arg2[%dma_wait3A_785, %dma_wait3A_786] : memref<2600000x16xf32, #tpu.memory_space<hbm>> -> memref<2600000x16xf32, #tpu.memory_space<hbm>>
      tpu.wait_indirect_dma semaphore(%arg7 : memref<!tpu.dma_semaphore, #tpu.memory_space<semaphore_mem>>) src(%dma_wait3A_787 : memref<2600000x16xf32, #tpu.memory_space<hbm>>) dst(%dma_wait3A_781 : memref<128x16xf32, #tpu.memory_space<vmem>>)
      %dma_wait3A_788 = arith.constant 0 : i32
      %dma_wait3A_789 = arith.constant 0 : i32
      %dma_wait3A_790 = arith.constant 7 : i32
      %dma_wait3A_791 = arith.constant 0 : i32
      %dma_wait3A_792 = arith.constant 0 : i32
      %dma_wait3A_793 = tpu.memref_slice %arg6[%dma_wait3A_789, %dma_wait3A_790, %dma_wait3A_791, %dma_wait3A_792] : memref<2x26x128x16xf32, #tpu.memory_space<vmem>> -> memref<1x1x128x16xf32, #tpu.memory_space<vmem>>
      %dma_wait3A_794 = tpu.memref_squeeze %dma_wait3A_793 : memref<1x1x128x16xf32, #tpu.memory_space<vmem>> -> memref<128x16xf32, #tpu.memory_space<vmem>>
      %dma_wait3A_795 = arith.constant 896 : i32
      %dma_wait3A_796 = tpu.memref_slice %arg5[%dma_wait3A_788, %dma_wait3A_795] : memref<2x3328xi32, #tpu.memory_space<vmem>> -> memref<1x128xi32, #tpu.memory_space<vmem>>
      %dma_wait3A_797 = tpu.memref_squeeze %dma_wait3A_796 : memref<1x128xi32, #tpu.memory_space<vmem>> -> memref<128xi32, #tpu.memory_space<vmem>>
      %dma_wait3A_798 = arith.constant 0 : i32
      %dma_wait3A_799 = arith.constant 0 : i32
      %dma_wait3A_800 = tpu.memref_slice %arg2[%dma_wait3A_798, %dma_wait3A_799] : memref<2600000x16xf32, #tpu.memory_space<hbm>> -> memref<2600000x16xf32, #tpu.memory_space<hbm>>
      tpu.wait_indirect_dma semaphore(%arg7 : memref<!tpu.dma_semaphore, #tpu.memory_space<semaphore_mem>>) src(%dma_wait3A_800 : memref<2600000x16xf32, #tpu.memory_space<hbm>>) dst(%dma_wait3A_794 : memref<128x16xf32, #tpu.memory_space<vmem>>)
      %dma_wait3A_801 = arith.constant 0 : i32
      %dma_wait3A_802 = arith.constant 0 : i32
      %dma_wait3A_803 = arith.constant 8 : i32
      %dma_wait3A_804 = arith.constant 0 : i32
      %dma_wait3A_805 = arith.constant 0 : i32
      %dma_wait3A_806 = tpu.memref_slice %arg6[%dma_wait3A_802, %dma_wait3A_803, %dma_wait3A_804, %dma_wait3A_805] : memref<2x26x128x16xf32, #tpu.memory_space<vmem>> -> memref<1x1x128x16xf32, #tpu.memory_space<vmem>>
      %dma_wait3A_807 = tpu.memref_squeeze %dma_wait3A_806 : memref<1x1x128x16xf32, #tpu.memory_space<vmem>> -> memref<128x16xf32, #tpu.memory_space<vmem>>
      %dma_wait3A_808 = arith.constant 1024 : i32
      %dma_wait3A_809 = tpu.memref_slice %arg5[%dma_wait3A_801, %dma_wait3A_808] : memref<2x3328xi32, #tpu.memory_space<vmem>> -> memref<1x128xi32, #tpu.memory_space<vmem>>
      %dma_wait3A_810 = tpu.memref_squeeze %dma_wait3A_809 : memref<1x128xi32, #tpu.memory_space<vmem>> -> memref<128xi32, #tpu.memory_space<vmem>>
      %dma_wait3A_811 = arith.constant 0 : i32
      %dma_wait3A_812 = arith.constant 0 : i32
      %dma_wait3A_813 = tpu.memref_slice %arg2[%dma_wait3A_811, %dma_wait3A_812] : memref<2600000x16xf32, #tpu.memory_space<hbm>> -> memref<2600000x16xf32, #tpu.memory_space<hbm>>
      tpu.wait_indirect_dma semaphore(%arg7 : memref<!tpu.dma_semaphore, #tpu.memory_space<semaphore_mem>>) src(%dma_wait3A_813 : memref<2600000x16xf32, #tpu.memory_space<hbm>>) dst(%dma_wait3A_807 : memref<128x16xf32, #tpu.memory_space<vmem>>)
      %dma_wait3A_814 = arith.constant 0 : i32
      %dma_wait3A_815 = arith.constant 0 : i32
      %dma_wait3A_816 = arith.constant 9 : i32
      %dma_wait3A_817 = arith.constant 0 : i32
      %dma_wait3A_818 = arith.constant 0 : i32
      %dma_wait3A_819 = tpu.memref_slice %arg6[%dma_wait3A_815, %dma_wait3A_816, %dma_wait3A_817, %dma_wait3A_818] : memref<2x26x128x16xf32, #tpu.memory_space<vmem>> -> memref<1x1x128x16xf32, #tpu.memory_space<vmem>>
      %dma_wait3A_820 = tpu.memref_squeeze %dma_wait3A_819 : memref<1x1x128x16xf32, #tpu.memory_space<vmem>> -> memref<128x16xf32, #tpu.memory_space<vmem>>
      %dma_wait3A_821 = arith.constant 1152 : i32
      %dma_wait3A_822 = tpu.memref_slice %arg5[%dma_wait3A_814, %dma_wait3A_821] : memref<2x3328xi32, #tpu.memory_space<vmem>> -> memref<1x128xi32, #tpu.memory_space<vmem>>
      %dma_wait3A_823 = tpu.memref_squeeze %dma_wait3A_822 : memref<1x128xi32, #tpu.memory_space<vmem>> -> memref<128xi32, #tpu.memory_space<vmem>>
      %dma_wait3A_824 = arith.constant 0 : i32
      %dma_wait3A_825 = arith.constant 0 : i32
      %dma_wait3A_826 = tpu.memref_slice %arg2[%dma_wait3A_824, %dma_wait3A_825] : memref<2600000x16xf32, #tpu.memory_space<hbm>> -> memref<2600000x16xf32, #tpu.memory_space<hbm>>
      tpu.wait_indirect_dma semaphore(%arg7 : memref<!tpu.dma_semaphore, #tpu.memory_space<semaphore_mem>>) src(%dma_wait3A_826 : memref<2600000x16xf32, #tpu.memory_space<hbm>>) dst(%dma_wait3A_820 : memref<128x16xf32, #tpu.memory_space<vmem>>)
      %dma_wait3A_827 = arith.constant 0 : i32
      %dma_wait3A_828 = arith.constant 0 : i32
      %dma_wait3A_829 = arith.constant 10 : i32
      %dma_wait3A_830 = arith.constant 0 : i32
      %dma_wait3A_831 = arith.constant 0 : i32
      %dma_wait3A_832 = tpu.memref_slice %arg6[%dma_wait3A_828, %dma_wait3A_829, %dma_wait3A_830, %dma_wait3A_831] : memref<2x26x128x16xf32, #tpu.memory_space<vmem>> -> memref<1x1x128x16xf32, #tpu.memory_space<vmem>>
      %dma_wait3A_833 = tpu.memref_squeeze %dma_wait3A_832 : memref<1x1x128x16xf32, #tpu.memory_space<vmem>> -> memref<128x16xf32, #tpu.memory_space<vmem>>
      %dma_wait3A_834 = arith.constant 1280 : i32
      %dma_wait3A_835 = tpu.memref_slice %arg5[%dma_wait3A_827, %dma_wait3A_834] : memref<2x3328xi32, #tpu.memory_space<vmem>> -> memref<1x128xi32, #tpu.memory_space<vmem>>
      %dma_wait3A_836 = tpu.memref_squeeze %dma_wait3A_835 : memref<1x128xi32, #tpu.memory_space<vmem>> -> memref<128xi32, #tpu.memory_space<vmem>>
      %dma_wait3A_837 = arith.constant 0 : i32
      %dma_wait3A_838 = arith.constant 0 : i32
      %dma_wait3A_839 = tpu.memref_slice %arg2[%dma_wait3A_837, %dma_wait3A_838] : memref<2600000x16xf32, #tpu.memory_space<hbm>> -> memref<2600000x16xf32, #tpu.memory_space<hbm>>
      tpu.wait_indirect_dma semaphore(%arg7 : memref<!tpu.dma_semaphore, #tpu.memory_space<semaphore_mem>>) src(%dma_wait3A_839 : memref<2600000x16xf32, #tpu.memory_space<hbm>>) dst(%dma_wait3A_833 : memref<128x16xf32, #tpu.memory_space<vmem>>)
      %dma_wait3A_840 = arith.constant 0 : i32
      %dma_wait3A_841 = arith.constant 0 : i32
      %dma_wait3A_842 = arith.constant 11 : i32
      %dma_wait3A_843 = arith.constant 0 : i32
      %dma_wait3A_844 = arith.constant 0 : i32
      %dma_wait3A_845 = tpu.memref_slice %arg6[%dma_wait3A_841, %dma_wait3A_842, %dma_wait3A_843, %dma_wait3A_844] : memref<2x26x128x16xf32, #tpu.memory_space<vmem>> -> memref<1x1x128x16xf32, #tpu.memory_space<vmem>>
      %dma_wait3A_846 = tpu.memref_squeeze %dma_wait3A_845 : memref<1x1x128x16xf32, #tpu.memory_space<vmem>> -> memref<128x16xf32, #tpu.memory_space<vmem>>
      %dma_wait3A_847 = arith.constant 1408 : i32
      %dma_wait3A_848 = tpu.memref_slice %arg5[%dma_wait3A_840, %dma_wait3A_847] : memref<2x3328xi32, #tpu.memory_space<vmem>> -> memref<1x128xi32, #tpu.memory_space<vmem>>
      %dma_wait3A_849 = tpu.memref_squeeze %dma_wait3A_848 : memref<1x128xi32, #tpu.memory_space<vmem>> -> memref<128xi32, #tpu.memory_space<vmem>>
      %dma_wait3A_850 = arith.constant 0 : i32
      %dma_wait3A_851 = arith.constant 0 : i32
      %dma_wait3A_852 = tpu.memref_slice %arg2[%dma_wait3A_850, %dma_wait3A_851] : memref<2600000x16xf32, #tpu.memory_space<hbm>> -> memref<2600000x16xf32, #tpu.memory_space<hbm>>
      tpu.wait_indirect_dma semaphore(%arg7 : memref<!tpu.dma_semaphore, #tpu.memory_space<semaphore_mem>>) src(%dma_wait3A_852 : memref<2600000x16xf32, #tpu.memory_space<hbm>>) dst(%dma_wait3A_846 : memref<128x16xf32, #tpu.memory_space<vmem>>)
      %dma_wait3A_853 = arith.constant 0 : i32
      %dma_wait3A_854 = arith.constant 0 : i32
      %dma_wait3A_855 = arith.constant 12 : i32
      %dma_wait3A_856 = arith.constant 0 : i32
      %dma_wait3A_857 = arith.constant 0 : i32
      %dma_wait3A_858 = tpu.memref_slice %arg6[%dma_wait3A_854, %dma_wait3A_855, %dma_wait3A_856, %dma_wait3A_857] : memref<2x26x128x16xf32, #tpu.memory_space<vmem>> -> memref<1x1x128x16xf32, #tpu.memory_space<vmem>>
      %dma_wait3A_859 = tpu.memref_squeeze %dma_wait3A_858 : memref<1x1x128x16xf32, #tpu.memory_space<vmem>> -> memref<128x16xf32, #tpu.memory_space<vmem>>
      %dma_wait3A_860 = arith.constant 1536 : i32
      %dma_wait3A_861 = tpu.memref_slice %arg5[%dma_wait3A_853, %dma_wait3A_860] : memref<2x3328xi32, #tpu.memory_space<vmem>> -> memref<1x128xi32, #tpu.memory_space<vmem>>
      %dma_wait3A_862 = tpu.memref_squeeze %dma_wait3A_861 : memref<1x128xi32, #tpu.memory_space<vmem>> -> memref<128xi32, #tpu.memory_space<vmem>>
      %dma_wait3A_863 = arith.constant 0 : i32
      %dma_wait3A_864 = arith.constant 0 : i32
      %dma_wait3A_865 = tpu.memref_slice %arg2[%dma_wait3A_863, %dma_wait3A_864] : memref<2600000x16xf32, #tpu.memory_space<hbm>> -> memref<2600000x16xf32, #tpu.memory_space<hbm>>
      tpu.wait_indirect_dma semaphore(%arg7 : memref<!tpu.dma_semaphore, #tpu.memory_space<semaphore_mem>>) src(%dma_wait3A_865 : memref<2600000x16xf32, #tpu.memory_space<hbm>>) dst(%dma_wait3A_859 : memref<128x16xf32, #tpu.memory_space<vmem>>)
      %dma_wait3A_866 = arith.constant 0 : i32
      %dma_wait3A_867 = arith.constant 0 : i32
      %dma_wait3A_868 = arith.constant 13 : i32
      %dma_wait3A_869 = arith.constant 0 : i32
      %dma_wait3A_870 = arith.constant 0 : i32
      %dma_wait3A_871 = tpu.memref_slice %arg6[%dma_wait3A_867, %dma_wait3A_868, %dma_wait3A_869, %dma_wait3A_870] : memref<2x26x128x16xf32, #tpu.memory_space<vmem>> -> memref<1x1x128x16xf32, #tpu.memory_space<vmem>>
      %dma_wait3A_872 = tpu.memref_squeeze %dma_wait3A_871 : memref<1x1x128x16xf32, #tpu.memory_space<vmem>> -> memref<128x16xf32, #tpu.memory_space<vmem>>
      %dma_wait3A_873 = arith.constant 1664 : i32
      %dma_wait3A_874 = tpu.memref_slice %arg5[%dma_wait3A_866, %dma_wait3A_873] : memref<2x3328xi32, #tpu.memory_space<vmem>> -> memref<1x128xi32, #tpu.memory_space<vmem>>
      %dma_wait3A_875 = tpu.memref_squeeze %dma_wait3A_874 : memref<1x128xi32, #tpu.memory_space<vmem>> -> memref<128xi32, #tpu.memory_space<vmem>>
      %dma_wait3A_876 = arith.constant 0 : i32
      %dma_wait3A_877 = arith.constant 0 : i32
      %dma_wait3A_878 = tpu.memref_slice %arg2[%dma_wait3A_876, %dma_wait3A_877] : memref<2600000x16xf32, #tpu.memory_space<hbm>> -> memref<2600000x16xf32, #tpu.memory_space<hbm>>
      tpu.wait_indirect_dma semaphore(%arg7 : memref<!tpu.dma_semaphore, #tpu.memory_space<semaphore_mem>>) src(%dma_wait3A_878 : memref<2600000x16xf32, #tpu.memory_space<hbm>>) dst(%dma_wait3A_872 : memref<128x16xf32, #tpu.memory_space<vmem>>)
      %dma_wait3A_879 = arith.constant 0 : i32
      %dma_wait3A_880 = arith.constant 0 : i32
      %dma_wait3A_881 = arith.constant 14 : i32
      %dma_wait3A_882 = arith.constant 0 : i32
      %dma_wait3A_883 = arith.constant 0 : i32
      %dma_wait3A_884 = tpu.memref_slice %arg6[%dma_wait3A_880, %dma_wait3A_881, %dma_wait3A_882, %dma_wait3A_883] : memref<2x26x128x16xf32, #tpu.memory_space<vmem>> -> memref<1x1x128x16xf32, #tpu.memory_space<vmem>>
      %dma_wait3A_885 = tpu.memref_squeeze %dma_wait3A_884 : memref<1x1x128x16xf32, #tpu.memory_space<vmem>> -> memref<128x16xf32, #tpu.memory_space<vmem>>
      %dma_wait3A_886 = arith.constant 1792 : i32
      %dma_wait3A_887 = tpu.memref_slice %arg5[%dma_wait3A_879, %dma_wait3A_886] : memref<2x3328xi32, #tpu.memory_space<vmem>> -> memref<1x128xi32, #tpu.memory_space<vmem>>
      %dma_wait3A_888 = tpu.memref_squeeze %dma_wait3A_887 : memref<1x128xi32, #tpu.memory_space<vmem>> -> memref<128xi32, #tpu.memory_space<vmem>>
      %dma_wait3A_889 = arith.constant 0 : i32
      %dma_wait3A_890 = arith.constant 0 : i32
      %dma_wait3A_891 = tpu.memref_slice %arg2[%dma_wait3A_889, %dma_wait3A_890] : memref<2600000x16xf32, #tpu.memory_space<hbm>> -> memref<2600000x16xf32, #tpu.memory_space<hbm>>
      tpu.wait_indirect_dma semaphore(%arg7 : memref<!tpu.dma_semaphore, #tpu.memory_space<semaphore_mem>>) src(%dma_wait3A_891 : memref<2600000x16xf32, #tpu.memory_space<hbm>>) dst(%dma_wait3A_885 : memref<128x16xf32, #tpu.memory_space<vmem>>)
      %dma_wait3A_892 = arith.constant 0 : i32
      %dma_wait3A_893 = arith.constant 0 : i32
      %dma_wait3A_894 = arith.constant 15 : i32
      %dma_wait3A_895 = arith.constant 0 : i32
      %dma_wait3A_896 = arith.constant 0 : i32
      %dma_wait3A_897 = tpu.memref_slice %arg6[%dma_wait3A_893, %dma_wait3A_894, %dma_wait3A_895, %dma_wait3A_896] : memref<2x26x128x16xf32, #tpu.memory_space<vmem>> -> memref<1x1x128x16xf32, #tpu.memory_space<vmem>>
      %dma_wait3A_898 = tpu.memref_squeeze %dma_wait3A_897 : memref<1x1x128x16xf32, #tpu.memory_space<vmem>> -> memref<128x16xf32, #tpu.memory_space<vmem>>
      %dma_wait3A_899 = arith.constant 1920 : i32
      %dma_wait3A_900 = tpu.memref_slice %arg5[%dma_wait3A_892, %dma_wait3A_899] : memref<2x3328xi32, #tpu.memory_space<vmem>> -> memref<1x128xi32, #tpu.memory_space<vmem>>
      %dma_wait3A_901 = tpu.memref_squeeze %dma_wait3A_900 : memref<1x128xi32, #tpu.memory_space<vmem>> -> memref<128xi32, #tpu.memory_space<vmem>>
      %dma_wait3A_902 = arith.constant 0 : i32
      %dma_wait3A_903 = arith.constant 0 : i32
      %dma_wait3A_904 = tpu.memref_slice %arg2[%dma_wait3A_902, %dma_wait3A_903] : memref<2600000x16xf32, #tpu.memory_space<hbm>> -> memref<2600000x16xf32, #tpu.memory_space<hbm>>
      tpu.wait_indirect_dma semaphore(%arg7 : memref<!tpu.dma_semaphore, #tpu.memory_space<semaphore_mem>>) src(%dma_wait3A_904 : memref<2600000x16xf32, #tpu.memory_space<hbm>>) dst(%dma_wait3A_898 : memref<128x16xf32, #tpu.memory_space<vmem>>)
      %dma_wait3A_905 = arith.constant 0 : i32
      %dma_wait3A_906 = arith.constant 0 : i32
      %dma_wait3A_907 = arith.constant 16 : i32
      %dma_wait3A_908 = arith.constant 0 : i32
      %dma_wait3A_909 = arith.constant 0 : i32
      %dma_wait3A_910 = tpu.memref_slice %arg6[%dma_wait3A_906, %dma_wait3A_907, %dma_wait3A_908, %dma_wait3A_909] : memref<2x26x128x16xf32, #tpu.memory_space<vmem>> -> memref<1x1x128x16xf32, #tpu.memory_space<vmem>>
      %dma_wait3A_911 = tpu.memref_squeeze %dma_wait3A_910 : memref<1x1x128x16xf32, #tpu.memory_space<vmem>> -> memref<128x16xf32, #tpu.memory_space<vmem>>
      %dma_wait3A_912 = arith.constant 2048 : i32
      %dma_wait3A_913 = tpu.memref_slice %arg5[%dma_wait3A_905, %dma_wait3A_912] : memref<2x3328xi32, #tpu.memory_space<vmem>> -> memref<1x128xi32, #tpu.memory_space<vmem>>
      %dma_wait3A_914 = tpu.memref_squeeze %dma_wait3A_913 : memref<1x128xi32, #tpu.memory_space<vmem>> -> memref<128xi32, #tpu.memory_space<vmem>>
      %dma_wait3A_915 = arith.constant 0 : i32
      %dma_wait3A_916 = arith.constant 0 : i32
      %dma_wait3A_917 = tpu.memref_slice %arg2[%dma_wait3A_915, %dma_wait3A_916] : memref<2600000x16xf32, #tpu.memory_space<hbm>> -> memref<2600000x16xf32, #tpu.memory_space<hbm>>
      tpu.wait_indirect_dma semaphore(%arg7 : memref<!tpu.dma_semaphore, #tpu.memory_space<semaphore_mem>>) src(%dma_wait3A_917 : memref<2600000x16xf32, #tpu.memory_space<hbm>>) dst(%dma_wait3A_911 : memref<128x16xf32, #tpu.memory_space<vmem>>)
      %dma_wait3A_918 = arith.constant 0 : i32
      %dma_wait3A_919 = arith.constant 0 : i32
      %dma_wait3A_920 = arith.constant 17 : i32
      %dma_wait3A_921 = arith.constant 0 : i32
      %dma_wait3A_922 = arith.constant 0 : i32
      %dma_wait3A_923 = tpu.memref_slice %arg6[%dma_wait3A_919, %dma_wait3A_920, %dma_wait3A_921, %dma_wait3A_922] : memref<2x26x128x16xf32, #tpu.memory_space<vmem>> -> memref<1x1x128x16xf32, #tpu.memory_space<vmem>>
      %dma_wait3A_924 = tpu.memref_squeeze %dma_wait3A_923 : memref<1x1x128x16xf32, #tpu.memory_space<vmem>> -> memref<128x16xf32, #tpu.memory_space<vmem>>
      %dma_wait3A_925 = arith.constant 2176 : i32
      %dma_wait3A_926 = tpu.memref_slice %arg5[%dma_wait3A_918, %dma_wait3A_925] : memref<2x3328xi32, #tpu.memory_space<vmem>> -> memref<1x128xi32, #tpu.memory_space<vmem>>
      %dma_wait3A_927 = tpu.memref_squeeze %dma_wait3A_926 : memref<1x128xi32, #tpu.memory_space<vmem>> -> memref<128xi32, #tpu.memory_space<vmem>>
      %dma_wait3A_928 = arith.constant 0 : i32
      %dma_wait3A_929 = arith.constant 0 : i32
      %dma_wait3A_930 = tpu.memref_slice %arg2[%dma_wait3A_928, %dma_wait3A_929] : memref<2600000x16xf32, #tpu.memory_space<hbm>> -> memref<2600000x16xf32, #tpu.memory_space<hbm>>
      tpu.wait_indirect_dma semaphore(%arg7 : memref<!tpu.dma_semaphore, #tpu.memory_space<semaphore_mem>>) src(%dma_wait3A_930 : memref<2600000x16xf32, #tpu.memory_space<hbm>>) dst(%dma_wait3A_924 : memref<128x16xf32, #tpu.memory_space<vmem>>)
      %dma_wait3A_931 = arith.constant 0 : i32
      %dma_wait3A_932 = arith.constant 0 : i32
      %dma_wait3A_933 = arith.constant 18 : i32
      %dma_wait3A_934 = arith.constant 0 : i32
      %dma_wait3A_935 = arith.constant 0 : i32
      %dma_wait3A_936 = tpu.memref_slice %arg6[%dma_wait3A_932, %dma_wait3A_933, %dma_wait3A_934, %dma_wait3A_935] : memref<2x26x128x16xf32, #tpu.memory_space<vmem>> -> memref<1x1x128x16xf32, #tpu.memory_space<vmem>>
      %dma_wait3A_937 = tpu.memref_squeeze %dma_wait3A_936 : memref<1x1x128x16xf32, #tpu.memory_space<vmem>> -> memref<128x16xf32, #tpu.memory_space<vmem>>
      %dma_wait3A_938 = arith.constant 2304 : i32
      %dma_wait3A_939 = tpu.memref_slice %arg5[%dma_wait3A_931, %dma_wait3A_938] : memref<2x3328xi32, #tpu.memory_space<vmem>> -> memref<1x128xi32, #tpu.memory_space<vmem>>
      %dma_wait3A_940 = tpu.memref_squeeze %dma_wait3A_939 : memref<1x128xi32, #tpu.memory_space<vmem>> -> memref<128xi32, #tpu.memory_space<vmem>>
      %dma_wait3A_941 = arith.constant 0 : i32
      %dma_wait3A_942 = arith.constant 0 : i32
      %dma_wait3A_943 = tpu.memref_slice %arg2[%dma_wait3A_941, %dma_wait3A_942] : memref<2600000x16xf32, #tpu.memory_space<hbm>> -> memref<2600000x16xf32, #tpu.memory_space<hbm>>
      tpu.wait_indirect_dma semaphore(%arg7 : memref<!tpu.dma_semaphore, #tpu.memory_space<semaphore_mem>>) src(%dma_wait3A_943 : memref<2600000x16xf32, #tpu.memory_space<hbm>>) dst(%dma_wait3A_937 : memref<128x16xf32, #tpu.memory_space<vmem>>)
      %dma_wait3A_944 = arith.constant 0 : i32
      %dma_wait3A_945 = arith.constant 0 : i32
      %dma_wait3A_946 = arith.constant 19 : i32
      %dma_wait3A_947 = arith.constant 0 : i32
      %dma_wait3A_948 = arith.constant 0 : i32
      %dma_wait3A_949 = tpu.memref_slice %arg6[%dma_wait3A_945, %dma_wait3A_946, %dma_wait3A_947, %dma_wait3A_948] : memref<2x26x128x16xf32, #tpu.memory_space<vmem>> -> memref<1x1x128x16xf32, #tpu.memory_space<vmem>>
      %dma_wait3A_950 = tpu.memref_squeeze %dma_wait3A_949 : memref<1x1x128x16xf32, #tpu.memory_space<vmem>> -> memref<128x16xf32, #tpu.memory_space<vmem>>
      %dma_wait3A_951 = arith.constant 2432 : i32
      %dma_wait3A_952 = tpu.memref_slice %arg5[%dma_wait3A_944, %dma_wait3A_951] : memref<2x3328xi32, #tpu.memory_space<vmem>> -> memref<1x128xi32, #tpu.memory_space<vmem>>
      %dma_wait3A_953 = tpu.memref_squeeze %dma_wait3A_952 : memref<1x128xi32, #tpu.memory_space<vmem>> -> memref<128xi32, #tpu.memory_space<vmem>>
      %dma_wait3A_954 = arith.constant 0 : i32
      %dma_wait3A_955 = arith.constant 0 : i32
      %dma_wait3A_956 = tpu.memref_slice %arg2[%dma_wait3A_954, %dma_wait3A_955] : memref<2600000x16xf32, #tpu.memory_space<hbm>> -> memref<2600000x16xf32, #tpu.memory_space<hbm>>
      tpu.wait_indirect_dma semaphore(%arg7 : memref<!tpu.dma_semaphore, #tpu.memory_space<semaphore_mem>>) src(%dma_wait3A_956 : memref<2600000x16xf32, #tpu.memory_space<hbm>>) dst(%dma_wait3A_950 : memref<128x16xf32, #tpu.memory_space<vmem>>)
      %dma_wait3A_957 = arith.constant 0 : i32
      %dma_wait3A_958 = arith.constant 0 : i32
      %dma_wait3A_959 = arith.constant 20 : i32
      %dma_wait3A_960 = arith.constant 0 : i32
      %dma_wait3A_961 = arith.constant 0 : i32
      %dma_wait3A_962 = tpu.memref_slice %arg6[%dma_wait3A_958, %dma_wait3A_959, %dma_wait3A_960, %dma_wait3A_961] : memref<2x26x128x16xf32, #tpu.memory_space<vmem>> -> memref<1x1x128x16xf32, #tpu.memory_space<vmem>>
      %dma_wait3A_963 = tpu.memref_squeeze %dma_wait3A_962 : memref<1x1x128x16xf32, #tpu.memory_space<vmem>> -> memref<128x16xf32, #tpu.memory_space<vmem>>
      %dma_wait3A_964 = arith.constant 2560 : i32
      %dma_wait3A_965 = tpu.memref_slice %arg5[%dma_wait3A_957, %dma_wait3A_964] : memref<2x3328xi32, #tpu.memory_space<vmem>> -> memref<1x128xi32, #tpu.memory_space<vmem>>
      %dma_wait3A_966 = tpu.memref_squeeze %dma_wait3A_965 : memref<1x128xi32, #tpu.memory_space<vmem>> -> memref<128xi32, #tpu.memory_space<vmem>>
      %dma_wait3A_967 = arith.constant 0 : i32
      %dma_wait3A_968 = arith.constant 0 : i32
      %dma_wait3A_969 = tpu.memref_slice %arg2[%dma_wait3A_967, %dma_wait3A_968] : memref<2600000x16xf32, #tpu.memory_space<hbm>> -> memref<2600000x16xf32, #tpu.memory_space<hbm>>
      tpu.wait_indirect_dma semaphore(%arg7 : memref<!tpu.dma_semaphore, #tpu.memory_space<semaphore_mem>>) src(%dma_wait3A_969 : memref<2600000x16xf32, #tpu.memory_space<hbm>>) dst(%dma_wait3A_963 : memref<128x16xf32, #tpu.memory_space<vmem>>)
      %dma_wait3A_970 = arith.constant 0 : i32
      %dma_wait3A_971 = arith.constant 0 : i32
      %dma_wait3A_972 = arith.constant 21 : i32
      %dma_wait3A_973 = arith.constant 0 : i32
      %dma_wait3A_974 = arith.constant 0 : i32
      %dma_wait3A_975 = tpu.memref_slice %arg6[%dma_wait3A_971, %dma_wait3A_972, %dma_wait3A_973, %dma_wait3A_974] : memref<2x26x128x16xf32, #tpu.memory_space<vmem>> -> memref<1x1x128x16xf32, #tpu.memory_space<vmem>>
      %dma_wait3A_976 = tpu.memref_squeeze %dma_wait3A_975 : memref<1x1x128x16xf32, #tpu.memory_space<vmem>> -> memref<128x16xf32, #tpu.memory_space<vmem>>
      %dma_wait3A_977 = arith.constant 2688 : i32
      %dma_wait3A_978 = tpu.memref_slice %arg5[%dma_wait3A_970, %dma_wait3A_977] : memref<2x3328xi32, #tpu.memory_space<vmem>> -> memref<1x128xi32, #tpu.memory_space<vmem>>
      %dma_wait3A_979 = tpu.memref_squeeze %dma_wait3A_978 : memref<1x128xi32, #tpu.memory_space<vmem>> -> memref<128xi32, #tpu.memory_space<vmem>>
      %dma_wait3A_980 = arith.constant 0 : i32
      %dma_wait3A_981 = arith.constant 0 : i32
      %dma_wait3A_982 = tpu.memref_slice %arg2[%dma_wait3A_980, %dma_wait3A_981] : memref<2600000x16xf32, #tpu.memory_space<hbm>> -> memref<2600000x16xf32, #tpu.memory_space<hbm>>
      tpu.wait_indirect_dma semaphore(%arg7 : memref<!tpu.dma_semaphore, #tpu.memory_space<semaphore_mem>>) src(%dma_wait3A_982 : memref<2600000x16xf32, #tpu.memory_space<hbm>>) dst(%dma_wait3A_976 : memref<128x16xf32, #tpu.memory_space<vmem>>)
      %dma_wait3A_983 = arith.constant 0 : i32
      %dma_wait3A_984 = arith.constant 0 : i32
      %dma_wait3A_985 = arith.constant 22 : i32
      %dma_wait3A_986 = arith.constant 0 : i32
      %dma_wait3A_987 = arith.constant 0 : i32
      %dma_wait3A_988 = tpu.memref_slice %arg6[%dma_wait3A_984, %dma_wait3A_985, %dma_wait3A_986, %dma_wait3A_987] : memref<2x26x128x16xf32, #tpu.memory_space<vmem>> -> memref<1x1x128x16xf32, #tpu.memory_space<vmem>>
      %dma_wait3A_989 = tpu.memref_squeeze %dma_wait3A_988 : memref<1x1x128x16xf32, #tpu.memory_space<vmem>> -> memref<128x16xf32, #tpu.memory_space<vmem>>
      %dma_wait3A_990 = arith.constant 2816 : i32
      %dma_wait3A_991 = tpu.memref_slice %arg5[%dma_wait3A_983, %dma_wait3A_990] : memref<2x3328xi32, #tpu.memory_space<vmem>> -> memref<1x128xi32, #tpu.memory_space<vmem>>
      %dma_wait3A_992 = tpu.memref_squeeze %dma_wait3A_991 : memref<1x128xi32, #tpu.memory_space<vmem>> -> memref<128xi32, #tpu.memory_space<vmem>>
      %dma_wait3A_993 = arith.constant 0 : i32
      %dma_wait3A_994 = arith.constant 0 : i32
      %dma_wait3A_995 = tpu.memref_slice %arg2[%dma_wait3A_993, %dma_wait3A_994] : memref<2600000x16xf32, #tpu.memory_space<hbm>> -> memref<2600000x16xf32, #tpu.memory_space<hbm>>
      tpu.wait_indirect_dma semaphore(%arg7 : memref<!tpu.dma_semaphore, #tpu.memory_space<semaphore_mem>>) src(%dma_wait3A_995 : memref<2600000x16xf32, #tpu.memory_space<hbm>>) dst(%dma_wait3A_989 : memref<128x16xf32, #tpu.memory_space<vmem>>)
      %dma_wait3A_996 = arith.constant 0 : i32
      %dma_wait3A_997 = arith.constant 0 : i32
      %dma_wait3A_998 = arith.constant 23 : i32
      %dma_wait3A_999 = arith.constant 0 : i32
      %dma_wait3A_1000 = arith.constant 0 : i32
      %dma_wait3A_1001 = tpu.memref_slice %arg6[%dma_wait3A_997, %dma_wait3A_998, %dma_wait3A_999, %dma_wait3A_1000] : memref<2x26x128x16xf32, #tpu.memory_space<vmem>> -> memref<1x1x128x16xf32, #tpu.memory_space<vmem>>
      %dma_wait3A_1002 = tpu.memref_squeeze %dma_wait3A_1001 : memref<1x1x128x16xf32, #tpu.memory_space<vmem>> -> memref<128x16xf32, #tpu.memory_space<vmem>>
      %dma_wait3A_1003 = arith.constant 2944 : i32
      %dma_wait3A_1004 = tpu.memref_slice %arg5[%dma_wait3A_996, %dma_wait3A_1003] : memref<2x3328xi32, #tpu.memory_space<vmem>> -> memref<1x128xi32, #tpu.memory_space<vmem>>
      %dma_wait3A_1005 = tpu.memref_squeeze %dma_wait3A_1004 : memref<1x128xi32, #tpu.memory_space<vmem>> -> memref<128xi32, #tpu.memory_space<vmem>>
      %dma_wait3A_1006 = arith.constant 0 : i32
      %dma_wait3A_1007 = arith.constant 0 : i32
      %dma_wait3A_1008 = tpu.memref_slice %arg2[%dma_wait3A_1006, %dma_wait3A_1007] : memref<2600000x16xf32, #tpu.memory_space<hbm>> -> memref<2600000x16xf32, #tpu.memory_space<hbm>>
      tpu.wait_indirect_dma semaphore(%arg7 : memref<!tpu.dma_semaphore, #tpu.memory_space<semaphore_mem>>) src(%dma_wait3A_1008 : memref<2600000x16xf32, #tpu.memory_space<hbm>>) dst(%dma_wait3A_1002 : memref<128x16xf32, #tpu.memory_space<vmem>>)
      %dma_wait3A_1009 = arith.constant 0 : i32
      %dma_wait3A_1010 = arith.constant 0 : i32
      %dma_wait3A_1011 = arith.constant 24 : i32
      %dma_wait3A_1012 = arith.constant 0 : i32
      %dma_wait3A_1013 = arith.constant 0 : i32
      %dma_wait3A_1014 = tpu.memref_slice %arg6[%dma_wait3A_1010, %dma_wait3A_1011, %dma_wait3A_1012, %dma_wait3A_1013] : memref<2x26x128x16xf32, #tpu.memory_space<vmem>> -> memref<1x1x128x16xf32, #tpu.memory_space<vmem>>
      %dma_wait3A_1015 = tpu.memref_squeeze %dma_wait3A_1014 : memref<1x1x128x16xf32, #tpu.memory_space<vmem>> -> memref<128x16xf32, #tpu.memory_space<vmem>>
      %dma_wait3A_1016 = arith.constant 3072 : i32
      %dma_wait3A_1017 = tpu.memref_slice %arg5[%dma_wait3A_1009, %dma_wait3A_1016] : memref<2x3328xi32, #tpu.memory_space<vmem>> -> memref<1x128xi32, #tpu.memory_space<vmem>>
      %dma_wait3A_1018 = tpu.memref_squeeze %dma_wait3A_1017 : memref<1x128xi32, #tpu.memory_space<vmem>> -> memref<128xi32, #tpu.memory_space<vmem>>
      %dma_wait3A_1019 = arith.constant 0 : i32
      %dma_wait3A_1020 = arith.constant 0 : i32
      %dma_wait3A_1021 = tpu.memref_slice %arg2[%dma_wait3A_1019, %dma_wait3A_1020] : memref<2600000x16xf32, #tpu.memory_space<hbm>> -> memref<2600000x16xf32, #tpu.memory_space<hbm>>
      tpu.wait_indirect_dma semaphore(%arg7 : memref<!tpu.dma_semaphore, #tpu.memory_space<semaphore_mem>>) src(%dma_wait3A_1021 : memref<2600000x16xf32, #tpu.memory_space<hbm>>) dst(%dma_wait3A_1015 : memref<128x16xf32, #tpu.memory_space<vmem>>)
      %dma_wait3A_1022 = arith.constant 0 : i32
      %dma_wait3A_1023 = arith.constant 0 : i32
      %dma_wait3A_1024 = arith.constant 25 : i32
      %dma_wait3A_1025 = arith.constant 0 : i32
      %dma_wait3A_1026 = arith.constant 0 : i32
      %dma_wait3A_1027 = tpu.memref_slice %arg6[%dma_wait3A_1023, %dma_wait3A_1024, %dma_wait3A_1025, %dma_wait3A_1026] : memref<2x26x128x16xf32, #tpu.memory_space<vmem>> -> memref<1x1x128x16xf32, #tpu.memory_space<vmem>>
      %dma_wait3A_1028 = tpu.memref_squeeze %dma_wait3A_1027 : memref<1x1x128x16xf32, #tpu.memory_space<vmem>> -> memref<128x16xf32, #tpu.memory_space<vmem>>
      %dma_wait3A_1029 = arith.constant 3200 : i32
      %dma_wait3A_1030 = tpu.memref_slice %arg5[%dma_wait3A_1022, %dma_wait3A_1029] : memref<2x3328xi32, #tpu.memory_space<vmem>> -> memref<1x128xi32, #tpu.memory_space<vmem>>
      %dma_wait3A_1031 = tpu.memref_squeeze %dma_wait3A_1030 : memref<1x128xi32, #tpu.memory_space<vmem>> -> memref<128xi32, #tpu.memory_space<vmem>>
      %dma_wait3A_1032 = arith.constant 0 : i32
      %dma_wait3A_1033 = arith.constant 0 : i32
      %dma_wait3A_1034 = tpu.memref_slice %arg2[%dma_wait3A_1032, %dma_wait3A_1033] : memref<2600000x16xf32, #tpu.memory_space<hbm>> -> memref<2600000x16xf32, #tpu.memory_space<hbm>>
      tpu.wait_indirect_dma semaphore(%arg7 : memref<!tpu.dma_semaphore, #tpu.memory_space<semaphore_mem>>) src(%dma_wait3A_1034 : memref<2600000x16xf32, #tpu.memory_space<hbm>>) dst(%dma_wait3A_1028 : memref<128x16xf32, #tpu.memory_space<vmem>>)
      %mul3A_1035 = arith.constant 26 : i32
      %mul3A_1036 = arith.muli %mul3A_351, %mul3A_1035 : i32
      %add3A_1037 = arith.addi %mul3A_2, %mul3A_1036 : i32
      %run_scoped3A_1038 = arith.constant 0 : i32
      "tpu.region"() ({
        %run_scoped3A_1385 = tpu.sem_alloc : memref<!tpu.dma_semaphore, #tpu.memory_space<semaphore_mem>>
        %dma_start3A_1386 = arith.constant 0 : i32
        %dma_start3A_1387 = arith.constant 0 : i32
        %dma_start3A_1388 = arith.constant 0 : i32
        %dma_start3A_1389 = tpu.memref_slice %arg6[%run_scoped3A_1038, %dma_start3A_1386, %dma_start3A_1387, %dma_start3A_1388] : memref<2x26x128x16xf32, #tpu.memory_space<vmem>> -> memref<1x26x128x16xf32, #tpu.memory_space<vmem>>
        %dma_start3A_1390 = tpu.memref_squeeze %dma_start3A_1389 : memref<1x26x128x16xf32, #tpu.memory_space<vmem>> -> memref<26x128x16xf32, #tpu.memory_space<vmem>>
        %dma_start3A_1391 = arith.constant 0 : i32
        %dma_start3A_1392 = arith.constant 0 : i32
        %dma_start3A_1393 = tpu.memref_slice %arg4[%add3A_1037, %dma_start3A_1391, %dma_start3A_1392] : memref<41600x128x16xf32, #tpu.memory_space<hbm>> -> memref<26x128x16xf32, #tpu.memory_space<hbm>>
        %dma_start3A_1394 = arith.constant 0 : i32
        %dma_start3A_1395 = arith.constant 0 : i32
        %dma_start3A_1396 = tpu.memref_slice %arg4[%add3A_1037, %dma_start3A_1394, %dma_start3A_1395] : memref<41600x128x16xf32, #tpu.memory_space<hbm>> -> memref<26x128x16xf32, #tpu.memory_space<hbm>>
        %dma_start3A_1397 = arith.constant 0 : i32
        %dma_start3A_1398 = arith.constant 0 : i32
        %dma_start3A_1399 = arith.constant 0 : i32
        %dma_start3A_1400 = tpu.memref_slice %arg6[%run_scoped3A_1038, %dma_start3A_1397, %dma_start3A_1398, %dma_start3A_1399] : memref<2x26x128x16xf32, #tpu.memory_space<vmem>> -> memref<1x26x128x16xf32, #tpu.memory_space<vmem>>
        %dma_start3A_1401 = tpu.memref_squeeze %dma_start3A_1400 : memref<1x26x128x16xf32, #tpu.memory_space<vmem>> -> memref<26x128x16xf32, #tpu.memory_space<vmem>>
        tpu.enqueue_dma source(%dma_start3A_1401 : memref<26x128x16xf32, #tpu.memory_space<vmem>>) target(%dma_start3A_1396 : memref<26x128x16xf32, #tpu.memory_space<hbm>>) target_semaphore(%run_scoped3A_1385 : memref<!tpu.dma_semaphore, #tpu.memory_space<semaphore_mem>>)
        %dma_wait3A_1402 = arith.constant 0 : i32
        %dma_wait3A_1403 = arith.constant 0 : i32
        %dma_wait3A_1404 = arith.constant 0 : i32
        %dma_wait3A_1405 = tpu.memref_slice %arg6[%run_scoped3A_1038, %dma_wait3A_1402, %dma_wait3A_1403, %dma_wait3A_1404] : memref<2x26x128x16xf32, #tpu.memory_space<vmem>> -> memref<1x26x128x16xf32, #tpu.memory_space<vmem>>
        %dma_wait3A_1406 = tpu.memref_squeeze %dma_wait3A_1405 : memref<1x26x128x16xf32, #tpu.memory_space<vmem>> -> memref<26x128x16xf32, #tpu.memory_space<vmem>>
        %dma_wait3A_1407 = arith.constant 0 : i32
        %dma_wait3A_1408 = arith.constant 0 : i32
        %dma_wait3A_1409 = tpu.memref_slice %arg4[%add3A_1037, %dma_wait3A_1407, %dma_wait3A_1408] : memref<41600x128x16xf32, #tpu.memory_space<hbm>> -> memref<26x128x16xf32, #tpu.memory_space<hbm>>
        %dma_wait3A_1410 = arith.constant 0 : i32
        %dma_wait3A_1411 = arith.constant 0 : i32
        %dma_wait3A_1412 = tpu.memref_slice %arg4[%add3A_1037, %dma_wait3A_1410, %dma_wait3A_1411] : memref<41600x128x16xf32, #tpu.memory_space<hbm>> -> memref<26x128x16xf32, #tpu.memory_space<hbm>>
        %dma_wait3A_1413 = arith.constant 0 : i32
        %dma_wait3A_1414 = arith.constant 0 : i32
        %dma_wait3A_1415 = arith.constant 0 : i32
        %dma_wait3A_1416 = tpu.memref_slice %arg6[%run_scoped3A_1038, %dma_wait3A_1413, %dma_wait3A_1414, %dma_wait3A_1415] : memref<2x26x128x16xf32, #tpu.memory_space<vmem>> -> memref<1x26x128x16xf32, #tpu.memory_space<vmem>>
        %dma_wait3A_1417 = tpu.memref_squeeze %dma_wait3A_1416 : memref<1x26x128x16xf32, #tpu.memory_space<vmem>> -> memref<26x128x16xf32, #tpu.memory_space<vmem>>
        tpu.wait_dma2 semaphore(%run_scoped3A_1385 : memref<!tpu.dma_semaphore, #tpu.memory_space<semaphore_mem>>) src(%dma_wait3A_1417 : memref<26x128x16xf32, #tpu.memory_space<vmem>>) dst(%dma_wait3A_1412 : memref<26x128x16xf32, #tpu.memory_space<hbm>>)
        tpu.yield
      }) : () -> ()
      %ne3A = arith.constant 24 : i32
      %ne3A_1039 = arith.cmpi ne, %scan3A_349, %ne3A : i32
      %convert_element_type3A = arith.extui %ne3A_1039 : i1 to i32
      %cond3A = arith.constant 0 : i32
      %cond3A_1040 = arith.cmpi ne, %convert_element_type3A, %cond3A : i32
      scf.if %cond3A_1040 {
        %add3A_1385 = arith.constant 2 : i32
        %add3A_1386 = arith.addi %mul3A_351, %add3A_1385 : i32
        %mul3A_1387 = arith.constant 26 : i32
        %mul3A_1388 = arith.muli %add3A_1386, %mul3A_1387 : i32
        %add3A_1389 = arith.addi %mul3A_2, %mul3A_1388 : i32
        %mul3A_1390 = arith.constant 128 : i32
        %mul3A_1391 = arith.muli %add3A_1389, %mul3A_1390 : i32
        %run_scoped3A_1392 = arith.constant 0 : i32
        "tpu.region"() ({
          %run_scoped3A_1731 = tpu.sem_alloc : memref<!tpu.dma_semaphore, #tpu.memory_space<semaphore_mem>>
          %dma_start3A_1732 = arith.constant 0 : i32
          %dma_start3A_1733 = tpu.memref_slice %arg5[%run_scoped3A_1392, %dma_start3A_1732] : memref<2x3328xi32, #tpu.memory_space<vmem>> -> memref<1x3328xi32, #tpu.memory_space<vmem>>
          %dma_start3A_1734 = tpu.memref_squeeze %dma_start3A_1733 : memref<1x3328xi32, #tpu.memory_space<vmem>> -> memref<3328xi32, #tpu.memory_space<vmem>>
          %dma_start3A_1735 = tpu.memref_slice %arg3[%mul3A_1391] : memref<5324800xi32, #tpu.memory_space<hbm>> -> memref<3328xi32, #tpu.memory_space<hbm>>
          %dma_start3A_1736 = arith.constant 0 : i32
          %dma_start3A_1737 = tpu.memref_slice %arg5[%run_scoped3A_1392, %dma_start3A_1736] : memref<2x3328xi32, #tpu.memory_space<vmem>> -> memref<1x3328xi32, #tpu.memory_space<vmem>>
          %dma_start3A_1738 = tpu.memref_squeeze %dma_start3A_1737 : memref<1x3328xi32, #tpu.memory_space<vmem>> -> memref<3328xi32, #tpu.memory_space<vmem>>
          %dma_start3A_1739 = tpu.memref_slice %arg3[%mul3A_1391] : memref<5324800xi32, #tpu.memory_space<hbm>> -> memref<3328xi32, #tpu.memory_space<hbm>>
          tpu.enqueue_dma source(%dma_start3A_1739 : memref<3328xi32, #tpu.memory_space<hbm>>) target(%dma_start3A_1738 : memref<3328xi32, #tpu.memory_space<vmem>>) target_semaphore(%run_scoped3A_1731 : memref<!tpu.dma_semaphore, #tpu.memory_space<semaphore_mem>>)
          %dma_wait3A_1740 = arith.constant 0 : i32
          %dma_wait3A_1741 = tpu.memref_slice %arg5[%run_scoped3A_1392, %dma_wait3A_1740] : memref<2x3328xi32, #tpu.memory_space<vmem>> -> memref<1x3328xi32, #tpu.memory_space<vmem>>
          %dma_wait3A_1742 = tpu.memref_squeeze %dma_wait3A_1741 : memref<1x3328xi32, #tpu.memory_space<vmem>> -> memref<3328xi32, #tpu.memory_space<vmem>>
          %dma_wait3A_1743 = tpu.memref_slice %arg3[%mul3A_1391] : memref<5324800xi32, #tpu.memory_space<hbm>> -> memref<3328xi32, #tpu.memory_space<hbm>>
          %dma_wait3A_1744 = arith.constant 0 : i32
          %dma_wait3A_1745 = tpu.memref_slice %arg5[%run_scoped3A_1392, %dma_wait3A_1744] : memref<2x3328xi32, #tpu.memory_space<vmem>> -> memref<1x3328xi32, #tpu.memory_space<vmem>>
          %dma_wait3A_1746 = tpu.memref_squeeze %dma_wait3A_1745 : memref<1x3328xi32, #tpu.memory_space<vmem>> -> memref<3328xi32, #tpu.memory_space<vmem>>
          %dma_wait3A_1747 = tpu.memref_slice %arg3[%mul3A_1391] : memref<5324800xi32, #tpu.memory_space<hbm>> -> memref<3328xi32, #tpu.memory_space<hbm>>
          tpu.wait_dma2 semaphore(%run_scoped3A_1731 : memref<!tpu.dma_semaphore, #tpu.memory_space<semaphore_mem>>) src(%dma_wait3A_1747 : memref<3328xi32, #tpu.memory_space<hbm>>) dst(%dma_wait3A_1746 : memref<3328xi32, #tpu.memory_space<vmem>>)
          tpu.yield
        }) : () -> ()
        %dma_start3A_1393 = arith.constant 0 : i32
        %dma_start3A_1394 = arith.constant 0 : i32
        %dma_start3A_1395 = arith.constant 0 : i32
        %dma_start3A_1396 = arith.constant 0 : i32
        %dma_start3A_1397 = arith.constant 0 : i32
        %dma_start3A_1398 = tpu.memref_slice %arg6[%dma_start3A_1394, %dma_start3A_1395, %dma_start3A_1396, %dma_start3A_1397] : memref<2x26x128x16xf32, #tpu.memory_space<vmem>> -> memref<1x1x128x16xf32, #tpu.memory_space<vmem>>
        %dma_start3A_1399 = tpu.memref_squeeze %dma_start3A_1398 : memref<1x1x128x16xf32, #tpu.memory_space<vmem>> -> memref<128x16xf32, #tpu.memory_space<vmem>>
        %dma_start3A_1400 = arith.constant 0 : i32
        %dma_start3A_1401 = tpu.memref_slice %arg5[%dma_start3A_1393, %dma_start3A_1400] : memref<2x3328xi32, #tpu.memory_space<vmem>> -> memref<1x128xi32, #tpu.memory_space<vmem>>
        %dma_start3A_1402 = tpu.memref_squeeze %dma_start3A_1401 : memref<1x128xi32, #tpu.memory_space<vmem>> -> memref<128xi32, #tpu.memory_space<vmem>>
        %dma_start3A_1403 = arith.constant 0 : i32
        %dma_start3A_1404 = arith.constant 0 : i32
        %dma_start3A_1405 = tpu.memref_slice %arg2[%dma_start3A_1403, %dma_start3A_1404] : memref<2600000x16xf32, #tpu.memory_space<hbm>> -> memref<2600000x16xf32, #tpu.memory_space<hbm>>
        tpu.enqueue_indirect_dma source(%dma_start3A_1405 : memref<2600000x16xf32, #tpu.memory_space<hbm>>) target(%dma_start3A_1399 : memref<128x16xf32, #tpu.memory_space<vmem>>) offsets(%dma_start3A_1402 : memref<128xi32, #tpu.memory_space<vmem>>) semaphore(%arg7 : memref<!tpu.dma_semaphore, #tpu.memory_space<semaphore_mem>>)
        %dma_start3A_1406 = arith.constant 0 : i32
        %dma_start3A_1407 = arith.constant 0 : i32
        %dma_start3A_1408 = arith.constant 1 : i32
        %dma_start3A_1409 = arith.constant 0 : i32
        %dma_start3A_1410 = arith.constant 0 : i32
        %dma_start3A_1411 = tpu.memref_slice %arg6[%dma_start3A_1407, %dma_start3A_1408, %dma_start3A_1409, %dma_start3A_1410] : memref<2x26x128x16xf32, #tpu.memory_space<vmem>> -> memref<1x1x128x16xf32, #tpu.memory_space<vmem>>
        %dma_start3A_1412 = tpu.memref_squeeze %dma_start3A_1411 : memref<1x1x128x16xf32, #tpu.memory_space<vmem>> -> memref<128x16xf32, #tpu.memory_space<vmem>>
        %dma_start3A_1413 = arith.constant 128 : i32
        %dma_start3A_1414 = tpu.memref_slice %arg5[%dma_start3A_1406, %dma_start3A_1413] : memref<2x3328xi32, #tpu.memory_space<vmem>> -> memref<1x128xi32, #tpu.memory_space<vmem>>
        %dma_start3A_1415 = tpu.memref_squeeze %dma_start3A_1414 : memref<1x128xi32, #tpu.memory_space<vmem>> -> memref<128xi32, #tpu.memory_space<vmem>>
        %dma_start3A_1416 = arith.constant 0 : i32
        %dma_start3A_1417 = arith.constant 0 : i32
        %dma_start3A_1418 = tpu.memref_slice %arg2[%dma_start3A_1416, %dma_start3A_1417] : memref<2600000x16xf32, #tpu.memory_space<hbm>> -> memref<2600000x16xf32, #tpu.memory_space<hbm>>
        tpu.enqueue_indirect_dma source(%dma_start3A_1418 : memref<2600000x16xf32, #tpu.memory_space<hbm>>) target(%dma_start3A_1412 : memref<128x16xf32, #tpu.memory_space<vmem>>) offsets(%dma_start3A_1415 : memref<128xi32, #tpu.memory_space<vmem>>) semaphore(%arg7 : memref<!tpu.dma_semaphore, #tpu.memory_space<semaphore_mem>>)
        %dma_start3A_1419 = arith.constant 0 : i32
        %dma_start3A_1420 = arith.constant 0 : i32
        %dma_start3A_1421 = arith.constant 2 : i32
        %dma_start3A_1422 = arith.constant 0 : i32
        %dma_start3A_1423 = arith.constant 0 : i32
        %dma_start3A_1424 = tpu.memref_slice %arg6[%dma_start3A_1420, %dma_start3A_1421, %dma_start3A_1422, %dma_start3A_1423] : memref<2x26x128x16xf32, #tpu.memory_space<vmem>> -> memref<1x1x128x16xf32, #tpu.memory_space<vmem>>
        %dma_start3A_1425 = tpu.memref_squeeze %dma_start3A_1424 : memref<1x1x128x16xf32, #tpu.memory_space<vmem>> -> memref<128x16xf32, #tpu.memory_space<vmem>>
        %dma_start3A_1426 = arith.constant 256 : i32
        %dma_start3A_1427 = tpu.memref_slice %arg5[%dma_start3A_1419, %dma_start3A_1426] : memref<2x3328xi32, #tpu.memory_space<vmem>> -> memref<1x128xi32, #tpu.memory_space<vmem>>
        %dma_start3A_1428 = tpu.memref_squeeze %dma_start3A_1427 : memref<1x128xi32, #tpu.memory_space<vmem>> -> memref<128xi32, #tpu.memory_space<vmem>>
        %dma_start3A_1429 = arith.constant 0 : i32
        %dma_start3A_1430 = arith.constant 0 : i32
        %dma_start3A_1431 = tpu.memref_slice %arg2[%dma_start3A_1429, %dma_start3A_1430] : memref<2600000x16xf32, #tpu.memory_space<hbm>> -> memref<2600000x16xf32, #tpu.memory_space<hbm>>
        tpu.enqueue_indirect_dma source(%dma_start3A_1431 : memref<2600000x16xf32, #tpu.memory_space<hbm>>) target(%dma_start3A_1425 : memref<128x16xf32, #tpu.memory_space<vmem>>) offsets(%dma_start3A_1428 : memref<128xi32, #tpu.memory_space<vmem>>) semaphore(%arg7 : memref<!tpu.dma_semaphore, #tpu.memory_space<semaphore_mem>>)
        %dma_start3A_1432 = arith.constant 0 : i32
        %dma_start3A_1433 = arith.constant 0 : i32
        %dma_start3A_1434 = arith.constant 3 : i32
        %dma_start3A_1435 = arith.constant 0 : i32
        %dma_start3A_1436 = arith.constant 0 : i32
        %dma_start3A_1437 = tpu.memref_slice %arg6[%dma_start3A_1433, %dma_start3A_1434, %dma_start3A_1435, %dma_start3A_1436] : memref<2x26x128x16xf32, #tpu.memory_space<vmem>> -> memref<1x1x128x16xf32, #tpu.memory_space<vmem>>
        %dma_start3A_1438 = tpu.memref_squeeze %dma_start3A_1437 : memref<1x1x128x16xf32, #tpu.memory_space<vmem>> -> memref<128x16xf32, #tpu.memory_space<vmem>>
        %dma_start3A_1439 = arith.constant 384 : i32
        %dma_start3A_1440 = tpu.memref_slice %arg5[%dma_start3A_1432, %dma_start3A_1439] : memref<2x3328xi32, #tpu.memory_space<vmem>> -> memref<1x128xi32, #tpu.memory_space<vmem>>
        %dma_start3A_1441 = tpu.memref_squeeze %dma_start3A_1440 : memref<1x128xi32, #tpu.memory_space<vmem>> -> memref<128xi32, #tpu.memory_space<vmem>>
        %dma_start3A_1442 = arith.constant 0 : i32
        %dma_start3A_1443 = arith.constant 0 : i32
        %dma_start3A_1444 = tpu.memref_slice %arg2[%dma_start3A_1442, %dma_start3A_1443] : memref<2600000x16xf32, #tpu.memory_space<hbm>> -> memref<2600000x16xf32, #tpu.memory_space<hbm>>
        tpu.enqueue_indirect_dma source(%dma_start3A_1444 : memref<2600000x16xf32, #tpu.memory_space<hbm>>) target(%dma_start3A_1438 : memref<128x16xf32, #tpu.memory_space<vmem>>) offsets(%dma_start3A_1441 : memref<128xi32, #tpu.memory_space<vmem>>) semaphore(%arg7 : memref<!tpu.dma_semaphore, #tpu.memory_space<semaphore_mem>>)
        %dma_start3A_1445 = arith.constant 0 : i32
        %dma_start3A_1446 = arith.constant 0 : i32
        %dma_start3A_1447 = arith.constant 4 : i32
        %dma_start3A_1448 = arith.constant 0 : i32
        %dma_start3A_1449 = arith.constant 0 : i32
        %dma_start3A_1450 = tpu.memref_slice %arg6[%dma_start3A_1446, %dma_start3A_1447, %dma_start3A_1448, %dma_start3A_1449] : memref<2x26x128x16xf32, #tpu.memory_space<vmem>> -> memref<1x1x128x16xf32, #tpu.memory_space<vmem>>
        %dma_start3A_1451 = tpu.memref_squeeze %dma_start3A_1450 : memref<1x1x128x16xf32, #tpu.memory_space<vmem>> -> memref<128x16xf32, #tpu.memory_space<vmem>>
        %dma_start3A_1452 = arith.constant 512 : i32
        %dma_start3A_1453 = tpu.memref_slice %arg5[%dma_start3A_1445, %dma_start3A_1452] : memref<2x3328xi32, #tpu.memory_space<vmem>> -> memref<1x128xi32, #tpu.memory_space<vmem>>
        %dma_start3A_1454 = tpu.memref_squeeze %dma_start3A_1453 : memref<1x128xi32, #tpu.memory_space<vmem>> -> memref<128xi32, #tpu.memory_space<vmem>>
        %dma_start3A_1455 = arith.constant 0 : i32
        %dma_start3A_1456 = arith.constant 0 : i32
        %dma_start3A_1457 = tpu.memref_slice %arg2[%dma_start3A_1455, %dma_start3A_1456] : memref<2600000x16xf32, #tpu.memory_space<hbm>> -> memref<2600000x16xf32, #tpu.memory_space<hbm>>
        tpu.enqueue_indirect_dma source(%dma_start3A_1457 : memref<2600000x16xf32, #tpu.memory_space<hbm>>) target(%dma_start3A_1451 : memref<128x16xf32, #tpu.memory_space<vmem>>) offsets(%dma_start3A_1454 : memref<128xi32, #tpu.memory_space<vmem>>) semaphore(%arg7 : memref<!tpu.dma_semaphore, #tpu.memory_space<semaphore_mem>>)
        %dma_start3A_1458 = arith.constant 0 : i32
        %dma_start3A_1459 = arith.constant 0 : i32
        %dma_start3A_1460 = arith.constant 5 : i32
        %dma_start3A_1461 = arith.constant 0 : i32
        %dma_start3A_1462 = arith.constant 0 : i32
        %dma_start3A_1463 = tpu.memref_slice %arg6[%dma_start3A_1459, %dma_start3A_1460, %dma_start3A_1461, %dma_start3A_1462] : memref<2x26x128x16xf32, #tpu.memory_space<vmem>> -> memref<1x1x128x16xf32, #tpu.memory_space<vmem>>
        %dma_start3A_1464 = tpu.memref_squeeze %dma_start3A_1463 : memref<1x1x128x16xf32, #tpu.memory_space<vmem>> -> memref<128x16xf32, #tpu.memory_space<vmem>>
        %dma_start3A_1465 = arith.constant 640 : i32
        %dma_start3A_1466 = tpu.memref_slice %arg5[%dma_start3A_1458, %dma_start3A_1465] : memref<2x3328xi32, #tpu.memory_space<vmem>> -> memref<1x128xi32, #tpu.memory_space<vmem>>
        %dma_start3A_1467 = tpu.memref_squeeze %dma_start3A_1466 : memref<1x128xi32, #tpu.memory_space<vmem>> -> memref<128xi32, #tpu.memory_space<vmem>>
        %dma_start3A_1468 = arith.constant 0 : i32
        %dma_start3A_1469 = arith.constant 0 : i32
        %dma_start3A_1470 = tpu.memref_slice %arg2[%dma_start3A_1468, %dma_start3A_1469] : memref<2600000x16xf32, #tpu.memory_space<hbm>> -> memref<2600000x16xf32, #tpu.memory_space<hbm>>
        tpu.enqueue_indirect_dma source(%dma_start3A_1470 : memref<2600000x16xf32, #tpu.memory_space<hbm>>) target(%dma_start3A_1464 : memref<128x16xf32, #tpu.memory_space<vmem>>) offsets(%dma_start3A_1467 : memref<128xi32, #tpu.memory_space<vmem>>) semaphore(%arg7 : memref<!tpu.dma_semaphore, #tpu.memory_space<semaphore_mem>>)
        %dma_start3A_1471 = arith.constant 0 : i32
        %dma_start3A_1472 = arith.constant 0 : i32
        %dma_start3A_1473 = arith.constant 6 : i32
        %dma_start3A_1474 = arith.constant 0 : i32
        %dma_start3A_1475 = arith.constant 0 : i32
        %dma_start3A_1476 = tpu.memref_slice %arg6[%dma_start3A_1472, %dma_start3A_1473, %dma_start3A_1474, %dma_start3A_1475] : memref<2x26x128x16xf32, #tpu.memory_space<vmem>> -> memref<1x1x128x16xf32, #tpu.memory_space<vmem>>
        %dma_start3A_1477 = tpu.memref_squeeze %dma_start3A_1476 : memref<1x1x128x16xf32, #tpu.memory_space<vmem>> -> memref<128x16xf32, #tpu.memory_space<vmem>>
        %dma_start3A_1478 = arith.constant 768 : i32
        %dma_start3A_1479 = tpu.memref_slice %arg5[%dma_start3A_1471, %dma_start3A_1478] : memref<2x3328xi32, #tpu.memory_space<vmem>> -> memref<1x128xi32, #tpu.memory_space<vmem>>
        %dma_start3A_1480 = tpu.memref_squeeze %dma_start3A_1479 : memref<1x128xi32, #tpu.memory_space<vmem>> -> memref<128xi32, #tpu.memory_space<vmem>>
        %dma_start3A_1481 = arith.constant 0 : i32
        %dma_start3A_1482 = arith.constant 0 : i32
        %dma_start3A_1483 = tpu.memref_slice %arg2[%dma_start3A_1481, %dma_start3A_1482] : memref<2600000x16xf32, #tpu.memory_space<hbm>> -> memref<2600000x16xf32, #tpu.memory_space<hbm>>
        tpu.enqueue_indirect_dma source(%dma_start3A_1483 : memref<2600000x16xf32, #tpu.memory_space<hbm>>) target(%dma_start3A_1477 : memref<128x16xf32, #tpu.memory_space<vmem>>) offsets(%dma_start3A_1480 : memref<128xi32, #tpu.memory_space<vmem>>) semaphore(%arg7 : memref<!tpu.dma_semaphore, #tpu.memory_space<semaphore_mem>>)
        %dma_start3A_1484 = arith.constant 0 : i32
        %dma_start3A_1485 = arith.constant 0 : i32
        %dma_start3A_1486 = arith.constant 7 : i32
        %dma_start3A_1487 = arith.constant 0 : i32
        %dma_start3A_1488 = arith.constant 0 : i32
        %dma_start3A_1489 = tpu.memref_slice %arg6[%dma_start3A_1485, %dma_start3A_1486, %dma_start3A_1487, %dma_start3A_1488] : memref<2x26x128x16xf32, #tpu.memory_space<vmem>> -> memref<1x1x128x16xf32, #tpu.memory_space<vmem>>
        %dma_start3A_1490 = tpu.memref_squeeze %dma_start3A_1489 : memref<1x1x128x16xf32, #tpu.memory_space<vmem>> -> memref<128x16xf32, #tpu.memory_space<vmem>>
        %dma_start3A_1491 = arith.constant 896 : i32
        %dma_start3A_1492 = tpu.memref_slice %arg5[%dma_start3A_1484, %dma_start3A_1491] : memref<2x3328xi32, #tpu.memory_space<vmem>> -> memref<1x128xi32, #tpu.memory_space<vmem>>
        %dma_start3A_1493 = tpu.memref_squeeze %dma_start3A_1492 : memref<1x128xi32, #tpu.memory_space<vmem>> -> memref<128xi32, #tpu.memory_space<vmem>>
        %dma_start3A_1494 = arith.constant 0 : i32
        %dma_start3A_1495 = arith.constant 0 : i32
        %dma_start3A_1496 = tpu.memref_slice %arg2[%dma_start3A_1494, %dma_start3A_1495] : memref<2600000x16xf32, #tpu.memory_space<hbm>> -> memref<2600000x16xf32, #tpu.memory_space<hbm>>
        tpu.enqueue_indirect_dma source(%dma_start3A_1496 : memref<2600000x16xf32, #tpu.memory_space<hbm>>) target(%dma_start3A_1490 : memref<128x16xf32, #tpu.memory_space<vmem>>) offsets(%dma_start3A_1493 : memref<128xi32, #tpu.memory_space<vmem>>) semaphore(%arg7 : memref<!tpu.dma_semaphore, #tpu.memory_space<semaphore_mem>>)
        %dma_start3A_1497 = arith.constant 0 : i32
        %dma_start3A_1498 = arith.constant 0 : i32
        %dma_start3A_1499 = arith.constant 8 : i32
        %dma_start3A_1500 = arith.constant 0 : i32
        %dma_start3A_1501 = arith.constant 0 : i32
        %dma_start3A_1502 = tpu.memref_slice %arg6[%dma_start3A_1498, %dma_start3A_1499, %dma_start3A_1500, %dma_start3A_1501] : memref<2x26x128x16xf32, #tpu.memory_space<vmem>> -> memref<1x1x128x16xf32, #tpu.memory_space<vmem>>
        %dma_start3A_1503 = tpu.memref_squeeze %dma_start3A_1502 : memref<1x1x128x16xf32, #tpu.memory_space<vmem>> -> memref<128x16xf32, #tpu.memory_space<vmem>>
        %dma_start3A_1504 = arith.constant 1024 : i32
        %dma_start3A_1505 = tpu.memref_slice %arg5[%dma_start3A_1497, %dma_start3A_1504] : memref<2x3328xi32, #tpu.memory_space<vmem>> -> memref<1x128xi32, #tpu.memory_space<vmem>>
        %dma_start3A_1506 = tpu.memref_squeeze %dma_start3A_1505 : memref<1x128xi32, #tpu.memory_space<vmem>> -> memref<128xi32, #tpu.memory_space<vmem>>
        %dma_start3A_1507 = arith.constant 0 : i32
        %dma_start3A_1508 = arith.constant 0 : i32
        %dma_start3A_1509 = tpu.memref_slice %arg2[%dma_start3A_1507, %dma_start3A_1508] : memref<2600000x16xf32, #tpu.memory_space<hbm>> -> memref<2600000x16xf32, #tpu.memory_space<hbm>>
        tpu.enqueue_indirect_dma source(%dma_start3A_1509 : memref<2600000x16xf32, #tpu.memory_space<hbm>>) target(%dma_start3A_1503 : memref<128x16xf32, #tpu.memory_space<vmem>>) offsets(%dma_start3A_1506 : memref<128xi32, #tpu.memory_space<vmem>>) semaphore(%arg7 : memref<!tpu.dma_semaphore, #tpu.memory_space<semaphore_mem>>)
        %dma_start3A_1510 = arith.constant 0 : i32
        %dma_start3A_1511 = arith.constant 0 : i32
        %dma_start3A_1512 = arith.constant 9 : i32
        %dma_start3A_1513 = arith.constant 0 : i32
        %dma_start3A_1514 = arith.constant 0 : i32
        %dma_start3A_1515 = tpu.memref_slice %arg6[%dma_start3A_1511, %dma_start3A_1512, %dma_start3A_1513, %dma_start3A_1514] : memref<2x26x128x16xf32, #tpu.memory_space<vmem>> -> memref<1x1x128x16xf32, #tpu.memory_space<vmem>>
        %dma_start3A_1516 = tpu.memref_squeeze %dma_start3A_1515 : memref<1x1x128x16xf32, #tpu.memory_space<vmem>> -> memref<128x16xf32, #tpu.memory_space<vmem>>
        %dma_start3A_1517 = arith.constant 1152 : i32
        %dma_start3A_1518 = tpu.memref_slice %arg5[%dma_start3A_1510, %dma_start3A_1517] : memref<2x3328xi32, #tpu.memory_space<vmem>> -> memref<1x128xi32, #tpu.memory_space<vmem>>
        %dma_start3A_1519 = tpu.memref_squeeze %dma_start3A_1518 : memref<1x128xi32, #tpu.memory_space<vmem>> -> memref<128xi32, #tpu.memory_space<vmem>>
        %dma_start3A_1520 = arith.constant 0 : i32
        %dma_start3A_1521 = arith.constant 0 : i32
        %dma_start3A_1522 = tpu.memref_slice %arg2[%dma_start3A_1520, %dma_start3A_1521] : memref<2600000x16xf32, #tpu.memory_space<hbm>> -> memref<2600000x16xf32, #tpu.memory_space<hbm>>
        tpu.enqueue_indirect_dma source(%dma_start3A_1522 : memref<2600000x16xf32, #tpu.memory_space<hbm>>) target(%dma_start3A_1516 : memref<128x16xf32, #tpu.memory_space<vmem>>) offsets(%dma_start3A_1519 : memref<128xi32, #tpu.memory_space<vmem>>) semaphore(%arg7 : memref<!tpu.dma_semaphore, #tpu.memory_space<semaphore_mem>>)
        %dma_start3A_1523 = arith.constant 0 : i32
        %dma_start3A_1524 = arith.constant 0 : i32
        %dma_start3A_1525 = arith.constant 10 : i32
        %dma_start3A_1526 = arith.constant 0 : i32
        %dma_start3A_1527 = arith.constant 0 : i32
        %dma_start3A_1528 = tpu.memref_slice %arg6[%dma_start3A_1524, %dma_start3A_1525, %dma_start3A_1526, %dma_start3A_1527] : memref<2x26x128x16xf32, #tpu.memory_space<vmem>> -> memref<1x1x128x16xf32, #tpu.memory_space<vmem>>
        %dma_start3A_1529 = tpu.memref_squeeze %dma_start3A_1528 : memref<1x1x128x16xf32, #tpu.memory_space<vmem>> -> memref<128x16xf32, #tpu.memory_space<vmem>>
        %dma_start3A_1530 = arith.constant 1280 : i32
        %dma_start3A_1531 = tpu.memref_slice %arg5[%dma_start3A_1523, %dma_start3A_1530] : memref<2x3328xi32, #tpu.memory_space<vmem>> -> memref<1x128xi32, #tpu.memory_space<vmem>>
        %dma_start3A_1532 = tpu.memref_squeeze %dma_start3A_1531 : memref<1x128xi32, #tpu.memory_space<vmem>> -> memref<128xi32, #tpu.memory_space<vmem>>
        %dma_start3A_1533 = arith.constant 0 : i32
        %dma_start3A_1534 = arith.constant 0 : i32
        %dma_start3A_1535 = tpu.memref_slice %arg2[%dma_start3A_1533, %dma_start3A_1534] : memref<2600000x16xf32, #tpu.memory_space<hbm>> -> memref<2600000x16xf32, #tpu.memory_space<hbm>>
        tpu.enqueue_indirect_dma source(%dma_start3A_1535 : memref<2600000x16xf32, #tpu.memory_space<hbm>>) target(%dma_start3A_1529 : memref<128x16xf32, #tpu.memory_space<vmem>>) offsets(%dma_start3A_1532 : memref<128xi32, #tpu.memory_space<vmem>>) semaphore(%arg7 : memref<!tpu.dma_semaphore, #tpu.memory_space<semaphore_mem>>)
        %dma_start3A_1536 = arith.constant 0 : i32
        %dma_start3A_1537 = arith.constant 0 : i32
        %dma_start3A_1538 = arith.constant 11 : i32
        %dma_start3A_1539 = arith.constant 0 : i32
        %dma_start3A_1540 = arith.constant 0 : i32
        %dma_start3A_1541 = tpu.memref_slice %arg6[%dma_start3A_1537, %dma_start3A_1538, %dma_start3A_1539, %dma_start3A_1540] : memref<2x26x128x16xf32, #tpu.memory_space<vmem>> -> memref<1x1x128x16xf32, #tpu.memory_space<vmem>>
        %dma_start3A_1542 = tpu.memref_squeeze %dma_start3A_1541 : memref<1x1x128x16xf32, #tpu.memory_space<vmem>> -> memref<128x16xf32, #tpu.memory_space<vmem>>
        %dma_start3A_1543 = arith.constant 1408 : i32
        %dma_start3A_1544 = tpu.memref_slice %arg5[%dma_start3A_1536, %dma_start3A_1543] : memref<2x3328xi32, #tpu.memory_space<vmem>> -> memref<1x128xi32, #tpu.memory_space<vmem>>
        %dma_start3A_1545 = tpu.memref_squeeze %dma_start3A_1544 : memref<1x128xi32, #tpu.memory_space<vmem>> -> memref<128xi32, #tpu.memory_space<vmem>>
        %dma_start3A_1546 = arith.constant 0 : i32
        %dma_start3A_1547 = arith.constant 0 : i32
        %dma_start3A_1548 = tpu.memref_slice %arg2[%dma_start3A_1546, %dma_start3A_1547] : memref<2600000x16xf32, #tpu.memory_space<hbm>> -> memref<2600000x16xf32, #tpu.memory_space<hbm>>
        tpu.enqueue_indirect_dma source(%dma_start3A_1548 : memref<2600000x16xf32, #tpu.memory_space<hbm>>) target(%dma_start3A_1542 : memref<128x16xf32, #tpu.memory_space<vmem>>) offsets(%dma_start3A_1545 : memref<128xi32, #tpu.memory_space<vmem>>) semaphore(%arg7 : memref<!tpu.dma_semaphore, #tpu.memory_space<semaphore_mem>>)
        %dma_start3A_1549 = arith.constant 0 : i32
        %dma_start3A_1550 = arith.constant 0 : i32
        %dma_start3A_1551 = arith.constant 12 : i32
        %dma_start3A_1552 = arith.constant 0 : i32
        %dma_start3A_1553 = arith.constant 0 : i32
        %dma_start3A_1554 = tpu.memref_slice %arg6[%dma_start3A_1550, %dma_start3A_1551, %dma_start3A_1552, %dma_start3A_1553] : memref<2x26x128x16xf32, #tpu.memory_space<vmem>> -> memref<1x1x128x16xf32, #tpu.memory_space<vmem>>
        %dma_start3A_1555 = tpu.memref_squeeze %dma_start3A_1554 : memref<1x1x128x16xf32, #tpu.memory_space<vmem>> -> memref<128x16xf32, #tpu.memory_space<vmem>>
        %dma_start3A_1556 = arith.constant 1536 : i32
        %dma_start3A_1557 = tpu.memref_slice %arg5[%dma_start3A_1549, %dma_start3A_1556] : memref<2x3328xi32, #tpu.memory_space<vmem>> -> memref<1x128xi32, #tpu.memory_space<vmem>>
        %dma_start3A_1558 = tpu.memref_squeeze %dma_start3A_1557 : memref<1x128xi32, #tpu.memory_space<vmem>> -> memref<128xi32, #tpu.memory_space<vmem>>
        %dma_start3A_1559 = arith.constant 0 : i32
        %dma_start3A_1560 = arith.constant 0 : i32
        %dma_start3A_1561 = tpu.memref_slice %arg2[%dma_start3A_1559, %dma_start3A_1560] : memref<2600000x16xf32, #tpu.memory_space<hbm>> -> memref<2600000x16xf32, #tpu.memory_space<hbm>>
        tpu.enqueue_indirect_dma source(%dma_start3A_1561 : memref<2600000x16xf32, #tpu.memory_space<hbm>>) target(%dma_start3A_1555 : memref<128x16xf32, #tpu.memory_space<vmem>>) offsets(%dma_start3A_1558 : memref<128xi32, #tpu.memory_space<vmem>>) semaphore(%arg7 : memref<!tpu.dma_semaphore, #tpu.memory_space<semaphore_mem>>)
        %dma_start3A_1562 = arith.constant 0 : i32
        %dma_start3A_1563 = arith.constant 0 : i32
        %dma_start3A_1564 = arith.constant 13 : i32
        %dma_start3A_1565 = arith.constant 0 : i32
        %dma_start3A_1566 = arith.constant 0 : i32
        %dma_start3A_1567 = tpu.memref_slice %arg6[%dma_start3A_1563, %dma_start3A_1564, %dma_start3A_1565, %dma_start3A_1566] : memref<2x26x128x16xf32, #tpu.memory_space<vmem>> -> memref<1x1x128x16xf32, #tpu.memory_space<vmem>>
        %dma_start3A_1568 = tpu.memref_squeeze %dma_start3A_1567 : memref<1x1x128x16xf32, #tpu.memory_space<vmem>> -> memref<128x16xf32, #tpu.memory_space<vmem>>
        %dma_start3A_1569 = arith.constant 1664 : i32
        %dma_start3A_1570 = tpu.memref_slice %arg5[%dma_start3A_1562, %dma_start3A_1569] : memref<2x3328xi32, #tpu.memory_space<vmem>> -> memref<1x128xi32, #tpu.memory_space<vmem>>
        %dma_start3A_1571 = tpu.memref_squeeze %dma_start3A_1570 : memref<1x128xi32, #tpu.memory_space<vmem>> -> memref<128xi32, #tpu.memory_space<vmem>>
        %dma_start3A_1572 = arith.constant 0 : i32
        %dma_start3A_1573 = arith.constant 0 : i32
        %dma_start3A_1574 = tpu.memref_slice %arg2[%dma_start3A_1572, %dma_start3A_1573] : memref<2600000x16xf32, #tpu.memory_space<hbm>> -> memref<2600000x16xf32, #tpu.memory_space<hbm>>
        tpu.enqueue_indirect_dma source(%dma_start3A_1574 : memref<2600000x16xf32, #tpu.memory_space<hbm>>) target(%dma_start3A_1568 : memref<128x16xf32, #tpu.memory_space<vmem>>) offsets(%dma_start3A_1571 : memref<128xi32, #tpu.memory_space<vmem>>) semaphore(%arg7 : memref<!tpu.dma_semaphore, #tpu.memory_space<semaphore_mem>>)
        %dma_start3A_1575 = arith.constant 0 : i32
        %dma_start3A_1576 = arith.constant 0 : i32
        %dma_start3A_1577 = arith.constant 14 : i32
        %dma_start3A_1578 = arith.constant 0 : i32
        %dma_start3A_1579 = arith.constant 0 : i32
        %dma_start3A_1580 = tpu.memref_slice %arg6[%dma_start3A_1576, %dma_start3A_1577, %dma_start3A_1578, %dma_start3A_1579] : memref<2x26x128x16xf32, #tpu.memory_space<vmem>> -> memref<1x1x128x16xf32, #tpu.memory_space<vmem>>
        %dma_start3A_1581 = tpu.memref_squeeze %dma_start3A_1580 : memref<1x1x128x16xf32, #tpu.memory_space<vmem>> -> memref<128x16xf32, #tpu.memory_space<vmem>>
        %dma_start3A_1582 = arith.constant 1792 : i32
        %dma_start3A_1583 = tpu.memref_slice %arg5[%dma_start3A_1575, %dma_start3A_1582] : memref<2x3328xi32, #tpu.memory_space<vmem>> -> memref<1x128xi32, #tpu.memory_space<vmem>>
        %dma_start3A_1584 = tpu.memref_squeeze %dma_start3A_1583 : memref<1x128xi32, #tpu.memory_space<vmem>> -> memref<128xi32, #tpu.memory_space<vmem>>
        %dma_start3A_1585 = arith.constant 0 : i32
        %dma_start3A_1586 = arith.constant 0 : i32
        %dma_start3A_1587 = tpu.memref_slice %arg2[%dma_start3A_1585, %dma_start3A_1586] : memref<2600000x16xf32, #tpu.memory_space<hbm>> -> memref<2600000x16xf32, #tpu.memory_space<hbm>>
        tpu.enqueue_indirect_dma source(%dma_start3A_1587 : memref<2600000x16xf32, #tpu.memory_space<hbm>>) target(%dma_start3A_1581 : memref<128x16xf32, #tpu.memory_space<vmem>>) offsets(%dma_start3A_1584 : memref<128xi32, #tpu.memory_space<vmem>>) semaphore(%arg7 : memref<!tpu.dma_semaphore, #tpu.memory_space<semaphore_mem>>)
        %dma_start3A_1588 = arith.constant 0 : i32
        %dma_start3A_1589 = arith.constant 0 : i32
        %dma_start3A_1590 = arith.constant 15 : i32
        %dma_start3A_1591 = arith.constant 0 : i32
        %dma_start3A_1592 = arith.constant 0 : i32
        %dma_start3A_1593 = tpu.memref_slice %arg6[%dma_start3A_1589, %dma_start3A_1590, %dma_start3A_1591, %dma_start3A_1592] : memref<2x26x128x16xf32, #tpu.memory_space<vmem>> -> memref<1x1x128x16xf32, #tpu.memory_space<vmem>>
        %dma_start3A_1594 = tpu.memref_squeeze %dma_start3A_1593 : memref<1x1x128x16xf32, #tpu.memory_space<vmem>> -> memref<128x16xf32, #tpu.memory_space<vmem>>
        %dma_start3A_1595 = arith.constant 1920 : i32
        %dma_start3A_1596 = tpu.memref_slice %arg5[%dma_start3A_1588, %dma_start3A_1595] : memref<2x3328xi32, #tpu.memory_space<vmem>> -> memref<1x128xi32, #tpu.memory_space<vmem>>
        %dma_start3A_1597 = tpu.memref_squeeze %dma_start3A_1596 : memref<1x128xi32, #tpu.memory_space<vmem>> -> memref<128xi32, #tpu.memory_space<vmem>>
        %dma_start3A_1598 = arith.constant 0 : i32
        %dma_start3A_1599 = arith.constant 0 : i32
        %dma_start3A_1600 = tpu.memref_slice %arg2[%dma_start3A_1598, %dma_start3A_1599] : memref<2600000x16xf32, #tpu.memory_space<hbm>> -> memref<2600000x16xf32, #tpu.memory_space<hbm>>
        tpu.enqueue_indirect_dma source(%dma_start3A_1600 : memref<2600000x16xf32, #tpu.memory_space<hbm>>) target(%dma_start3A_1594 : memref<128x16xf32, #tpu.memory_space<vmem>>) offsets(%dma_start3A_1597 : memref<128xi32, #tpu.memory_space<vmem>>) semaphore(%arg7 : memref<!tpu.dma_semaphore, #tpu.memory_space<semaphore_mem>>)
        %dma_start3A_1601 = arith.constant 0 : i32
        %dma_start3A_1602 = arith.constant 0 : i32
        %dma_start3A_1603 = arith.constant 16 : i32
        %dma_start3A_1604 = arith.constant 0 : i32
        %dma_start3A_1605 = arith.constant 0 : i32
        %dma_start3A_1606 = tpu.memref_slice %arg6[%dma_start3A_1602, %dma_start3A_1603, %dma_start3A_1604, %dma_start3A_1605] : memref<2x26x128x16xf32, #tpu.memory_space<vmem>> -> memref<1x1x128x16xf32, #tpu.memory_space<vmem>>
        %dma_start3A_1607 = tpu.memref_squeeze %dma_start3A_1606 : memref<1x1x128x16xf32, #tpu.memory_space<vmem>> -> memref<128x16xf32, #tpu.memory_space<vmem>>
        %dma_start3A_1608 = arith.constant 2048 : i32
        %dma_start3A_1609 = tpu.memref_slice %arg5[%dma_start3A_1601, %dma_start3A_1608] : memref<2x3328xi32, #tpu.memory_space<vmem>> -> memref<1x128xi32, #tpu.memory_space<vmem>>
        %dma_start3A_1610 = tpu.memref_squeeze %dma_start3A_1609 : memref<1x128xi32, #tpu.memory_space<vmem>> -> memref<128xi32, #tpu.memory_space<vmem>>
        %dma_start3A_1611 = arith.constant 0 : i32
        %dma_start3A_1612 = arith.constant 0 : i32
        %dma_start3A_1613 = tpu.memref_slice %arg2[%dma_start3A_1611, %dma_start3A_1612] : memref<2600000x16xf32, #tpu.memory_space<hbm>> -> memref<2600000x16xf32, #tpu.memory_space<hbm>>
        tpu.enqueue_indirect_dma source(%dma_start3A_1613 : memref<2600000x16xf32, #tpu.memory_space<hbm>>) target(%dma_start3A_1607 : memref<128x16xf32, #tpu.memory_space<vmem>>) offsets(%dma_start3A_1610 : memref<128xi32, #tpu.memory_space<vmem>>) semaphore(%arg7 : memref<!tpu.dma_semaphore, #tpu.memory_space<semaphore_mem>>)
        %dma_start3A_1614 = arith.constant 0 : i32
        %dma_start3A_1615 = arith.constant 0 : i32
        %dma_start3A_1616 = arith.constant 17 : i32
        %dma_start3A_1617 = arith.constant 0 : i32
        %dma_start3A_1618 = arith.constant 0 : i32
        %dma_start3A_1619 = tpu.memref_slice %arg6[%dma_start3A_1615, %dma_start3A_1616, %dma_start3A_1617, %dma_start3A_1618] : memref<2x26x128x16xf32, #tpu.memory_space<vmem>> -> memref<1x1x128x16xf32, #tpu.memory_space<vmem>>
        %dma_start3A_1620 = tpu.memref_squeeze %dma_start3A_1619 : memref<1x1x128x16xf32, #tpu.memory_space<vmem>> -> memref<128x16xf32, #tpu.memory_space<vmem>>
        %dma_start3A_1621 = arith.constant 2176 : i32
        %dma_start3A_1622 = tpu.memref_slice %arg5[%dma_start3A_1614, %dma_start3A_1621] : memref<2x3328xi32, #tpu.memory_space<vmem>> -> memref<1x128xi32, #tpu.memory_space<vmem>>
        %dma_start3A_1623 = tpu.memref_squeeze %dma_start3A_1622 : memref<1x128xi32, #tpu.memory_space<vmem>> -> memref<128xi32, #tpu.memory_space<vmem>>
        %dma_start3A_1624 = arith.constant 0 : i32
        %dma_start3A_1625 = arith.constant 0 : i32
        %dma_start3A_1626 = tpu.memref_slice %arg2[%dma_start3A_1624, %dma_start3A_1625] : memref<2600000x16xf32, #tpu.memory_space<hbm>> -> memref<2600000x16xf32, #tpu.memory_space<hbm>>
        tpu.enqueue_indirect_dma source(%dma_start3A_1626 : memref<2600000x16xf32, #tpu.memory_space<hbm>>) target(%dma_start3A_1620 : memref<128x16xf32, #tpu.memory_space<vmem>>) offsets(%dma_start3A_1623 : memref<128xi32, #tpu.memory_space<vmem>>) semaphore(%arg7 : memref<!tpu.dma_semaphore, #tpu.memory_space<semaphore_mem>>)
        %dma_start3A_1627 = arith.constant 0 : i32
        %dma_start3A_1628 = arith.constant 0 : i32
        %dma_start3A_1629 = arith.constant 18 : i32
        %dma_start3A_1630 = arith.constant 0 : i32
        %dma_start3A_1631 = arith.constant 0 : i32
        %dma_start3A_1632 = tpu.memref_slice %arg6[%dma_start3A_1628, %dma_start3A_1629, %dma_start3A_1630, %dma_start3A_1631] : memref<2x26x128x16xf32, #tpu.memory_space<vmem>> -> memref<1x1x128x16xf32, #tpu.memory_space<vmem>>
        %dma_start3A_1633 = tpu.memref_squeeze %dma_start3A_1632 : memref<1x1x128x16xf32, #tpu.memory_space<vmem>> -> memref<128x16xf32, #tpu.memory_space<vmem>>
        %dma_start3A_1634 = arith.constant 2304 : i32
        %dma_start3A_1635 = tpu.memref_slice %arg5[%dma_start3A_1627, %dma_start3A_1634] : memref<2x3328xi32, #tpu.memory_space<vmem>> -> memref<1x128xi32, #tpu.memory_space<vmem>>
        %dma_start3A_1636 = tpu.memref_squeeze %dma_start3A_1635 : memref<1x128xi32, #tpu.memory_space<vmem>> -> memref<128xi32, #tpu.memory_space<vmem>>
        %dma_start3A_1637 = arith.constant 0 : i32
        %dma_start3A_1638 = arith.constant 0 : i32
        %dma_start3A_1639 = tpu.memref_slice %arg2[%dma_start3A_1637, %dma_start3A_1638] : memref<2600000x16xf32, #tpu.memory_space<hbm>> -> memref<2600000x16xf32, #tpu.memory_space<hbm>>
        tpu.enqueue_indirect_dma source(%dma_start3A_1639 : memref<2600000x16xf32, #tpu.memory_space<hbm>>) target(%dma_start3A_1633 : memref<128x16xf32, #tpu.memory_space<vmem>>) offsets(%dma_start3A_1636 : memref<128xi32, #tpu.memory_space<vmem>>) semaphore(%arg7 : memref<!tpu.dma_semaphore, #tpu.memory_space<semaphore_mem>>)
        %dma_start3A_1640 = arith.constant 0 : i32
        %dma_start3A_1641 = arith.constant 0 : i32
        %dma_start3A_1642 = arith.constant 19 : i32
        %dma_start3A_1643 = arith.constant 0 : i32
        %dma_start3A_1644 = arith.constant 0 : i32
        %dma_start3A_1645 = tpu.memref_slice %arg6[%dma_start3A_1641, %dma_start3A_1642, %dma_start3A_1643, %dma_start3A_1644] : memref<2x26x128x16xf32, #tpu.memory_space<vmem>> -> memref<1x1x128x16xf32, #tpu.memory_space<vmem>>
        %dma_start3A_1646 = tpu.memref_squeeze %dma_start3A_1645 : memref<1x1x128x16xf32, #tpu.memory_space<vmem>> -> memref<128x16xf32, #tpu.memory_space<vmem>>
        %dma_start3A_1647 = arith.constant 2432 : i32
        %dma_start3A_1648 = tpu.memref_slice %arg5[%dma_start3A_1640, %dma_start3A_1647] : memref<2x3328xi32, #tpu.memory_space<vmem>> -> memref<1x128xi32, #tpu.memory_space<vmem>>
        %dma_start3A_1649 = tpu.memref_squeeze %dma_start3A_1648 : memref<1x128xi32, #tpu.memory_space<vmem>> -> memref<128xi32, #tpu.memory_space<vmem>>
        %dma_start3A_1650 = arith.constant 0 : i32
        %dma_start3A_1651 = arith.constant 0 : i32
        %dma_start3A_1652 = tpu.memref_slice %arg2[%dma_start3A_1650, %dma_start3A_1651] : memref<2600000x16xf32, #tpu.memory_space<hbm>> -> memref<2600000x16xf32, #tpu.memory_space<hbm>>
        tpu.enqueue_indirect_dma source(%dma_start3A_1652 : memref<2600000x16xf32, #tpu.memory_space<hbm>>) target(%dma_start3A_1646 : memref<128x16xf32, #tpu.memory_space<vmem>>) offsets(%dma_start3A_1649 : memref<128xi32, #tpu.memory_space<vmem>>) semaphore(%arg7 : memref<!tpu.dma_semaphore, #tpu.memory_space<semaphore_mem>>)
        %dma_start3A_1653 = arith.constant 0 : i32
        %dma_start3A_1654 = arith.constant 0 : i32
        %dma_start3A_1655 = arith.constant 20 : i32
        %dma_start3A_1656 = arith.constant 0 : i32
        %dma_start3A_1657 = arith.constant 0 : i32
        %dma_start3A_1658 = tpu.memref_slice %arg6[%dma_start3A_1654, %dma_start3A_1655, %dma_start3A_1656, %dma_start3A_1657] : memref<2x26x128x16xf32, #tpu.memory_space<vmem>> -> memref<1x1x128x16xf32, #tpu.memory_space<vmem>>
        %dma_start3A_1659 = tpu.memref_squeeze %dma_start3A_1658 : memref<1x1x128x16xf32, #tpu.memory_space<vmem>> -> memref<128x16xf32, #tpu.memory_space<vmem>>
        %dma_start3A_1660 = arith.constant 2560 : i32
        %dma_start3A_1661 = tpu.memref_slice %arg5[%dma_start3A_1653, %dma_start3A_1660] : memref<2x3328xi32, #tpu.memory_space<vmem>> -> memref<1x128xi32, #tpu.memory_space<vmem>>
        %dma_start3A_1662 = tpu.memref_squeeze %dma_start3A_1661 : memref<1x128xi32, #tpu.memory_space<vmem>> -> memref<128xi32, #tpu.memory_space<vmem>>
        %dma_start3A_1663 = arith.constant 0 : i32
        %dma_start3A_1664 = arith.constant 0 : i32
        %dma_start3A_1665 = tpu.memref_slice %arg2[%dma_start3A_1663, %dma_start3A_1664] : memref<2600000x16xf32, #tpu.memory_space<hbm>> -> memref<2600000x16xf32, #tpu.memory_space<hbm>>
        tpu.enqueue_indirect_dma source(%dma_start3A_1665 : memref<2600000x16xf32, #tpu.memory_space<hbm>>) target(%dma_start3A_1659 : memref<128x16xf32, #tpu.memory_space<vmem>>) offsets(%dma_start3A_1662 : memref<128xi32, #tpu.memory_space<vmem>>) semaphore(%arg7 : memref<!tpu.dma_semaphore, #tpu.memory_space<semaphore_mem>>)
        %dma_start3A_1666 = arith.constant 0 : i32
        %dma_start3A_1667 = arith.constant 0 : i32
        %dma_start3A_1668 = arith.constant 21 : i32
        %dma_start3A_1669 = arith.constant 0 : i32
        %dma_start3A_1670 = arith.constant 0 : i32
        %dma_start3A_1671 = tpu.memref_slice %arg6[%dma_start3A_1667, %dma_start3A_1668, %dma_start3A_1669, %dma_start3A_1670] : memref<2x26x128x16xf32, #tpu.memory_space<vmem>> -> memref<1x1x128x16xf32, #tpu.memory_space<vmem>>
        %dma_start3A_1672 = tpu.memref_squeeze %dma_start3A_1671 : memref<1x1x128x16xf32, #tpu.memory_space<vmem>> -> memref<128x16xf32, #tpu.memory_space<vmem>>
        %dma_start3A_1673 = arith.constant 2688 : i32
        %dma_start3A_1674 = tpu.memref_slice %arg5[%dma_start3A_1666, %dma_start3A_1673] : memref<2x3328xi32, #tpu.memory_space<vmem>> -> memref<1x128xi32, #tpu.memory_space<vmem>>
        %dma_start3A_1675 = tpu.memref_squeeze %dma_start3A_1674 : memref<1x128xi32, #tpu.memory_space<vmem>> -> memref<128xi32, #tpu.memory_space<vmem>>
        %dma_start3A_1676 = arith.constant 0 : i32
        %dma_start3A_1677 = arith.constant 0 : i32
        %dma_start3A_1678 = tpu.memref_slice %arg2[%dma_start3A_1676, %dma_start3A_1677] : memref<2600000x16xf32, #tpu.memory_space<hbm>> -> memref<2600000x16xf32, #tpu.memory_space<hbm>>
        tpu.enqueue_indirect_dma source(%dma_start3A_1678 : memref<2600000x16xf32, #tpu.memory_space<hbm>>) target(%dma_start3A_1672 : memref<128x16xf32, #tpu.memory_space<vmem>>) offsets(%dma_start3A_1675 : memref<128xi32, #tpu.memory_space<vmem>>) semaphore(%arg7 : memref<!tpu.dma_semaphore, #tpu.memory_space<semaphore_mem>>)
        %dma_start3A_1679 = arith.constant 0 : i32
        %dma_start3A_1680 = arith.constant 0 : i32
        %dma_start3A_1681 = arith.constant 22 : i32
        %dma_start3A_1682 = arith.constant 0 : i32
        %dma_start3A_1683 = arith.constant 0 : i32
        %dma_start3A_1684 = tpu.memref_slice %arg6[%dma_start3A_1680, %dma_start3A_1681, %dma_start3A_1682, %dma_start3A_1683] : memref<2x26x128x16xf32, #tpu.memory_space<vmem>> -> memref<1x1x128x16xf32, #tpu.memory_space<vmem>>
        %dma_start3A_1685 = tpu.memref_squeeze %dma_start3A_1684 : memref<1x1x128x16xf32, #tpu.memory_space<vmem>> -> memref<128x16xf32, #tpu.memory_space<vmem>>
        %dma_start3A_1686 = arith.constant 2816 : i32
        %dma_start3A_1687 = tpu.memref_slice %arg5[%dma_start3A_1679, %dma_start3A_1686] : memref<2x3328xi32, #tpu.memory_space<vmem>> -> memref<1x128xi32, #tpu.memory_space<vmem>>
        %dma_start3A_1688 = tpu.memref_squeeze %dma_start3A_1687 : memref<1x128xi32, #tpu.memory_space<vmem>> -> memref<128xi32, #tpu.memory_space<vmem>>
        %dma_start3A_1689 = arith.constant 0 : i32
        %dma_start3A_1690 = arith.constant 0 : i32
        %dma_start3A_1691 = tpu.memref_slice %arg2[%dma_start3A_1689, %dma_start3A_1690] : memref<2600000x16xf32, #tpu.memory_space<hbm>> -> memref<2600000x16xf32, #tpu.memory_space<hbm>>
        tpu.enqueue_indirect_dma source(%dma_start3A_1691 : memref<2600000x16xf32, #tpu.memory_space<hbm>>) target(%dma_start3A_1685 : memref<128x16xf32, #tpu.memory_space<vmem>>) offsets(%dma_start3A_1688 : memref<128xi32, #tpu.memory_space<vmem>>) semaphore(%arg7 : memref<!tpu.dma_semaphore, #tpu.memory_space<semaphore_mem>>)
        %dma_start3A_1692 = arith.constant 0 : i32
        %dma_start3A_1693 = arith.constant 0 : i32
        %dma_start3A_1694 = arith.constant 23 : i32
        %dma_start3A_1695 = arith.constant 0 : i32
        %dma_start3A_1696 = arith.constant 0 : i32
        %dma_start3A_1697 = tpu.memref_slice %arg6[%dma_start3A_1693, %dma_start3A_1694, %dma_start3A_1695, %dma_start3A_1696] : memref<2x26x128x16xf32, #tpu.memory_space<vmem>> -> memref<1x1x128x16xf32, #tpu.memory_space<vmem>>
        %dma_start3A_1698 = tpu.memref_squeeze %dma_start3A_1697 : memref<1x1x128x16xf32, #tpu.memory_space<vmem>> -> memref<128x16xf32, #tpu.memory_space<vmem>>
        %dma_start3A_1699 = arith.constant 2944 : i32
        %dma_start3A_1700 = tpu.memref_slice %arg5[%dma_start3A_1692, %dma_start3A_1699] : memref<2x3328xi32, #tpu.memory_space<vmem>> -> memref<1x128xi32, #tpu.memory_space<vmem>>
        %dma_start3A_1701 = tpu.memref_squeeze %dma_start3A_1700 : memref<1x128xi32, #tpu.memory_space<vmem>> -> memref<128xi32, #tpu.memory_space<vmem>>
        %dma_start3A_1702 = arith.constant 0 : i32
        %dma_start3A_1703 = arith.constant 0 : i32
        %dma_start3A_1704 = tpu.memref_slice %arg2[%dma_start3A_1702, %dma_start3A_1703] : memref<2600000x16xf32, #tpu.memory_space<hbm>> -> memref<2600000x16xf32, #tpu.memory_space<hbm>>
        tpu.enqueue_indirect_dma source(%dma_start3A_1704 : memref<2600000x16xf32, #tpu.memory_space<hbm>>) target(%dma_start3A_1698 : memref<128x16xf32, #tpu.memory_space<vmem>>) offsets(%dma_start3A_1701 : memref<128xi32, #tpu.memory_space<vmem>>) semaphore(%arg7 : memref<!tpu.dma_semaphore, #tpu.memory_space<semaphore_mem>>)
        %dma_start3A_1705 = arith.constant 0 : i32
        %dma_start3A_1706 = arith.constant 0 : i32
        %dma_start3A_1707 = arith.constant 24 : i32
        %dma_start3A_1708 = arith.constant 0 : i32
        %dma_start3A_1709 = arith.constant 0 : i32
        %dma_start3A_1710 = tpu.memref_slice %arg6[%dma_start3A_1706, %dma_start3A_1707, %dma_start3A_1708, %dma_start3A_1709] : memref<2x26x128x16xf32, #tpu.memory_space<vmem>> -> memref<1x1x128x16xf32, #tpu.memory_space<vmem>>
        %dma_start3A_1711 = tpu.memref_squeeze %dma_start3A_1710 : memref<1x1x128x16xf32, #tpu.memory_space<vmem>> -> memref<128x16xf32, #tpu.memory_space<vmem>>
        %dma_start3A_1712 = arith.constant 3072 : i32
        %dma_start3A_1713 = tpu.memref_slice %arg5[%dma_start3A_1705, %dma_start3A_1712] : memref<2x3328xi32, #tpu.memory_space<vmem>> -> memref<1x128xi32, #tpu.memory_space<vmem>>
        %dma_start3A_1714 = tpu.memref_squeeze %dma_start3A_1713 : memref<1x128xi32, #tpu.memory_space<vmem>> -> memref<128xi32, #tpu.memory_space<vmem>>
        %dma_start3A_1715 = arith.constant 0 : i32
        %dma_start3A_1716 = arith.constant 0 : i32
        %dma_start3A_1717 = tpu.memref_slice %arg2[%dma_start3A_1715, %dma_start3A_1716] : memref<2600000x16xf32, #tpu.memory_space<hbm>> -> memref<2600000x16xf32, #tpu.memory_space<hbm>>
        tpu.enqueue_indirect_dma source(%dma_start3A_1717 : memref<2600000x16xf32, #tpu.memory_space<hbm>>) target(%dma_start3A_1711 : memref<128x16xf32, #tpu.memory_space<vmem>>) offsets(%dma_start3A_1714 : memref<128xi32, #tpu.memory_space<vmem>>) semaphore(%arg7 : memref<!tpu.dma_semaphore, #tpu.memory_space<semaphore_mem>>)
        %dma_start3A_1718 = arith.constant 0 : i32
        %dma_start3A_1719 = arith.constant 0 : i32
        %dma_start3A_1720 = arith.constant 25 : i32
        %dma_start3A_1721 = arith.constant 0 : i32
        %dma_start3A_1722 = arith.constant 0 : i32
        %dma_start3A_1723 = tpu.memref_slice %arg6[%dma_start3A_1719, %dma_start3A_1720, %dma_start3A_1721, %dma_start3A_1722] : memref<2x26x128x16xf32, #tpu.memory_space<vmem>> -> memref<1x1x128x16xf32, #tpu.memory_space<vmem>>
        %dma_start3A_1724 = tpu.memref_squeeze %dma_start3A_1723 : memref<1x1x128x16xf32, #tpu.memory_space<vmem>> -> memref<128x16xf32, #tpu.memory_space<vmem>>
        %dma_start3A_1725 = arith.constant 3200 : i32
        %dma_start3A_1726 = tpu.memref_slice %arg5[%dma_start3A_1718, %dma_start3A_1725] : memref<2x3328xi32, #tpu.memory_space<vmem>> -> memref<1x128xi32, #tpu.memory_space<vmem>>
        %dma_start3A_1727 = tpu.memref_squeeze %dma_start3A_1726 : memref<1x128xi32, #tpu.memory_space<vmem>> -> memref<128xi32, #tpu.memory_space<vmem>>
        %dma_start3A_1728 = arith.constant 0 : i32
        %dma_start3A_1729 = arith.constant 0 : i32
        %dma_start3A_1730 = tpu.memref_slice %arg2[%dma_start3A_1728, %dma_start3A_1729] : memref<2600000x16xf32, #tpu.memory_space<hbm>> -> memref<2600000x16xf32, #tpu.memory_space<hbm>>
        tpu.enqueue_indirect_dma source(%dma_start3A_1730 : memref<2600000x16xf32, #tpu.memory_space<hbm>>) target(%dma_start3A_1724 : memref<128x16xf32, #tpu.memory_space<vmem>>) offsets(%dma_start3A_1727 : memref<128xi32, #tpu.memory_space<vmem>>) semaphore(%arg7 : memref<!tpu.dma_semaphore, #tpu.memory_space<semaphore_mem>>)
      } else {
      }
      %dma_wait3A_1041 = arith.constant 1 : i32
      %dma_wait3A_1042 = arith.constant 1 : i32
      %dma_wait3A_1043 = arith.constant 0 : i32
      %dma_wait3A_1044 = arith.constant 0 : i32
      %dma_wait3A_1045 = arith.constant 0 : i32
      %dma_wait3A_1046 = tpu.memref_slice %arg6[%dma_wait3A_1042, %dma_wait3A_1043, %dma_wait3A_1044, %dma_wait3A_1045] : memref<2x26x128x16xf32, #tpu.memory_space<vmem>> -> memref<1x1x128x16xf32, #tpu.memory_space<vmem>>
      %dma_wait3A_1047 = tpu.memref_squeeze %dma_wait3A_1046 : memref<1x1x128x16xf32, #tpu.memory_space<vmem>> -> memref<128x16xf32, #tpu.memory_space<vmem>>
      %dma_wait3A_1048 = arith.constant 0 : i32
      %dma_wait3A_1049 = tpu.memref_slice %arg5[%dma_wait3A_1041, %dma_wait3A_1048] : memref<2x3328xi32, #tpu.memory_space<vmem>> -> memref<1x128xi32, #tpu.memory_space<vmem>>
      %dma_wait3A_1050 = tpu.memref_squeeze %dma_wait3A_1049 : memref<1x128xi32, #tpu.memory_space<vmem>> -> memref<128xi32, #tpu.memory_space<vmem>>
      %dma_wait3A_1051 = arith.constant 0 : i32
      %dma_wait3A_1052 = arith.constant 0 : i32
      %dma_wait3A_1053 = tpu.memref_slice %arg2[%dma_wait3A_1051, %dma_wait3A_1052] : memref<2600000x16xf32, #tpu.memory_space<hbm>> -> memref<2600000x16xf32, #tpu.memory_space<hbm>>
      tpu.wait_indirect_dma semaphore(%arg8 : memref<!tpu.dma_semaphore, #tpu.memory_space<semaphore_mem>>) src(%dma_wait3A_1053 : memref<2600000x16xf32, #tpu.memory_space<hbm>>) dst(%dma_wait3A_1047 : memref<128x16xf32, #tpu.memory_space<vmem>>)
      %dma_wait3A_1054 = arith.constant 1 : i32
      %dma_wait3A_1055 = arith.constant 1 : i32
      %dma_wait3A_1056 = arith.constant 1 : i32
      %dma_wait3A_1057 = arith.constant 0 : i32
      %dma_wait3A_1058 = arith.constant 0 : i32
      %dma_wait3A_1059 = tpu.memref_slice %arg6[%dma_wait3A_1055, %dma_wait3A_1056, %dma_wait3A_1057, %dma_wait3A_1058] : memref<2x26x128x16xf32, #tpu.memory_space<vmem>> -> memref<1x1x128x16xf32, #tpu.memory_space<vmem>>
      %dma_wait3A_1060 = tpu.memref_squeeze %dma_wait3A_1059 : memref<1x1x128x16xf32, #tpu.memory_space<vmem>> -> memref<128x16xf32, #tpu.memory_space<vmem>>
      %dma_wait3A_1061 = arith.constant 128 : i32
      %dma_wait3A_1062 = tpu.memref_slice %arg5[%dma_wait3A_1054, %dma_wait3A_1061] : memref<2x3328xi32, #tpu.memory_space<vmem>> -> memref<1x128xi32, #tpu.memory_space<vmem>>
      %dma_wait3A_1063 = tpu.memref_squeeze %dma_wait3A_1062 : memref<1x128xi32, #tpu.memory_space<vmem>> -> memref<128xi32, #tpu.memory_space<vmem>>
      %dma_wait3A_1064 = arith.constant 0 : i32
      %dma_wait3A_1065 = arith.constant 0 : i32
      %dma_wait3A_1066 = tpu.memref_slice %arg2[%dma_wait3A_1064, %dma_wait3A_1065] : memref<2600000x16xf32, #tpu.memory_space<hbm>> -> memref<2600000x16xf32, #tpu.memory_space<hbm>>
      tpu.wait_indirect_dma semaphore(%arg8 : memref<!tpu.dma_semaphore, #tpu.memory_space<semaphore_mem>>) src(%dma_wait3A_1066 : memref<2600000x16xf32, #tpu.memory_space<hbm>>) dst(%dma_wait3A_1060 : memref<128x16xf32, #tpu.memory_space<vmem>>)
      %dma_wait3A_1067 = arith.constant 1 : i32
      %dma_wait3A_1068 = arith.constant 1 : i32
      %dma_wait3A_1069 = arith.constant 2 : i32
      %dma_wait3A_1070 = arith.constant 0 : i32
      %dma_wait3A_1071 = arith.constant 0 : i32
      %dma_wait3A_1072 = tpu.memref_slice %arg6[%dma_wait3A_1068, %dma_wait3A_1069, %dma_wait3A_1070, %dma_wait3A_1071] : memref<2x26x128x16xf32, #tpu.memory_space<vmem>> -> memref<1x1x128x16xf32, #tpu.memory_space<vmem>>
      %dma_wait3A_1073 = tpu.memref_squeeze %dma_wait3A_1072 : memref<1x1x128x16xf32, #tpu.memory_space<vmem>> -> memref<128x16xf32, #tpu.memory_space<vmem>>
      %dma_wait3A_1074 = arith.constant 256 : i32
      %dma_wait3A_1075 = tpu.memref_slice %arg5[%dma_wait3A_1067, %dma_wait3A_1074] : memref<2x3328xi32, #tpu.memory_space<vmem>> -> memref<1x128xi32, #tpu.memory_space<vmem>>
      %dma_wait3A_1076 = tpu.memref_squeeze %dma_wait3A_1075 : memref<1x128xi32, #tpu.memory_space<vmem>> -> memref<128xi32, #tpu.memory_space<vmem>>
      %dma_wait3A_1077 = arith.constant 0 : i32
      %dma_wait3A_1078 = arith.constant 0 : i32
      %dma_wait3A_1079 = tpu.memref_slice %arg2[%dma_wait3A_1077, %dma_wait3A_1078] : memref<2600000x16xf32, #tpu.memory_space<hbm>> -> memref<2600000x16xf32, #tpu.memory_space<hbm>>
      tpu.wait_indirect_dma semaphore(%arg8 : memref<!tpu.dma_semaphore, #tpu.memory_space<semaphore_mem>>) src(%dma_wait3A_1079 : memref<2600000x16xf32, #tpu.memory_space<hbm>>) dst(%dma_wait3A_1073 : memref<128x16xf32, #tpu.memory_space<vmem>>)
      %dma_wait3A_1080 = arith.constant 1 : i32
      %dma_wait3A_1081 = arith.constant 1 : i32
      %dma_wait3A_1082 = arith.constant 3 : i32
      %dma_wait3A_1083 = arith.constant 0 : i32
      %dma_wait3A_1084 = arith.constant 0 : i32
      %dma_wait3A_1085 = tpu.memref_slice %arg6[%dma_wait3A_1081, %dma_wait3A_1082, %dma_wait3A_1083, %dma_wait3A_1084] : memref<2x26x128x16xf32, #tpu.memory_space<vmem>> -> memref<1x1x128x16xf32, #tpu.memory_space<vmem>>
      %dma_wait3A_1086 = tpu.memref_squeeze %dma_wait3A_1085 : memref<1x1x128x16xf32, #tpu.memory_space<vmem>> -> memref<128x16xf32, #tpu.memory_space<vmem>>
      %dma_wait3A_1087 = arith.constant 384 : i32
      %dma_wait3A_1088 = tpu.memref_slice %arg5[%dma_wait3A_1080, %dma_wait3A_1087] : memref<2x3328xi32, #tpu.memory_space<vmem>> -> memref<1x128xi32, #tpu.memory_space<vmem>>
      %dma_wait3A_1089 = tpu.memref_squeeze %dma_wait3A_1088 : memref<1x128xi32, #tpu.memory_space<vmem>> -> memref<128xi32, #tpu.memory_space<vmem>>
      %dma_wait3A_1090 = arith.constant 0 : i32
      %dma_wait3A_1091 = arith.constant 0 : i32
      %dma_wait3A_1092 = tpu.memref_slice %arg2[%dma_wait3A_1090, %dma_wait3A_1091] : memref<2600000x16xf32, #tpu.memory_space<hbm>> -> memref<2600000x16xf32, #tpu.memory_space<hbm>>
      tpu.wait_indirect_dma semaphore(%arg8 : memref<!tpu.dma_semaphore, #tpu.memory_space<semaphore_mem>>) src(%dma_wait3A_1092 : memref<2600000x16xf32, #tpu.memory_space<hbm>>) dst(%dma_wait3A_1086 : memref<128x16xf32, #tpu.memory_space<vmem>>)
      %dma_wait3A_1093 = arith.constant 1 : i32
      %dma_wait3A_1094 = arith.constant 1 : i32
      %dma_wait3A_1095 = arith.constant 4 : i32
      %dma_wait3A_1096 = arith.constant 0 : i32
      %dma_wait3A_1097 = arith.constant 0 : i32
      %dma_wait3A_1098 = tpu.memref_slice %arg6[%dma_wait3A_1094, %dma_wait3A_1095, %dma_wait3A_1096, %dma_wait3A_1097] : memref<2x26x128x16xf32, #tpu.memory_space<vmem>> -> memref<1x1x128x16xf32, #tpu.memory_space<vmem>>
      %dma_wait3A_1099 = tpu.memref_squeeze %dma_wait3A_1098 : memref<1x1x128x16xf32, #tpu.memory_space<vmem>> -> memref<128x16xf32, #tpu.memory_space<vmem>>
      %dma_wait3A_1100 = arith.constant 512 : i32
      %dma_wait3A_1101 = tpu.memref_slice %arg5[%dma_wait3A_1093, %dma_wait3A_1100] : memref<2x3328xi32, #tpu.memory_space<vmem>> -> memref<1x128xi32, #tpu.memory_space<vmem>>
      %dma_wait3A_1102 = tpu.memref_squeeze %dma_wait3A_1101 : memref<1x128xi32, #tpu.memory_space<vmem>> -> memref<128xi32, #tpu.memory_space<vmem>>
      %dma_wait3A_1103 = arith.constant 0 : i32
      %dma_wait3A_1104 = arith.constant 0 : i32
      %dma_wait3A_1105 = tpu.memref_slice %arg2[%dma_wait3A_1103, %dma_wait3A_1104] : memref<2600000x16xf32, #tpu.memory_space<hbm>> -> memref<2600000x16xf32, #tpu.memory_space<hbm>>
      tpu.wait_indirect_dma semaphore(%arg8 : memref<!tpu.dma_semaphore, #tpu.memory_space<semaphore_mem>>) src(%dma_wait3A_1105 : memref<2600000x16xf32, #tpu.memory_space<hbm>>) dst(%dma_wait3A_1099 : memref<128x16xf32, #tpu.memory_space<vmem>>)
      %dma_wait3A_1106 = arith.constant 1 : i32
      %dma_wait3A_1107 = arith.constant 1 : i32
      %dma_wait3A_1108 = arith.constant 5 : i32
      %dma_wait3A_1109 = arith.constant 0 : i32
      %dma_wait3A_1110 = arith.constant 0 : i32
      %dma_wait3A_1111 = tpu.memref_slice %arg6[%dma_wait3A_1107, %dma_wait3A_1108, %dma_wait3A_1109, %dma_wait3A_1110] : memref<2x26x128x16xf32, #tpu.memory_space<vmem>> -> memref<1x1x128x16xf32, #tpu.memory_space<vmem>>
      %dma_wait3A_1112 = tpu.memref_squeeze %dma_wait3A_1111 : memref<1x1x128x16xf32, #tpu.memory_space<vmem>> -> memref<128x16xf32, #tpu.memory_space<vmem>>
      %dma_wait3A_1113 = arith.constant 640 : i32
      %dma_wait3A_1114 = tpu.memref_slice %arg5[%dma_wait3A_1106, %dma_wait3A_1113] : memref<2x3328xi32, #tpu.memory_space<vmem>> -> memref<1x128xi32, #tpu.memory_space<vmem>>
      %dma_wait3A_1115 = tpu.memref_squeeze %dma_wait3A_1114 : memref<1x128xi32, #tpu.memory_space<vmem>> -> memref<128xi32, #tpu.memory_space<vmem>>
      %dma_wait3A_1116 = arith.constant 0 : i32
      %dma_wait3A_1117 = arith.constant 0 : i32
      %dma_wait3A_1118 = tpu.memref_slice %arg2[%dma_wait3A_1116, %dma_wait3A_1117] : memref<2600000x16xf32, #tpu.memory_space<hbm>> -> memref<2600000x16xf32, #tpu.memory_space<hbm>>
      tpu.wait_indirect_dma semaphore(%arg8 : memref<!tpu.dma_semaphore, #tpu.memory_space<semaphore_mem>>) src(%dma_wait3A_1118 : memref<2600000x16xf32, #tpu.memory_space<hbm>>) dst(%dma_wait3A_1112 : memref<128x16xf32, #tpu.memory_space<vmem>>)
      %dma_wait3A_1119 = arith.constant 1 : i32
      %dma_wait3A_1120 = arith.constant 1 : i32
      %dma_wait3A_1121 = arith.constant 6 : i32
      %dma_wait3A_1122 = arith.constant 0 : i32
      %dma_wait3A_1123 = arith.constant 0 : i32
      %dma_wait3A_1124 = tpu.memref_slice %arg6[%dma_wait3A_1120, %dma_wait3A_1121, %dma_wait3A_1122, %dma_wait3A_1123] : memref<2x26x128x16xf32, #tpu.memory_space<vmem>> -> memref<1x1x128x16xf32, #tpu.memory_space<vmem>>
      %dma_wait3A_1125 = tpu.memref_squeeze %dma_wait3A_1124 : memref<1x1x128x16xf32, #tpu.memory_space<vmem>> -> memref<128x16xf32, #tpu.memory_space<vmem>>
      %dma_wait3A_1126 = arith.constant 768 : i32
      %dma_wait3A_1127 = tpu.memref_slice %arg5[%dma_wait3A_1119, %dma_wait3A_1126] : memref<2x3328xi32, #tpu.memory_space<vmem>> -> memref<1x128xi32, #tpu.memory_space<vmem>>
      %dma_wait3A_1128 = tpu.memref_squeeze %dma_wait3A_1127 : memref<1x128xi32, #tpu.memory_space<vmem>> -> memref<128xi32, #tpu.memory_space<vmem>>
      %dma_wait3A_1129 = arith.constant 0 : i32
      %dma_wait3A_1130 = arith.constant 0 : i32
      %dma_wait3A_1131 = tpu.memref_slice %arg2[%dma_wait3A_1129, %dma_wait3A_1130] : memref<2600000x16xf32, #tpu.memory_space<hbm>> -> memref<2600000x16xf32, #tpu.memory_space<hbm>>
      tpu.wait_indirect_dma semaphore(%arg8 : memref<!tpu.dma_semaphore, #tpu.memory_space<semaphore_mem>>) src(%dma_wait3A_1131 : memref<2600000x16xf32, #tpu.memory_space<hbm>>) dst(%dma_wait3A_1125 : memref<128x16xf32, #tpu.memory_space<vmem>>)
      %dma_wait3A_1132 = arith.constant 1 : i32
      %dma_wait3A_1133 = arith.constant 1 : i32
      %dma_wait3A_1134 = arith.constant 7 : i32
      %dma_wait3A_1135 = arith.constant 0 : i32
      %dma_wait3A_1136 = arith.constant 0 : i32
      %dma_wait3A_1137 = tpu.memref_slice %arg6[%dma_wait3A_1133, %dma_wait3A_1134, %dma_wait3A_1135, %dma_wait3A_1136] : memref<2x26x128x16xf32, #tpu.memory_space<vmem>> -> memref<1x1x128x16xf32, #tpu.memory_space<vmem>>
      %dma_wait3A_1138 = tpu.memref_squeeze %dma_wait3A_1137 : memref<1x1x128x16xf32, #tpu.memory_space<vmem>> -> memref<128x16xf32, #tpu.memory_space<vmem>>
      %dma_wait3A_1139 = arith.constant 896 : i32
      %dma_wait3A_1140 = tpu.memref_slice %arg5[%dma_wait3A_1132, %dma_wait3A_1139] : memref<2x3328xi32, #tpu.memory_space<vmem>> -> memref<1x128xi32, #tpu.memory_space<vmem>>
      %dma_wait3A_1141 = tpu.memref_squeeze %dma_wait3A_1140 : memref<1x128xi32, #tpu.memory_space<vmem>> -> memref<128xi32, #tpu.memory_space<vmem>>
      %dma_wait3A_1142 = arith.constant 0 : i32
      %dma_wait3A_1143 = arith.constant 0 : i32
      %dma_wait3A_1144 = tpu.memref_slice %arg2[%dma_wait3A_1142, %dma_wait3A_1143] : memref<2600000x16xf32, #tpu.memory_space<hbm>> -> memref<2600000x16xf32, #tpu.memory_space<hbm>>
      tpu.wait_indirect_dma semaphore(%arg8 : memref<!tpu.dma_semaphore, #tpu.memory_space<semaphore_mem>>) src(%dma_wait3A_1144 : memref<2600000x16xf32, #tpu.memory_space<hbm>>) dst(%dma_wait3A_1138 : memref<128x16xf32, #tpu.memory_space<vmem>>)
      %dma_wait3A_1145 = arith.constant 1 : i32
      %dma_wait3A_1146 = arith.constant 1 : i32
      %dma_wait3A_1147 = arith.constant 8 : i32
      %dma_wait3A_1148 = arith.constant 0 : i32
      %dma_wait3A_1149 = arith.constant 0 : i32
      %dma_wait3A_1150 = tpu.memref_slice %arg6[%dma_wait3A_1146, %dma_wait3A_1147, %dma_wait3A_1148, %dma_wait3A_1149] : memref<2x26x128x16xf32, #tpu.memory_space<vmem>> -> memref<1x1x128x16xf32, #tpu.memory_space<vmem>>
      %dma_wait3A_1151 = tpu.memref_squeeze %dma_wait3A_1150 : memref<1x1x128x16xf32, #tpu.memory_space<vmem>> -> memref<128x16xf32, #tpu.memory_space<vmem>>
      %dma_wait3A_1152 = arith.constant 1024 : i32
      %dma_wait3A_1153 = tpu.memref_slice %arg5[%dma_wait3A_1145, %dma_wait3A_1152] : memref<2x3328xi32, #tpu.memory_space<vmem>> -> memref<1x128xi32, #tpu.memory_space<vmem>>
      %dma_wait3A_1154 = tpu.memref_squeeze %dma_wait3A_1153 : memref<1x128xi32, #tpu.memory_space<vmem>> -> memref<128xi32, #tpu.memory_space<vmem>>
      %dma_wait3A_1155 = arith.constant 0 : i32
      %dma_wait3A_1156 = arith.constant 0 : i32
      %dma_wait3A_1157 = tpu.memref_slice %arg2[%dma_wait3A_1155, %dma_wait3A_1156] : memref<2600000x16xf32, #tpu.memory_space<hbm>> -> memref<2600000x16xf32, #tpu.memory_space<hbm>>
      tpu.wait_indirect_dma semaphore(%arg8 : memref<!tpu.dma_semaphore, #tpu.memory_space<semaphore_mem>>) src(%dma_wait3A_1157 : memref<2600000x16xf32, #tpu.memory_space<hbm>>) dst(%dma_wait3A_1151 : memref<128x16xf32, #tpu.memory_space<vmem>>)
      %dma_wait3A_1158 = arith.constant 1 : i32
      %dma_wait3A_1159 = arith.constant 1 : i32
      %dma_wait3A_1160 = arith.constant 9 : i32
      %dma_wait3A_1161 = arith.constant 0 : i32
      %dma_wait3A_1162 = arith.constant 0 : i32
      %dma_wait3A_1163 = tpu.memref_slice %arg6[%dma_wait3A_1159, %dma_wait3A_1160, %dma_wait3A_1161, %dma_wait3A_1162] : memref<2x26x128x16xf32, #tpu.memory_space<vmem>> -> memref<1x1x128x16xf32, #tpu.memory_space<vmem>>
      %dma_wait3A_1164 = tpu.memref_squeeze %dma_wait3A_1163 : memref<1x1x128x16xf32, #tpu.memory_space<vmem>> -> memref<128x16xf32, #tpu.memory_space<vmem>>
      %dma_wait3A_1165 = arith.constant 1152 : i32
      %dma_wait3A_1166 = tpu.memref_slice %arg5[%dma_wait3A_1158, %dma_wait3A_1165] : memref<2x3328xi32, #tpu.memory_space<vmem>> -> memref<1x128xi32, #tpu.memory_space<vmem>>
      %dma_wait3A_1167 = tpu.memref_squeeze %dma_wait3A_1166 : memref<1x128xi32, #tpu.memory_space<vmem>> -> memref<128xi32, #tpu.memory_space<vmem>>
      %dma_wait3A_1168 = arith.constant 0 : i32
      %dma_wait3A_1169 = arith.constant 0 : i32
      %dma_wait3A_1170 = tpu.memref_slice %arg2[%dma_wait3A_1168, %dma_wait3A_1169] : memref<2600000x16xf32, #tpu.memory_space<hbm>> -> memref<2600000x16xf32, #tpu.memory_space<hbm>>
      tpu.wait_indirect_dma semaphore(%arg8 : memref<!tpu.dma_semaphore, #tpu.memory_space<semaphore_mem>>) src(%dma_wait3A_1170 : memref<2600000x16xf32, #tpu.memory_space<hbm>>) dst(%dma_wait3A_1164 : memref<128x16xf32, #tpu.memory_space<vmem>>)
      %dma_wait3A_1171 = arith.constant 1 : i32
      %dma_wait3A_1172 = arith.constant 1 : i32
      %dma_wait3A_1173 = arith.constant 10 : i32
      %dma_wait3A_1174 = arith.constant 0 : i32
      %dma_wait3A_1175 = arith.constant 0 : i32
      %dma_wait3A_1176 = tpu.memref_slice %arg6[%dma_wait3A_1172, %dma_wait3A_1173, %dma_wait3A_1174, %dma_wait3A_1175] : memref<2x26x128x16xf32, #tpu.memory_space<vmem>> -> memref<1x1x128x16xf32, #tpu.memory_space<vmem>>
      %dma_wait3A_1177 = tpu.memref_squeeze %dma_wait3A_1176 : memref<1x1x128x16xf32, #tpu.memory_space<vmem>> -> memref<128x16xf32, #tpu.memory_space<vmem>>
      %dma_wait3A_1178 = arith.constant 1280 : i32
      %dma_wait3A_1179 = tpu.memref_slice %arg5[%dma_wait3A_1171, %dma_wait3A_1178] : memref<2x3328xi32, #tpu.memory_space<vmem>> -> memref<1x128xi32, #tpu.memory_space<vmem>>
      %dma_wait3A_1180 = tpu.memref_squeeze %dma_wait3A_1179 : memref<1x128xi32, #tpu.memory_space<vmem>> -> memref<128xi32, #tpu.memory_space<vmem>>
      %dma_wait3A_1181 = arith.constant 0 : i32
      %dma_wait3A_1182 = arith.constant 0 : i32
      %dma_wait3A_1183 = tpu.memref_slice %arg2[%dma_wait3A_1181, %dma_wait3A_1182] : memref<2600000x16xf32, #tpu.memory_space<hbm>> -> memref<2600000x16xf32, #tpu.memory_space<hbm>>
      tpu.wait_indirect_dma semaphore(%arg8 : memref<!tpu.dma_semaphore, #tpu.memory_space<semaphore_mem>>) src(%dma_wait3A_1183 : memref<2600000x16xf32, #tpu.memory_space<hbm>>) dst(%dma_wait3A_1177 : memref<128x16xf32, #tpu.memory_space<vmem>>)
      %dma_wait3A_1184 = arith.constant 1 : i32
      %dma_wait3A_1185 = arith.constant 1 : i32
      %dma_wait3A_1186 = arith.constant 11 : i32
      %dma_wait3A_1187 = arith.constant 0 : i32
      %dma_wait3A_1188 = arith.constant 0 : i32
      %dma_wait3A_1189 = tpu.memref_slice %arg6[%dma_wait3A_1185, %dma_wait3A_1186, %dma_wait3A_1187, %dma_wait3A_1188] : memref<2x26x128x16xf32, #tpu.memory_space<vmem>> -> memref<1x1x128x16xf32, #tpu.memory_space<vmem>>
      %dma_wait3A_1190 = tpu.memref_squeeze %dma_wait3A_1189 : memref<1x1x128x16xf32, #tpu.memory_space<vmem>> -> memref<128x16xf32, #tpu.memory_space<vmem>>
      %dma_wait3A_1191 = arith.constant 1408 : i32
      %dma_wait3A_1192 = tpu.memref_slice %arg5[%dma_wait3A_1184, %dma_wait3A_1191] : memref<2x3328xi32, #tpu.memory_space<vmem>> -> memref<1x128xi32, #tpu.memory_space<vmem>>
      %dma_wait3A_1193 = tpu.memref_squeeze %dma_wait3A_1192 : memref<1x128xi32, #tpu.memory_space<vmem>> -> memref<128xi32, #tpu.memory_space<vmem>>
      %dma_wait3A_1194 = arith.constant 0 : i32
      %dma_wait3A_1195 = arith.constant 0 : i32
      %dma_wait3A_1196 = tpu.memref_slice %arg2[%dma_wait3A_1194, %dma_wait3A_1195] : memref<2600000x16xf32, #tpu.memory_space<hbm>> -> memref<2600000x16xf32, #tpu.memory_space<hbm>>
      tpu.wait_indirect_dma semaphore(%arg8 : memref<!tpu.dma_semaphore, #tpu.memory_space<semaphore_mem>>) src(%dma_wait3A_1196 : memref<2600000x16xf32, #tpu.memory_space<hbm>>) dst(%dma_wait3A_1190 : memref<128x16xf32, #tpu.memory_space<vmem>>)
      %dma_wait3A_1197 = arith.constant 1 : i32
      %dma_wait3A_1198 = arith.constant 1 : i32
      %dma_wait3A_1199 = arith.constant 12 : i32
      %dma_wait3A_1200 = arith.constant 0 : i32
      %dma_wait3A_1201 = arith.constant 0 : i32
      %dma_wait3A_1202 = tpu.memref_slice %arg6[%dma_wait3A_1198, %dma_wait3A_1199, %dma_wait3A_1200, %dma_wait3A_1201] : memref<2x26x128x16xf32, #tpu.memory_space<vmem>> -> memref<1x1x128x16xf32, #tpu.memory_space<vmem>>
      %dma_wait3A_1203 = tpu.memref_squeeze %dma_wait3A_1202 : memref<1x1x128x16xf32, #tpu.memory_space<vmem>> -> memref<128x16xf32, #tpu.memory_space<vmem>>
      %dma_wait3A_1204 = arith.constant 1536 : i32
      %dma_wait3A_1205 = tpu.memref_slice %arg5[%dma_wait3A_1197, %dma_wait3A_1204] : memref<2x3328xi32, #tpu.memory_space<vmem>> -> memref<1x128xi32, #tpu.memory_space<vmem>>
      %dma_wait3A_1206 = tpu.memref_squeeze %dma_wait3A_1205 : memref<1x128xi32, #tpu.memory_space<vmem>> -> memref<128xi32, #tpu.memory_space<vmem>>
      %dma_wait3A_1207 = arith.constant 0 : i32
      %dma_wait3A_1208 = arith.constant 0 : i32
      %dma_wait3A_1209 = tpu.memref_slice %arg2[%dma_wait3A_1207, %dma_wait3A_1208] : memref<2600000x16xf32, #tpu.memory_space<hbm>> -> memref<2600000x16xf32, #tpu.memory_space<hbm>>
      tpu.wait_indirect_dma semaphore(%arg8 : memref<!tpu.dma_semaphore, #tpu.memory_space<semaphore_mem>>) src(%dma_wait3A_1209 : memref<2600000x16xf32, #tpu.memory_space<hbm>>) dst(%dma_wait3A_1203 : memref<128x16xf32, #tpu.memory_space<vmem>>)
      %dma_wait3A_1210 = arith.constant 1 : i32
      %dma_wait3A_1211 = arith.constant 1 : i32
      %dma_wait3A_1212 = arith.constant 13 : i32
      %dma_wait3A_1213 = arith.constant 0 : i32
      %dma_wait3A_1214 = arith.constant 0 : i32
      %dma_wait3A_1215 = tpu.memref_slice %arg6[%dma_wait3A_1211, %dma_wait3A_1212, %dma_wait3A_1213, %dma_wait3A_1214] : memref<2x26x128x16xf32, #tpu.memory_space<vmem>> -> memref<1x1x128x16xf32, #tpu.memory_space<vmem>>
      %dma_wait3A_1216 = tpu.memref_squeeze %dma_wait3A_1215 : memref<1x1x128x16xf32, #tpu.memory_space<vmem>> -> memref<128x16xf32, #tpu.memory_space<vmem>>
      %dma_wait3A_1217 = arith.constant 1664 : i32
      %dma_wait3A_1218 = tpu.memref_slice %arg5[%dma_wait3A_1210, %dma_wait3A_1217] : memref<2x3328xi32, #tpu.memory_space<vmem>> -> memref<1x128xi32, #tpu.memory_space<vmem>>
      %dma_wait3A_1219 = tpu.memref_squeeze %dma_wait3A_1218 : memref<1x128xi32, #tpu.memory_space<vmem>> -> memref<128xi32, #tpu.memory_space<vmem>>
      %dma_wait3A_1220 = arith.constant 0 : i32
      %dma_wait3A_1221 = arith.constant 0 : i32
      %dma_wait3A_1222 = tpu.memref_slice %arg2[%dma_wait3A_1220, %dma_wait3A_1221] : memref<2600000x16xf32, #tpu.memory_space<hbm>> -> memref<2600000x16xf32, #tpu.memory_space<hbm>>
      tpu.wait_indirect_dma semaphore(%arg8 : memref<!tpu.dma_semaphore, #tpu.memory_space<semaphore_mem>>) src(%dma_wait3A_1222 : memref<2600000x16xf32, #tpu.memory_space<hbm>>) dst(%dma_wait3A_1216 : memref<128x16xf32, #tpu.memory_space<vmem>>)
      %dma_wait3A_1223 = arith.constant 1 : i32
      %dma_wait3A_1224 = arith.constant 1 : i32
      %dma_wait3A_1225 = arith.constant 14 : i32
      %dma_wait3A_1226 = arith.constant 0 : i32
      %dma_wait3A_1227 = arith.constant 0 : i32
      %dma_wait3A_1228 = tpu.memref_slice %arg6[%dma_wait3A_1224, %dma_wait3A_1225, %dma_wait3A_1226, %dma_wait3A_1227] : memref<2x26x128x16xf32, #tpu.memory_space<vmem>> -> memref<1x1x128x16xf32, #tpu.memory_space<vmem>>
      %dma_wait3A_1229 = tpu.memref_squeeze %dma_wait3A_1228 : memref<1x1x128x16xf32, #tpu.memory_space<vmem>> -> memref<128x16xf32, #tpu.memory_space<vmem>>
      %dma_wait3A_1230 = arith.constant 1792 : i32
      %dma_wait3A_1231 = tpu.memref_slice %arg5[%dma_wait3A_1223, %dma_wait3A_1230] : memref<2x3328xi32, #tpu.memory_space<vmem>> -> memref<1x128xi32, #tpu.memory_space<vmem>>
      %dma_wait3A_1232 = tpu.memref_squeeze %dma_wait3A_1231 : memref<1x128xi32, #tpu.memory_space<vmem>> -> memref<128xi32, #tpu.memory_space<vmem>>
      %dma_wait3A_1233 = arith.constant 0 : i32
      %dma_wait3A_1234 = arith.constant 0 : i32
      %dma_wait3A_1235 = tpu.memref_slice %arg2[%dma_wait3A_1233, %dma_wait3A_1234] : memref<2600000x16xf32, #tpu.memory_space<hbm>> -> memref<2600000x16xf32, #tpu.memory_space<hbm>>
      tpu.wait_indirect_dma semaphore(%arg8 : memref<!tpu.dma_semaphore, #tpu.memory_space<semaphore_mem>>) src(%dma_wait3A_1235 : memref<2600000x16xf32, #tpu.memory_space<hbm>>) dst(%dma_wait3A_1229 : memref<128x16xf32, #tpu.memory_space<vmem>>)
      %dma_wait3A_1236 = arith.constant 1 : i32
      %dma_wait3A_1237 = arith.constant 1 : i32
      %dma_wait3A_1238 = arith.constant 15 : i32
      %dma_wait3A_1239 = arith.constant 0 : i32
      %dma_wait3A_1240 = arith.constant 0 : i32
      %dma_wait3A_1241 = tpu.memref_slice %arg6[%dma_wait3A_1237, %dma_wait3A_1238, %dma_wait3A_1239, %dma_wait3A_1240] : memref<2x26x128x16xf32, #tpu.memory_space<vmem>> -> memref<1x1x128x16xf32, #tpu.memory_space<vmem>>
      %dma_wait3A_1242 = tpu.memref_squeeze %dma_wait3A_1241 : memref<1x1x128x16xf32, #tpu.memory_space<vmem>> -> memref<128x16xf32, #tpu.memory_space<vmem>>
      %dma_wait3A_1243 = arith.constant 1920 : i32
      %dma_wait3A_1244 = tpu.memref_slice %arg5[%dma_wait3A_1236, %dma_wait3A_1243] : memref<2x3328xi32, #tpu.memory_space<vmem>> -> memref<1x128xi32, #tpu.memory_space<vmem>>
      %dma_wait3A_1245 = tpu.memref_squeeze %dma_wait3A_1244 : memref<1x128xi32, #tpu.memory_space<vmem>> -> memref<128xi32, #tpu.memory_space<vmem>>
      %dma_wait3A_1246 = arith.constant 0 : i32
      %dma_wait3A_1247 = arith.constant 0 : i32
      %dma_wait3A_1248 = tpu.memref_slice %arg2[%dma_wait3A_1246, %dma_wait3A_1247] : memref<2600000x16xf32, #tpu.memory_space<hbm>> -> memref<2600000x16xf32, #tpu.memory_space<hbm>>
      tpu.wait_indirect_dma semaphore(%arg8 : memref<!tpu.dma_semaphore, #tpu.memory_space<semaphore_mem>>) src(%dma_wait3A_1248 : memref<2600000x16xf32, #tpu.memory_space<hbm>>) dst(%dma_wait3A_1242 : memref<128x16xf32, #tpu.memory_space<vmem>>)
      %dma_wait3A_1249 = arith.constant 1 : i32
      %dma_wait3A_1250 = arith.constant 1 : i32
      %dma_wait3A_1251 = arith.constant 16 : i32
      %dma_wait3A_1252 = arith.constant 0 : i32
      %dma_wait3A_1253 = arith.constant 0 : i32
      %dma_wait3A_1254 = tpu.memref_slice %arg6[%dma_wait3A_1250, %dma_wait3A_1251, %dma_wait3A_1252, %dma_wait3A_1253] : memref<2x26x128x16xf32, #tpu.memory_space<vmem>> -> memref<1x1x128x16xf32, #tpu.memory_space<vmem>>
      %dma_wait3A_1255 = tpu.memref_squeeze %dma_wait3A_1254 : memref<1x1x128x16xf32, #tpu.memory_space<vmem>> -> memref<128x16xf32, #tpu.memory_space<vmem>>
      %dma_wait3A_1256 = arith.constant 2048 : i32
      %dma_wait3A_1257 = tpu.memref_slice %arg5[%dma_wait3A_1249, %dma_wait3A_1256] : memref<2x3328xi32, #tpu.memory_space<vmem>> -> memref<1x128xi32, #tpu.memory_space<vmem>>
      %dma_wait3A_1258 = tpu.memref_squeeze %dma_wait3A_1257 : memref<1x128xi32, #tpu.memory_space<vmem>> -> memref<128xi32, #tpu.memory_space<vmem>>
      %dma_wait3A_1259 = arith.constant 0 : i32
      %dma_wait3A_1260 = arith.constant 0 : i32
      %dma_wait3A_1261 = tpu.memref_slice %arg2[%dma_wait3A_1259, %dma_wait3A_1260] : memref<2600000x16xf32, #tpu.memory_space<hbm>> -> memref<2600000x16xf32, #tpu.memory_space<hbm>>
      tpu.wait_indirect_dma semaphore(%arg8 : memref<!tpu.dma_semaphore, #tpu.memory_space<semaphore_mem>>) src(%dma_wait3A_1261 : memref<2600000x16xf32, #tpu.memory_space<hbm>>) dst(%dma_wait3A_1255 : memref<128x16xf32, #tpu.memory_space<vmem>>)
      %dma_wait3A_1262 = arith.constant 1 : i32
      %dma_wait3A_1263 = arith.constant 1 : i32
      %dma_wait3A_1264 = arith.constant 17 : i32
      %dma_wait3A_1265 = arith.constant 0 : i32
      %dma_wait3A_1266 = arith.constant 0 : i32
      %dma_wait3A_1267 = tpu.memref_slice %arg6[%dma_wait3A_1263, %dma_wait3A_1264, %dma_wait3A_1265, %dma_wait3A_1266] : memref<2x26x128x16xf32, #tpu.memory_space<vmem>> -> memref<1x1x128x16xf32, #tpu.memory_space<vmem>>
      %dma_wait3A_1268 = tpu.memref_squeeze %dma_wait3A_1267 : memref<1x1x128x16xf32, #tpu.memory_space<vmem>> -> memref<128x16xf32, #tpu.memory_space<vmem>>
      %dma_wait3A_1269 = arith.constant 2176 : i32
      %dma_wait3A_1270 = tpu.memref_slice %arg5[%dma_wait3A_1262, %dma_wait3A_1269] : memref<2x3328xi32, #tpu.memory_space<vmem>> -> memref<1x128xi32, #tpu.memory_space<vmem>>
      %dma_wait3A_1271 = tpu.memref_squeeze %dma_wait3A_1270 : memref<1x128xi32, #tpu.memory_space<vmem>> -> memref<128xi32, #tpu.memory_space<vmem>>
      %dma_wait3A_1272 = arith.constant 0 : i32
      %dma_wait3A_1273 = arith.constant 0 : i32
      %dma_wait3A_1274 = tpu.memref_slice %arg2[%dma_wait3A_1272, %dma_wait3A_1273] : memref<2600000x16xf32, #tpu.memory_space<hbm>> -> memref<2600000x16xf32, #tpu.memory_space<hbm>>
      tpu.wait_indirect_dma semaphore(%arg8 : memref<!tpu.dma_semaphore, #tpu.memory_space<semaphore_mem>>) src(%dma_wait3A_1274 : memref<2600000x16xf32, #tpu.memory_space<hbm>>) dst(%dma_wait3A_1268 : memref<128x16xf32, #tpu.memory_space<vmem>>)
      %dma_wait3A_1275 = arith.constant 1 : i32
      %dma_wait3A_1276 = arith.constant 1 : i32
      %dma_wait3A_1277 = arith.constant 18 : i32
      %dma_wait3A_1278 = arith.constant 0 : i32
      %dma_wait3A_1279 = arith.constant 0 : i32
      %dma_wait3A_1280 = tpu.memref_slice %arg6[%dma_wait3A_1276, %dma_wait3A_1277, %dma_wait3A_1278, %dma_wait3A_1279] : memref<2x26x128x16xf32, #tpu.memory_space<vmem>> -> memref<1x1x128x16xf32, #tpu.memory_space<vmem>>
      %dma_wait3A_1281 = tpu.memref_squeeze %dma_wait3A_1280 : memref<1x1x128x16xf32, #tpu.memory_space<vmem>> -> memref<128x16xf32, #tpu.memory_space<vmem>>
      %dma_wait3A_1282 = arith.constant 2304 : i32
      %dma_wait3A_1283 = tpu.memref_slice %arg5[%dma_wait3A_1275, %dma_wait3A_1282] : memref<2x3328xi32, #tpu.memory_space<vmem>> -> memref<1x128xi32, #tpu.memory_space<vmem>>
      %dma_wait3A_1284 = tpu.memref_squeeze %dma_wait3A_1283 : memref<1x128xi32, #tpu.memory_space<vmem>> -> memref<128xi32, #tpu.memory_space<vmem>>
      %dma_wait3A_1285 = arith.constant 0 : i32
      %dma_wait3A_1286 = arith.constant 0 : i32
      %dma_wait3A_1287 = tpu.memref_slice %arg2[%dma_wait3A_1285, %dma_wait3A_1286] : memref<2600000x16xf32, #tpu.memory_space<hbm>> -> memref<2600000x16xf32, #tpu.memory_space<hbm>>
      tpu.wait_indirect_dma semaphore(%arg8 : memref<!tpu.dma_semaphore, #tpu.memory_space<semaphore_mem>>) src(%dma_wait3A_1287 : memref<2600000x16xf32, #tpu.memory_space<hbm>>) dst(%dma_wait3A_1281 : memref<128x16xf32, #tpu.memory_space<vmem>>)
      %dma_wait3A_1288 = arith.constant 1 : i32
      %dma_wait3A_1289 = arith.constant 1 : i32
      %dma_wait3A_1290 = arith.constant 19 : i32
      %dma_wait3A_1291 = arith.constant 0 : i32
      %dma_wait3A_1292 = arith.constant 0 : i32
      %dma_wait3A_1293 = tpu.memref_slice %arg6[%dma_wait3A_1289, %dma_wait3A_1290, %dma_wait3A_1291, %dma_wait3A_1292] : memref<2x26x128x16xf32, #tpu.memory_space<vmem>> -> memref<1x1x128x16xf32, #tpu.memory_space<vmem>>
      %dma_wait3A_1294 = tpu.memref_squeeze %dma_wait3A_1293 : memref<1x1x128x16xf32, #tpu.memory_space<vmem>> -> memref<128x16xf32, #tpu.memory_space<vmem>>
      %dma_wait3A_1295 = arith.constant 2432 : i32
      %dma_wait3A_1296 = tpu.memref_slice %arg5[%dma_wait3A_1288, %dma_wait3A_1295] : memref<2x3328xi32, #tpu.memory_space<vmem>> -> memref<1x128xi32, #tpu.memory_space<vmem>>
      %dma_wait3A_1297 = tpu.memref_squeeze %dma_wait3A_1296 : memref<1x128xi32, #tpu.memory_space<vmem>> -> memref<128xi32, #tpu.memory_space<vmem>>
      %dma_wait3A_1298 = arith.constant 0 : i32
      %dma_wait3A_1299 = arith.constant 0 : i32
      %dma_wait3A_1300 = tpu.memref_slice %arg2[%dma_wait3A_1298, %dma_wait3A_1299] : memref<2600000x16xf32, #tpu.memory_space<hbm>> -> memref<2600000x16xf32, #tpu.memory_space<hbm>>
      tpu.wait_indirect_dma semaphore(%arg8 : memref<!tpu.dma_semaphore, #tpu.memory_space<semaphore_mem>>) src(%dma_wait3A_1300 : memref<2600000x16xf32, #tpu.memory_space<hbm>>) dst(%dma_wait3A_1294 : memref<128x16xf32, #tpu.memory_space<vmem>>)
      %dma_wait3A_1301 = arith.constant 1 : i32
      %dma_wait3A_1302 = arith.constant 1 : i32
      %dma_wait3A_1303 = arith.constant 20 : i32
      %dma_wait3A_1304 = arith.constant 0 : i32
      %dma_wait3A_1305 = arith.constant 0 : i32
      %dma_wait3A_1306 = tpu.memref_slice %arg6[%dma_wait3A_1302, %dma_wait3A_1303, %dma_wait3A_1304, %dma_wait3A_1305] : memref<2x26x128x16xf32, #tpu.memory_space<vmem>> -> memref<1x1x128x16xf32, #tpu.memory_space<vmem>>
      %dma_wait3A_1307 = tpu.memref_squeeze %dma_wait3A_1306 : memref<1x1x128x16xf32, #tpu.memory_space<vmem>> -> memref<128x16xf32, #tpu.memory_space<vmem>>
      %dma_wait3A_1308 = arith.constant 2560 : i32
      %dma_wait3A_1309 = tpu.memref_slice %arg5[%dma_wait3A_1301, %dma_wait3A_1308] : memref<2x3328xi32, #tpu.memory_space<vmem>> -> memref<1x128xi32, #tpu.memory_space<vmem>>
      %dma_wait3A_1310 = tpu.memref_squeeze %dma_wait3A_1309 : memref<1x128xi32, #tpu.memory_space<vmem>> -> memref<128xi32, #tpu.memory_space<vmem>>
      %dma_wait3A_1311 = arith.constant 0 : i32
      %dma_wait3A_1312 = arith.constant 0 : i32
      %dma_wait3A_1313 = tpu.memref_slice %arg2[%dma_wait3A_1311, %dma_wait3A_1312] : memref<2600000x16xf32, #tpu.memory_space<hbm>> -> memref<2600000x16xf32, #tpu.memory_space<hbm>>
      tpu.wait_indirect_dma semaphore(%arg8 : memref<!tpu.dma_semaphore, #tpu.memory_space<semaphore_mem>>) src(%dma_wait3A_1313 : memref<2600000x16xf32, #tpu.memory_space<hbm>>) dst(%dma_wait3A_1307 : memref<128x16xf32, #tpu.memory_space<vmem>>)
      %dma_wait3A_1314 = arith.constant 1 : i32
      %dma_wait3A_1315 = arith.constant 1 : i32
      %dma_wait3A_1316 = arith.constant 21 : i32
      %dma_wait3A_1317 = arith.constant 0 : i32
      %dma_wait3A_1318 = arith.constant 0 : i32
      %dma_wait3A_1319 = tpu.memref_slice %arg6[%dma_wait3A_1315, %dma_wait3A_1316, %dma_wait3A_1317, %dma_wait3A_1318] : memref<2x26x128x16xf32, #tpu.memory_space<vmem>> -> memref<1x1x128x16xf32, #tpu.memory_space<vmem>>
      %dma_wait3A_1320 = tpu.memref_squeeze %dma_wait3A_1319 : memref<1x1x128x16xf32, #tpu.memory_space<vmem>> -> memref<128x16xf32, #tpu.memory_space<vmem>>
      %dma_wait3A_1321 = arith.constant 2688 : i32
      %dma_wait3A_1322 = tpu.memref_slice %arg5[%dma_wait3A_1314, %dma_wait3A_1321] : memref<2x3328xi32, #tpu.memory_space<vmem>> -> memref<1x128xi32, #tpu.memory_space<vmem>>
      %dma_wait3A_1323 = tpu.memref_squeeze %dma_wait3A_1322 : memref<1x128xi32, #tpu.memory_space<vmem>> -> memref<128xi32, #tpu.memory_space<vmem>>
      %dma_wait3A_1324 = arith.constant 0 : i32
      %dma_wait3A_1325 = arith.constant 0 : i32
      %dma_wait3A_1326 = tpu.memref_slice %arg2[%dma_wait3A_1324, %dma_wait3A_1325] : memref<2600000x16xf32, #tpu.memory_space<hbm>> -> memref<2600000x16xf32, #tpu.memory_space<hbm>>
      tpu.wait_indirect_dma semaphore(%arg8 : memref<!tpu.dma_semaphore, #tpu.memory_space<semaphore_mem>>) src(%dma_wait3A_1326 : memref<2600000x16xf32, #tpu.memory_space<hbm>>) dst(%dma_wait3A_1320 : memref<128x16xf32, #tpu.memory_space<vmem>>)
      %dma_wait3A_1327 = arith.constant 1 : i32
      %dma_wait3A_1328 = arith.constant 1 : i32
      %dma_wait3A_1329 = arith.constant 22 : i32
      %dma_wait3A_1330 = arith.constant 0 : i32
      %dma_wait3A_1331 = arith.constant 0 : i32
      %dma_wait3A_1332 = tpu.memref_slice %arg6[%dma_wait3A_1328, %dma_wait3A_1329, %dma_wait3A_1330, %dma_wait3A_1331] : memref<2x26x128x16xf32, #tpu.memory_space<vmem>> -> memref<1x1x128x16xf32, #tpu.memory_space<vmem>>
      %dma_wait3A_1333 = tpu.memref_squeeze %dma_wait3A_1332 : memref<1x1x128x16xf32, #tpu.memory_space<vmem>> -> memref<128x16xf32, #tpu.memory_space<vmem>>
      %dma_wait3A_1334 = arith.constant 2816 : i32
      %dma_wait3A_1335 = tpu.memref_slice %arg5[%dma_wait3A_1327, %dma_wait3A_1334] : memref<2x3328xi32, #tpu.memory_space<vmem>> -> memref<1x128xi32, #tpu.memory_space<vmem>>
      %dma_wait3A_1336 = tpu.memref_squeeze %dma_wait3A_1335 : memref<1x128xi32, #tpu.memory_space<vmem>> -> memref<128xi32, #tpu.memory_space<vmem>>
      %dma_wait3A_1337 = arith.constant 0 : i32
      %dma_wait3A_1338 = arith.constant 0 : i32
      %dma_wait3A_1339 = tpu.memref_slice %arg2[%dma_wait3A_1337, %dma_wait3A_1338] : memref<2600000x16xf32, #tpu.memory_space<hbm>> -> memref<2600000x16xf32, #tpu.memory_space<hbm>>
      tpu.wait_indirect_dma semaphore(%arg8 : memref<!tpu.dma_semaphore, #tpu.memory_space<semaphore_mem>>) src(%dma_wait3A_1339 : memref<2600000x16xf32, #tpu.memory_space<hbm>>) dst(%dma_wait3A_1333 : memref<128x16xf32, #tpu.memory_space<vmem>>)
      %dma_wait3A_1340 = arith.constant 1 : i32
      %dma_wait3A_1341 = arith.constant 1 : i32
      %dma_wait3A_1342 = arith.constant 23 : i32
      %dma_wait3A_1343 = arith.constant 0 : i32
      %dma_wait3A_1344 = arith.constant 0 : i32
      %dma_wait3A_1345 = tpu.memref_slice %arg6[%dma_wait3A_1341, %dma_wait3A_1342, %dma_wait3A_1343, %dma_wait3A_1344] : memref<2x26x128x16xf32, #tpu.memory_space<vmem>> -> memref<1x1x128x16xf32, #tpu.memory_space<vmem>>
      %dma_wait3A_1346 = tpu.memref_squeeze %dma_wait3A_1345 : memref<1x1x128x16xf32, #tpu.memory_space<vmem>> -> memref<128x16xf32, #tpu.memory_space<vmem>>
      %dma_wait3A_1347 = arith.constant 2944 : i32
      %dma_wait3A_1348 = tpu.memref_slice %arg5[%dma_wait3A_1340, %dma_wait3A_1347] : memref<2x3328xi32, #tpu.memory_space<vmem>> -> memref<1x128xi32, #tpu.memory_space<vmem>>
      %dma_wait3A_1349 = tpu.memref_squeeze %dma_wait3A_1348 : memref<1x128xi32, #tpu.memory_space<vmem>> -> memref<128xi32, #tpu.memory_space<vmem>>
      %dma_wait3A_1350 = arith.constant 0 : i32
      %dma_wait3A_1351 = arith.constant 0 : i32
      %dma_wait3A_1352 = tpu.memref_slice %arg2[%dma_wait3A_1350, %dma_wait3A_1351] : memref<2600000x16xf32, #tpu.memory_space<hbm>> -> memref<2600000x16xf32, #tpu.memory_space<hbm>>
      tpu.wait_indirect_dma semaphore(%arg8 : memref<!tpu.dma_semaphore, #tpu.memory_space<semaphore_mem>>) src(%dma_wait3A_1352 : memref<2600000x16xf32, #tpu.memory_space<hbm>>) dst(%dma_wait3A_1346 : memref<128x16xf32, #tpu.memory_space<vmem>>)
      %dma_wait3A_1353 = arith.constant 1 : i32
      %dma_wait3A_1354 = arith.constant 1 : i32
      %dma_wait3A_1355 = arith.constant 24 : i32
      %dma_wait3A_1356 = arith.constant 0 : i32
      %dma_wait3A_1357 = arith.constant 0 : i32
      %dma_wait3A_1358 = tpu.memref_slice %arg6[%dma_wait3A_1354, %dma_wait3A_1355, %dma_wait3A_1356, %dma_wait3A_1357] : memref<2x26x128x16xf32, #tpu.memory_space<vmem>> -> memref<1x1x128x16xf32, #tpu.memory_space<vmem>>
      %dma_wait3A_1359 = tpu.memref_squeeze %dma_wait3A_1358 : memref<1x1x128x16xf32, #tpu.memory_space<vmem>> -> memref<128x16xf32, #tpu.memory_space<vmem>>
      %dma_wait3A_1360 = arith.constant 3072 : i32
      %dma_wait3A_1361 = tpu.memref_slice %arg5[%dma_wait3A_1353, %dma_wait3A_1360] : memref<2x3328xi32, #tpu.memory_space<vmem>> -> memref<1x128xi32, #tpu.memory_space<vmem>>
      %dma_wait3A_1362 = tpu.memref_squeeze %dma_wait3A_1361 : memref<1x128xi32, #tpu.memory_space<vmem>> -> memref<128xi32, #tpu.memory_space<vmem>>
      %dma_wait3A_1363 = arith.constant 0 : i32
      %dma_wait3A_1364 = arith.constant 0 : i32
      %dma_wait3A_1365 = tpu.memref_slice %arg2[%dma_wait3A_1363, %dma_wait3A_1364] : memref<2600000x16xf32, #tpu.memory_space<hbm>> -> memref<2600000x16xf32, #tpu.memory_space<hbm>>
      tpu.wait_indirect_dma semaphore(%arg8 : memref<!tpu.dma_semaphore, #tpu.memory_space<semaphore_mem>>) src(%dma_wait3A_1365 : memref<2600000x16xf32, #tpu.memory_space<hbm>>) dst(%dma_wait3A_1359 : memref<128x16xf32, #tpu.memory_space<vmem>>)
      %dma_wait3A_1366 = arith.constant 1 : i32
      %dma_wait3A_1367 = arith.constant 1 : i32
      %dma_wait3A_1368 = arith.constant 25 : i32
      %dma_wait3A_1369 = arith.constant 0 : i32
      %dma_wait3A_1370 = arith.constant 0 : i32
      %dma_wait3A_1371 = tpu.memref_slice %arg6[%dma_wait3A_1367, %dma_wait3A_1368, %dma_wait3A_1369, %dma_wait3A_1370] : memref<2x26x128x16xf32, #tpu.memory_space<vmem>> -> memref<1x1x128x16xf32, #tpu.memory_space<vmem>>
      %dma_wait3A_1372 = tpu.memref_squeeze %dma_wait3A_1371 : memref<1x1x128x16xf32, #tpu.memory_space<vmem>> -> memref<128x16xf32, #tpu.memory_space<vmem>>
      %dma_wait3A_1373 = arith.constant 3200 : i32
      %dma_wait3A_1374 = tpu.memref_slice %arg5[%dma_wait3A_1366, %dma_wait3A_1373] : memref<2x3328xi32, #tpu.memory_space<vmem>> -> memref<1x128xi32, #tpu.memory_space<vmem>>
      %dma_wait3A_1375 = tpu.memref_squeeze %dma_wait3A_1374 : memref<1x128xi32, #tpu.memory_space<vmem>> -> memref<128xi32, #tpu.memory_space<vmem>>
      %dma_wait3A_1376 = arith.constant 0 : i32
      %dma_wait3A_1377 = arith.constant 0 : i32
      %dma_wait3A_1378 = tpu.memref_slice %arg2[%dma_wait3A_1376, %dma_wait3A_1377] : memref<2600000x16xf32, #tpu.memory_space<hbm>> -> memref<2600000x16xf32, #tpu.memory_space<hbm>>
      tpu.wait_indirect_dma semaphore(%arg8 : memref<!tpu.dma_semaphore, #tpu.memory_space<semaphore_mem>>) src(%dma_wait3A_1378 : memref<2600000x16xf32, #tpu.memory_space<hbm>>) dst(%dma_wait3A_1372 : memref<128x16xf32, #tpu.memory_space<vmem>>)
      %add3A_1379 = arith.constant 1 : i32
      %add3A_1380 = arith.addi %mul3A_351, %add3A_1379 : i32
      %mul3A_1381 = arith.constant 26 : i32
      %mul3A_1382 = arith.muli %add3A_1380, %mul3A_1381 : i32
      %add3A_1383 = arith.addi %mul3A_2, %mul3A_1382 : i32
      %run_scoped3A_1384 = arith.constant 1 : i32
      "tpu.region"() ({
        %run_scoped3A_1385 = tpu.sem_alloc : memref<!tpu.dma_semaphore, #tpu.memory_space<semaphore_mem>>
        %dma_start3A_1386 = arith.constant 0 : i32
        %dma_start3A_1387 = arith.constant 0 : i32
        %dma_start3A_1388 = arith.constant 0 : i32
        %dma_start3A_1389 = tpu.memref_slice %arg6[%run_scoped3A_1384, %dma_start3A_1386, %dma_start3A_1387, %dma_start3A_1388] : memref<2x26x128x16xf32, #tpu.memory_space<vmem>> -> memref<1x26x128x16xf32, #tpu.memory_space<vmem>>
        %dma_start3A_1390 = tpu.memref_squeeze %dma_start3A_1389 : memref<1x26x128x16xf32, #tpu.memory_space<vmem>> -> memref<26x128x16xf32, #tpu.memory_space<vmem>>
        %dma_start3A_1391 = arith.constant 0 : i32
        %dma_start3A_1392 = arith.constant 0 : i32
        %dma_start3A_1393 = tpu.memref_slice %arg4[%add3A_1383, %dma_start3A_1391, %dma_start3A_1392] : memref<41600x128x16xf32, #tpu.memory_space<hbm>> -> memref<26x128x16xf32, #tpu.memory_space<hbm>>
        %dma_start3A_1394 = arith.constant 0 : i32
        %dma_start3A_1395 = arith.constant 0 : i32
        %dma_start3A_1396 = tpu.memref_slice %arg4[%add3A_1383, %dma_start3A_1394, %dma_start3A_1395] : memref<41600x128x16xf32, #tpu.memory_space<hbm>> -> memref<26x128x16xf32, #tpu.memory_space<hbm>>
        %dma_start3A_1397 = arith.constant 0 : i32
        %dma_start3A_1398 = arith.constant 0 : i32
        %dma_start3A_1399 = arith.constant 0 : i32
        %dma_start3A_1400 = tpu.memref_slice %arg6[%run_scoped3A_1384, %dma_start3A_1397, %dma_start3A_1398, %dma_start3A_1399] : memref<2x26x128x16xf32, #tpu.memory_space<vmem>> -> memref<1x26x128x16xf32, #tpu.memory_space<vmem>>
        %dma_start3A_1401 = tpu.memref_squeeze %dma_start3A_1400 : memref<1x26x128x16xf32, #tpu.memory_space<vmem>> -> memref<26x128x16xf32, #tpu.memory_space<vmem>>
        tpu.enqueue_dma source(%dma_start3A_1401 : memref<26x128x16xf32, #tpu.memory_space<vmem>>) target(%dma_start3A_1396 : memref<26x128x16xf32, #tpu.memory_space<hbm>>) target_semaphore(%run_scoped3A_1385 : memref<!tpu.dma_semaphore, #tpu.memory_space<semaphore_mem>>)
        %dma_wait3A_1402 = arith.constant 0 : i32
        %dma_wait3A_1403 = arith.constant 0 : i32
        %dma_wait3A_1404 = arith.constant 0 : i32
        %dma_wait3A_1405 = tpu.memref_slice %arg6[%run_scoped3A_1384, %dma_wait3A_1402, %dma_wait3A_1403, %dma_wait3A_1404] : memref<2x26x128x16xf32, #tpu.memory_space<vmem>> -> memref<1x26x128x16xf32, #tpu.memory_space<vmem>>
        %dma_wait3A_1406 = tpu.memref_squeeze %dma_wait3A_1405 : memref<1x26x128x16xf32, #tpu.memory_space<vmem>> -> memref<26x128x16xf32, #tpu.memory_space<vmem>>
        %dma_wait3A_1407 = arith.constant 0 : i32
        %dma_wait3A_1408 = arith.constant 0 : i32
        %dma_wait3A_1409 = tpu.memref_slice %arg4[%add3A_1383, %dma_wait3A_1407, %dma_wait3A_1408] : memref<41600x128x16xf32, #tpu.memory_space<hbm>> -> memref<26x128x16xf32, #tpu.memory_space<hbm>>
        %dma_wait3A_1410 = arith.constant 0 : i32
        %dma_wait3A_1411 = arith.constant 0 : i32
        %dma_wait3A_1412 = tpu.memref_slice %arg4[%add3A_1383, %dma_wait3A_1410, %dma_wait3A_1411] : memref<41600x128x16xf32, #tpu.memory_space<hbm>> -> memref<26x128x16xf32, #tpu.memory_space<hbm>>
        %dma_wait3A_1413 = arith.constant 0 : i32
        %dma_wait3A_1414 = arith.constant 0 : i32
        %dma_wait3A_1415 = arith.constant 0 : i32
        %dma_wait3A_1416 = tpu.memref_slice %arg6[%run_scoped3A_1384, %dma_wait3A_1413, %dma_wait3A_1414, %dma_wait3A_1415] : memref<2x26x128x16xf32, #tpu.memory_space<vmem>> -> memref<1x26x128x16xf32, #tpu.memory_space<vmem>>
        %dma_wait3A_1417 = tpu.memref_squeeze %dma_wait3A_1416 : memref<1x26x128x16xf32, #tpu.memory_space<vmem>> -> memref<26x128x16xf32, #tpu.memory_space<vmem>>
        tpu.wait_dma2 semaphore(%run_scoped3A_1385 : memref<!tpu.dma_semaphore, #tpu.memory_space<semaphore_mem>>) src(%dma_wait3A_1417 : memref<26x128x16xf32, #tpu.memory_space<vmem>>) dst(%dma_wait3A_1412 : memref<26x128x16xf32, #tpu.memory_space<hbm>>)
        tpu.yield
      }) : () -> ()
    }
    %scan3A_348 = arith.constant 25 : i32
    return
  }
}

module attributes {stable_mosaic.version = 14 : i64} {
  func.func @_tc_mlp_body(%arg0: i32, %arg1: memref<4096x416xf32, #tpu.memory_space<vmem>>, %arg2: memref<4096x13xf32, #tpu.memory_space<vmem>>, %arg3: memref<4096x1xf32, #tpu.memory_space<vmem>>, %arg4: memref<416x32xf32, #tpu.memory_space<vmem>>, %arg5: memref<1x32xf32, #tpu.memory_space<vmem>>, %arg6: memref<13x32xf32, #tpu.memory_space<vmem>>, %arg7: memref<1x32xf32, #tpu.memory_space<vmem>>, %arg8: memref<64x64xf32, #tpu.memory_space<vmem>>, %arg9: memref<1x64xf32, #tpu.memory_space<vmem>>, %arg10: memref<4096x64xf32, #tpu.memory_space<vmem>>) attributes {dimension_semantics = [#tpu.dimension_semantics<arbitrary>], iteration_bounds = array<i64: 50>, scalar_prefetch = 0 : i64, scratch_operands = 0 : i64, tpu.core_type = #tpu.core_type<tc>, window_params = [{transform_indices = @transform_0, window_bounds = array<i64: 4096, 416>}, {transform_indices = @transform_1, window_bounds = array<i64: 4096, 13>}, {transform_indices = @transform_2, window_bounds = array<i64: 4096, 1>}, {pipeline_mode = #tpu.pipeline_mode<synchronous>, transform_indices = @transform_3, window_bounds = array<i64: 416, 32>}, {pipeline_mode = #tpu.pipeline_mode<synchronous>, transform_indices = @transform_4, window_bounds = array<i64: 1, 32>}, {pipeline_mode = #tpu.pipeline_mode<synchronous>, transform_indices = @transform_5, window_bounds = array<i64: 13, 32>}, {pipeline_mode = #tpu.pipeline_mode<synchronous>, transform_indices = @transform_6, window_bounds = array<i64: 1, 32>}, {pipeline_mode = #tpu.pipeline_mode<synchronous>, transform_indices = @transform_7, window_bounds = array<i64: 64, 64>}, {pipeline_mode = #tpu.pipeline_mode<synchronous>, transform_indices = @transform_8, window_bounds = array<i64: 1, 64>}, {transform_indices = @transform_9, window_bounds = array<i64: 4096, 64>}]} {
    %get3A = arith.constant 0 : index
    %get3A_0 = arith.constant 0 : index
    %get3A_1 = vector.load %arg1[%get3A, %get3A_0] : memref<4096x416xf32, #tpu.memory_space<vmem>>, vector<4096x416xf32>
    %get3A_2 = arith.constant 0 : index
    %get3A_3 = arith.constant 0 : index
    %get3A_4 = vector.load %arg4[%get3A_2, %get3A_3] : memref<416x32xf32, #tpu.memory_space<vmem>>, vector<416x32xf32>
    %dot_general3A = arith.constant dense<0.000000e+00> : vector<4096x32xf32>
    %dot_general3A_5 = tpu.matmul %get3A_1, %get3A_4, %dot_general3A {dimension_numbers = #tpu.dot_dimension_numbers<[1], [0], [0], [1], [0, 0, 1, 1], [], []>, transpose_lhs_hint = false} : vector<4096x416xf32>, vector<416x32xf32>, vector<4096x32xf32> -> vector<4096x32xf32>
    %get3A_6 = arith.constant 0 : index
    %get3A_7 = arith.constant 0 : index
    %get3A_8 = vector.load %arg5[%get3A_6, %get3A_7] : memref<1x32xf32, #tpu.memory_space<vmem>>, vector<1x32xf32>
    %add3A = vector.broadcast %get3A_8 : vector<1x32xf32> to vector<4096x32xf32>
    %add3A_9 = arith.addf %dot_general3A_5, %add3A : vector<4096x32xf32>
    %max3A = arith.constant 0.000000e+00 : f32
    %max3A_10 = vector.broadcast %max3A : f32 to vector<4096x32xf32>
    %max3A_11 = arith.maximumf %add3A_9, %max3A_10 : vector<4096x32xf32>
    %get3A_12 = arith.constant 0 : index
    %get3A_13 = arith.constant 0 : index
    %get3A_14 = vector.load %arg2[%get3A_12, %get3A_13] : memref<4096x13xf32, #tpu.memory_space<vmem>>, vector<4096x13xf32>
    %get3A_15 = arith.constant 0 : index
    %get3A_16 = arith.constant 0 : index
    %get3A_17 = vector.load %arg6[%get3A_15, %get3A_16] : memref<13x32xf32, #tpu.memory_space<vmem>>, vector<13x32xf32>
    %dot_general3A_18 = arith.constant dense<0.000000e+00> : vector<4096x32xf32>
    %dot_general3A_19 = tpu.matmul %get3A_14, %get3A_17, %dot_general3A_18 {dimension_numbers = #tpu.dot_dimension_numbers<[1], [0], [0], [1], [0, 0, 1, 1], [], []>, transpose_lhs_hint = false} : vector<4096x13xf32>, vector<13x32xf32>, vector<4096x32xf32> -> vector<4096x32xf32>
    %get3A_20 = arith.constant 0 : index
    %get3A_21 = arith.constant 0 : index
    %get3A_22 = vector.load %arg7[%get3A_20, %get3A_21] : memref<1x32xf32, #tpu.memory_space<vmem>>, vector<1x32xf32>
    %add3A_23 = vector.broadcast %get3A_22 : vector<1x32xf32> to vector<4096x32xf32>
    %add3A_24 = arith.addf %dot_general3A_19, %add3A_23 : vector<4096x32xf32>
    %max3A_25 = arith.constant 0.000000e+00 : f32
    %max3A_26 = vector.broadcast %max3A_25 : f32 to vector<4096x32xf32>
    %max3A_27 = arith.maximumf %add3A_24, %max3A_26 : vector<4096x32xf32>
    %get3A_28 = arith.constant 0 : index
    %get3A_29 = arith.constant 0 : index
    %get3A_30 = vector.load %arg8[%get3A_28, %get3A_29] : memref<64x64xf32, #tpu.memory_space<vmem>>, vector<32x64xf32>
    %dot_general3A_31 = arith.constant dense<0.000000e+00> : vector<4096x64xf32>
    %dot_general3A_32 = tpu.matmul %max3A_11, %get3A_30, %dot_general3A_31 {dimension_numbers = #tpu.dot_dimension_numbers<[1], [0], [0], [1], [0, 0, 1, 1], [], []>, transpose_lhs_hint = false} : vector<4096x32xf32>, vector<32x64xf32>, vector<4096x64xf32> -> vector<4096x64xf32>
    %get3A_33 = arith.constant 32 : index
    %get3A_34 = arith.constant 0 : index
    %get3A_35 = vector.load %arg8[%get3A_33, %get3A_34] : memref<64x64xf32, #tpu.memory_space<vmem>>, vector<32x64xf32>
    %dot_general3A_36 = arith.constant dense<0.000000e+00> : vector<4096x64xf32>
    %dot_general3A_37 = tpu.matmul %max3A_27, %get3A_35, %dot_general3A_36 {dimension_numbers = #tpu.dot_dimension_numbers<[1], [0], [0], [1], [0, 0, 1, 1], [], []>, transpose_lhs_hint = false} : vector<4096x32xf32>, vector<32x64xf32>, vector<4096x64xf32> -> vector<4096x64xf32>
    %add3A_38 = arith.addf %dot_general3A_32, %dot_general3A_37 : vector<4096x64xf32>
    %get3A_39 = arith.constant 0 : index
    %get3A_40 = arith.constant 0 : index
    %get3A_41 = vector.load %arg9[%get3A_39, %get3A_40] : memref<1x64xf32, #tpu.memory_space<vmem>>, vector<1x64xf32>
    %add3A_42 = vector.broadcast %get3A_41 : vector<1x64xf32> to vector<4096x64xf32>
    %add3A_43 = arith.addf %add3A_38, %add3A_42 : vector<4096x64xf32>
    %max3A_44 = arith.constant 0.000000e+00 : f32
    %max3A_45 = vector.broadcast %max3A_44 : f32 to vector<4096x64xf32>
    %max3A_46 = arith.maximumf %add3A_43, %max3A_45 : vector<4096x64xf32>
    %get3A_47 = arith.constant 0 : index
    %get3A_48 = arith.constant 0 : index
    %get3A_49 = vector.load %arg3[%get3A_47, %get3A_48] : memref<4096x1xf32, #tpu.memory_space<vmem>>, vector<4096x1xf32>
    %mul3A = vector.broadcast %get3A_49 : vector<4096x1xf32> to vector<4096x64xf32>
    %mul3A_50 = arith.mulf %max3A_46, %mul3A : vector<4096x64xf32>
    %swap3A = arith.constant 0 : index
    %swap3A_51 = arith.constant 0 : index
    %swap3A_52 = vector.load %arg10[%swap3A, %swap3A_51] : memref<4096x64xf32, #tpu.memory_space<vmem>>, vector<4096x64xf32>
    tpu.vector_store %arg10[%swap3A, %swap3A_51], %mul3A_50 {strides = array<i32>} : memref<4096x64xf32, #tpu.memory_space<vmem>>, vector<4096x64xf32>,
    return
  }
  func.func @transform_0(%arg0: i32) -> (i32, i32) {
    %c0_i32 = arith.constant 0 : i32
    %c0_i32_0 = arith.constant 0 : i32
    return %arg0, %c0_i32 : i32, i32
  }
  func.func @transform_1(%arg0: i32) -> (i32, i32) {
    %c0_i32 = arith.constant 0 : i32
    %c0_i32_0 = arith.constant 0 : i32
    return %arg0, %c0_i32 : i32, i32
  }
  func.func @transform_2(%arg0: i32) -> (i32, i32) {
    %c0_i32 = arith.constant 0 : i32
    %c0_i32_0 = arith.constant 0 : i32
    return %arg0, %c0_i32 : i32, i32
  }
  func.func @transform_3(%arg0: i32) -> (i32, i32) {
    %c0_i32 = arith.constant 0 : i32
    %c0_i32_0 = arith.constant 0 : i32
    %c0_i32_1 = arith.constant 0 : i32
    return %c0_i32, %c0_i32_0 : i32, i32
  }
  func.func @transform_4(%arg0: i32) -> (i32, i32) {
    %c0_i32 = arith.constant 0 : i32
    %c0_i32_0 = arith.constant 0 : i32
    %c0_i32_1 = arith.constant 0 : i32
    return %c0_i32, %c0_i32_0 : i32, i32
  }
  func.func @transform_5(%arg0: i32) -> (i32, i32) {
    %c0_i32 = arith.constant 0 : i32
    %c0_i32_0 = arith.constant 0 : i32
    %c0_i32_1 = arith.constant 0 : i32
    return %c0_i32, %c0_i32_0 : i32, i32
  }
  func.func @transform_6(%arg0: i32) -> (i32, i32) {
    %c0_i32 = arith.constant 0 : i32
    %c0_i32_0 = arith.constant 0 : i32
    %c0_i32_1 = arith.constant 0 : i32
    return %c0_i32, %c0_i32_0 : i32, i32
  }
  func.func @transform_7(%arg0: i32) -> (i32, i32) {
    %c0_i32 = arith.constant 0 : i32
    %c0_i32_0 = arith.constant 0 : i32
    %c0_i32_1 = arith.constant 0 : i32
    return %c0_i32, %c0_i32_0 : i32, i32
  }
  func.func @transform_8(%arg0: i32) -> (i32, i32) {
    %c0_i32 = arith.constant 0 : i32
    %c0_i32_0 = arith.constant 0 : i32
    %c0_i32_1 = arith.constant 0 : i32
    return %c0_i32, %c0_i32_0 : i32, i32
  }
  func.func @transform_9(%arg0: i32) -> (i32, i32) {
    %c0_i32 = arith.constant 0 : i32
    %c0_i32_0 = arith.constant 0 : i32
    return %arg0, %c0_i32 : i32, i32
  }
}

</mosaic_0001>

<sc_bundles>
// kernel: kernel.4.cloned.1.call-start
scs
__scs_entry_jumppad:
0x0: {  	(pc) =	sbr.rel $0x88, $3  }
0x1: {  	(tag) =	ssettag $0x0;
	lr =	simm.s32 $0x1  }
0x2: {  	[smem:$0x3F97] =	sst lr;
	_ =	strace $0xD0000000  }
0x3: {  	_ = 	snop  }
0x4: {  	_ = 	snop  }
0x5: {  	_ = 	snop  }
0x6: {  	_ = 	snop  }
0x7: {  	_ = 	snop  }
__scs_overlays_trampoline_lowered:
0x8: {  	[smem:$0x3FA6] =	sst s0  }
0x9: {  	[smem:$0x3FA7] =	sst s1  }
0xa: {  	[smem:$0x3FA8] =	sst s2  }
0xb: {  	[smem:$0x3FA9] =	sst s3  }
0xc: {  	[smem:$0x3FAA] =	sst s4  }
0xd: {  	[smem:$0x3FAB] =	sst s5  }
0xe: {  	[smem:$0x3FAC] =	sst s6  }
0xf: {  	[smem:$0x3FAD] =	sst s7  }
0x10: {  	[smem:$0x3FAE] =	sst s8  }
0x11: {  	[smem:$0x3FAF] =	sst s9;
	s0 =	simm.s32 @!p0 $0x0  }
0x12: {  	s1 =	sld [smem:$0x3F95];
	s0 =	simm.s32 @p0 $0x1  }
0x13: {  	[smem:$0x3FB0] =	sst s0;
	s0 =	simm.s32 @!p1 $0x0  }
0x14: {  	s2 =	sld [smem:$0x3F94];
	s0 =	simm.s32 @p1 $0x1  }
0x15: {  	[smem:$0x3FB1] =	sst s0;
	s0 =	simm.s32 @!p2 $0x0  }
0x16: {  	s3 =	sld [smem:$0x3FDB];
	s0 =	simm.s32 @p2 $0x1  }
0x17: {  	s4 =	simm.s32 $0x1BF5;
	[smem:$0x3FB3] =	sst s0  }
0x18: {  	s0 =	sld [smem:$0x3F96];
	_ =	swait.ge [sflag:s4], $0x0  }
0x19: {  	s7 =	sld [smem:$0x3F97]  }
0x1a: {  	s8 =	sadd.s32 $0xFFFFE003, lr  }
0x1b: {  	s9 =	sadd.s32 $0xFFFFFEF7, lr;
	s5 =	simm.s32 $0xFFFFFFFF;
	p2 =	slt.u32 s8, $0xFFFFF086  }
0x1c: {  	p1 =	slt.u32 s9, $0xF7A;
	s5 =	simm.s32 @!p2 $0x0  }
0x1d: {  	s5 =	simm.s32 @p1 $0x1;
	p0 =	seq.s32 s7, s2  }
0x1e: {  	s7 =	smul.u32 @!p0 $0xF7A, s2;
	p2 =	seq.s32 @!p0 s5, $0x0  }
0x1f: {  	s9 =	smul.u32 $0xF7A, s1;
	s8 =	simm.s32 @!p0 $0x1BF5;
	p2 =	por !p2, p0  }
0x20: {  	[sflag:s8] =	ssyncset.s32 @!p0 $0xFFFFF086;
	s6 =	sadd.s32 @!p0 s3, s7;
	s7 =	simm.s32 @!p0 $0x108  }
0x21: {  	s3 =	sadd.s32 s3, s9;
	s6 =	sadd.s32 @!p0 $0x88, s6;
	s7 =	simm.s32 @p2 $0x1082  }
0x22: {  	[simem:s7], [sflag:s8] =	dma.local @!p0 [hbm:s6], $0xF7A  }
0x23: {  	s9 =	sor.u32 $0xD0000000, s2;
	s6 =	simm.s32 $0x108;
	_ =	swait.ge @!p0 [sflag:s8], $0x0  }
0x24: {  	s3 =	sadd.s32 $0x88, s3;
	s6 =	simm.s32 @!p1 $0x1082;
	[sflag:s4] =	ssyncset.s32 $0xFFFFF086  }
0x25: {  	[simem:s6], [sflag:s4] =	dma.local [hbm:s3], $0xF7A  }
0x26: {  	[smem:$0x3F97] =	sst s1;
	(tag) =	ssettag s2;
	_ =	strace s9  }
0x27: {  	s1 =	sld [smem:$0x3FA7]  }
0x28: {  	s2 =	sld [smem:$0x3FA8]  }
0x29: {  	s4 =	sld [smem:$0x3FAA]  }
0x2a: {  	p0 =	seq.s32 s5, $0x0;
	s5 =	sld [smem:$0x3FAB]  }
0x2b: {  	s6 =	sld [smem:$0x3FAC]  }
0x2c: {  	s7 =	sld [smem:$0x3FAD]  }
0x2d: {  	s3 =	simm.s32 $0x108;
	s8 =	sld [smem:$0x3FAE]  }
0x2e: {  	s3 =	simm.s32 @!p0 $0x1082;
	s9 =	sld [smem:$0x3FAF]  }
0x2f: {  	lr =	sadd.s32 s0, s3;
	s0 =	sld [smem:$0x3FA6]  }
0x30: {  	s3 =	sld [smem:$0x3FA9]  }
0x31: {  	[smem:$0x3FB2] =	sst s10  }
0x32: {  	s10 =	sld [smem:$0x3FB0];
	_ =	sdelay $0x3  }
0x33: {  	p0 =	seq.s32 s10, $0x1;
	s10 =	sld [smem:$0x3FB2];
	_ =	sdelay $0x3  }
0x34: {  	[smem:$0x3FB2] =	sst s10  }
0x35: {  	s10 =	sld [smem:$0x3FB1];
	_ =	sdelay $0x3  }
0x36: {  	p1 =	seq.s32 s10, $0x1;
	s10 =	sld [smem:$0x3FB2];
	_ =	sdelay $0x3  }
0x37: {  	[smem:$0x3FB2] =	sst s10  }
0x38: {  	s10 =	sld [smem:$0x3FB3]  }
0x39: {  	_ = 	snop;
	(pc) =	sbr.ind lr, $3  }
0x3a: {  	_ = 	snop  }
0x3b: {  	_ = 	snop  }
0x3c: {  	p2 =	seq.s32 s10, $0x1;
	s10 =	sld [smem:$0x3FB2]  }
0x3d: {  	_ =	shalt  }
0x3e: {  	_ =	shalt  }
0x3f: {  	_ =	shalt  }
0x40: {  	_ =	shalt  }
0x41: {  	_ =	shalt  }
0x42: {  	_ =	shalt  }
0x43: {  	_ =	shalt  }
0x44: {  	_ =	shalt  }
0x45: {  	_ =	shalt  }
0x46: {  	_ =	shalt  }
0x47: {  	_ =	shalt  }
0x48: {  	_ =	shalt  }
0x49: {  	_ =	shalt  }
0x4a: {  	_ =	shalt  }
0x4b: {  	_ =	shalt  }
0x4c: {  	_ =	shalt  }
0x4d: {  	_ =	shalt  }
0x4e: {  	_ =	shalt  }
0x4f: {  	_ =	shalt  }
0x50: {  	_ =	shalt  }
0x51: {  	_ =	shalt  }
0x52: {  	_ =	shalt  }
0x53: {  	_ =	shalt  }
0x54: {  	_ =	shalt  }
0x55: {  	_ =	shalt  }
0x56: {  	_ =	shalt  }
0x57: {  	_ =	shalt  }
0x58: {  	_ =	shalt  }
0x59: {  	_ =	shalt  }
0x5a: {  	_ =	shalt  }
0x5b: {  	_ =	shalt  }
0x5c: {  	_ =	shalt  }
0x5d: {  	_ =	shalt  }
0x5e: {  	_ =	shalt  }
0x5f: {  	_ =	shalt  }
0x60: {  	_ =	shalt  }
0x61: {  	_ =	shalt  }
0x62: {  	_ =	shalt  }
0x63: {  	_ =	shalt  }
0x64: {  	_ =	shalt  }
0x65: {  	_ =	shalt  }
0x66: {  	_ =	shalt  }
0x67: {  	_ =	shalt  }
0x68: {  	_ =	shalt  }
0x69: {  	_ =	shalt  }
0x6a: {  	_ =	shalt  }
0x6b: {  	_ =	shalt  }
0x6c: {  	_ =	shalt  }
0x6d: {  	_ =	shalt  }
0x6e: {  	_ =	shalt  }
0x6f: {  	_ =	shalt  }
0x70: {  	_ =	shalt  }
0x71: {  	_ =	shalt  }
0x72: {  	_ =	shalt  }
0x73: {  	_ =	shalt  }
0x74: {  	_ =	shalt  }
0x75: {  	_ =	shalt  }
0x76: {  	_ =	shalt  }
0x77: {  	_ =	shalt  }
0x78: {  	_ =	shalt  }
0x79: {  	_ =	shalt  }
0x7a: {  	_ =	shalt  }
0x7b: {  	_ =	shalt  }
0x7c: {  	_ =	shalt  }
0x7d: {  	_ =	shalt  }
0x7e: {  	_ =	shalt  }
0x7f: {  	_ =	shalt  }
0x80: {  	_ =	shalt  }
0x81: {  	_ =	shalt  }
0x82: {  	_ =	shalt  }
0x83: {  	_ =	shalt  }
0x84: {  	_ =	shalt  }
0x85: {  	_ =	shalt  }
0x86: {  	_ =	shalt  }
0x87: {  	_ =	shalt  }
.Lfunc_end0:
.L_simem_size_0:
called_computation.1_lowered:
.L_overlay_start_0:
0x88: {  	s2 =	sld [smem:$0x3FD9]  }
0x89: {  	s3 =	sld [smem:$0x3FFE];
	_ =	sdelay $0x1  }
0x8a: {  	s1 =	srdreg.scid  }
0x8b: {  	s0 =	sand.u32 $0x1, s1  }
0x8c: {  	s17 =	sshll.u32 s0, $0xA;
	s2 =	sadd.s32 s3, s2  }
0x8d: {  	s2 =	sadd.s32 s2, s17  }
0x8e: {  	[smem:$0x3FBE] =	sst s2  }
0x8f: {  	_ = 	snop  }
0x90: {  	s2 =	sld [smem:$0x3FD0];
	(tm) =	ssettm $0x1  }
0x91: {  	s18 =	sld [smem:$0x3FFB];
	_ =	sdelay $0x3  }
0x92: {  	_ =	strace s18  }
0x93: {  	s3 =	sld [smem:$0x3FFC];
	_ =	sdelay $0x3  }
0x94: {  	_ =	strace s3  }
0x95: {  	s3 =	sld [smem:$0x3FFD];
	_ =	sdelay $0x3  }
0x96: {  	_ =	strace s3  }
0x97: {  	_ =	strace $0x8FFFFFFF  }
0x98: {  	s19 =	sld [smem:$0x3FDB];
	_ =	sdelay $0x1  }
0x99: {  	s4 =	simm.s32 $_scs_section_size  }
0x9a: {  	s5 =	simm.s32 $_size__tile_overlayer_lowered;
	s6 =	simm.s32 $_tile_overlayer_lowered  }
0x9b: {  	s22 =	simm.s32 $0x1BFF;
	s21 =	sshll.u32 s6, $0x1;
	s3 =	sadd.s32 s4, s19  }
0x9c: {  	s7 =	simm.s32 $0x0;
	s20 =	sshll.u32 s5, $0x1;
	s5 =	sadd.s32 s21, s3  }
0x9d: {  	[timem:s7], [sflag:s22] =	dma.local [hbm:s5], s20  }
0x9e: {  	_ =	swait.ge [sflag:s22], s20  }
0x9f: {  	s4 =	ssub.s32 $0x0, s20;
	[sflag:s22] =	ssyncset.done $0x0  }
0xa0: {  	[sflag:s22] =	ssyncadd.s32 s4;
	_ =	sdelay $0x1  }
0xa1: {  	s23 =	simm.s32 $0x1B8B  }
0xa2: {  	_ =	swait.ge [sflag:s23], $0x1  }
0xa3: {  	[sflag:s23] =	ssyncset.done $0x0  }
0xa4: {  	s25 =	simm.s32 $0x1B8E;
	s24 =	sld [smem:$0x3FFE];
	[sflag:s23] =	ssyncadd.s32 $0xFFFFFFFF  }
0xa5: {  	s26 =	simm.s32 $execute0_lowered;
	[smem:$0x3FD2] =	sst s25  }
0xa6: {  	s5 =	sshll.u32 s26, $0x1;
	_ =	strace $0x80000046;
	[dreg:$0x1] =	wrdreg $0xFFFFFFFF  }
0xa7: {  	s28 =	simm.s32 $_size_execute0_lowered;
	s3 =	sadd.s32 s3, s5;
	[dreg:$0x0] =	wrdreg $0x0  }
0xa8: {  	s5 =	sshll.u32 s28, $0x1;
	[dreg:$0x2] =	wrdreg s3  }
0xa9: {  	[dreg:$0x3] =	wrdreg s5  }
0xaa: {  	[dreg:$0x4] =	wrdreg $0xC0  }
0xab: {  	_ =	task [dreg:s7], $0x5FFFF  }
0xac: {  	[dreg:$0x1] =	wrdreg $0xFFFFFFFF  }
0xad: {  	[dreg:$0x0] =	wrdreg $0x60  }
0xae: {  	[dreg:$0x2] =	wrdreg s24  }
0xaf: {  	[dreg:$0x3] =	wrdreg s2  }
0xb0: {  	[dreg:$0x4] =	wrdreg $0x9  }
0xb1: {  	_ =	task.clear_ibuf [dreg:s7], $0x5FFFF;
	_ =	strace $0x90000046  }
0xb2: {  	s29 =	simm.s32 $0x9;
	_ =	strace $0x80000048  }
0xb3: {  	_ =	swait.ge [sflag:s29], $0x1  }
0xb4: {  	[sflag:s29] =	ssyncadd.s32 $0xFFFFFFFF  }
0xb5: {  	_ =	strace $0x90000048  }
0xb6: {  	_ =	sfence  }
0xb7: {  	s30 =	sld [smem:$0x0];
	_ =	sdelay $0x2  }
0xb8: {  	s31 =	sshll.u32 s1, $0xD;
	s1 =	sshrl.u32 s1, $0x2  }
0xb9: {  	s3 =	sand.u32 $0x4000, s31;
	s1 =	sadd.s32 s1, s30  }
0xba: {  	s0 =	sor.u32 s3, s0;
	s1 =	sshll.u32 s1, $0x11  }
0xbb: {  	s0 =	sor.u32 s1, s0  }
0xbc: {  	s0 =	sadd.s32 $0x8F2B, s0  }
0xbd: {  	[sflag:s0] =	ssyncadd.remote.s32 $0x1  }
0xbe: {  	_ =	sfence.sel $0xFFFF  }
0xbf: {  	[dreg:$0x0] =	wrdreg $0xFFFFFFFF;
	(pc) =	sbr.abs _section_cstart, $3  }
0xc0: {  	[dreg:$0x1] =	wrdreg $0xFFFFFFFF  }
0xc1: {  	_ =	task.clear_ibuf [dreg:s7], $0x2FFFF;
	_ =	strace $0x9FFFFFFF  }
0xc2: {  	(tm) =	ssettm $0x7FFFFFFF  }
0xc3: {  	_ =	shalt  }
tec
execute0_lowered:
.L_overlay_start_1:
0x0: {  	(tag) =	ssettag $0x1  }
0x1: {  	s0 =	rddreg [dreg:$0x0]  }
0x2: {  	s1 =	rddreg [dreg:$0x1];
	s2 =	simm.s32 $0x0;
	s3 =	srdreg.scid  }
0x3: {  	s10 =	stileid.u32;
	s11 =	simm.s32 $0x80;
	s12 =	simm.s32 $0x1A00  }
0x4: {  	s14 =	simm.s32 $0xD00;
	s15 =	simm.s32 $0xEA00;
	s29 =	simm.s32 $0x17A00  }
0x5: {  	s30 =	simm.s32 $0x1680;
	s31 =	simm.s32 $0x18200;
	s13 =	simm.s32 $0x1880  }
0x6: {  	s16 =	simm.s32 $0x1900;
	s17 =	simm.s32 $0x1AA00;
	s18 =	simm.s32 $0x1980  }
0x7: {  	s19 =	simm.s32 $0x1B200;
	s20 =	simm.s32 $0x1;
	s21 =	simm.s32 $0x2  }
0x8: {  	[smem:$0x7FF] =	sst s2;
	s4 =	sand.u32 $0x1, s3;
	s5 =	smul.u32 $0xA28, s10  }
0x9: {  	s23 =	sshll.u32 s10, $0x1;
	s3 =	sadd.s32 $0x27ADE00, s0;
	s26 =	smul.u32 $0xA2800, s10  }
0xa: {  	s0 =	sadd.s32 $0x1A00, s0;
	s10 =	simm.s32 $0x3;
	s7 =	smul.u32 $0x514, s4  }
0xb: {  	s6 =	sor.u32 s4, s23;
	s8 =	ssub.s32 $0x2, s4;
	s4 =	smul.u32 $0x51400, s4  }
0xc: {  	_ =	strace $0x80000047;
	s6 =	smul.u32 $0x5140, s6;
	s9 =	sshrl.u32 s8, $0x1  }
0xd: {  	s23 =	simm.s32 $0x0;
	s5 =	sadd.s32 s7, s5;
	s24 =	ssub.s32 s8, s9  }
0xe: {  	s9 =	simm.s32 $0x19A00;
	s6 =	sadd.s32 s1, s6;
	s25 =	sshll.u32 s5, $0x4  }
0xf: {  	s7 =	smax.u32 s24, $0x1;
	s5 =	sadd.s32 $0x1A, s5;
	[dreg:$0x3] =	wrdreg s6  }
0x10: {  	[dreg:$0x4] =	wrdreg s7;
	s6 =	sadd.s32 s1, s25;
	s5 =	sshrl.u32 s5, $0x1  }
0x11: {  	s6 =	sadd.s32 $0x340, s6;
	s28 =	sshll.u32 s5, $0x9;
	s5 =	sshll.u32 s5, $0x5  }
.Ltmp0:
0x12: {  	[dreg:$0x5] =	wrdreg s6;
	s7 =	sadd.s32 s28, s0;
	(pc) =	sbr.rel .LBB2_1-.Ltmp0, $4  }
0x13: {  	s8 =	sadd.s32 s5, s1;
	s0 =	sadd.s32 s26, s0;
	s26 =	simm.s32 $0xD80  }
0x14: {  	s1 =	simm.s32 $0x18A00;
	s5 =	simm.s32 $0x19200;
	s6 =	simm.s32 $0x1A200  }
0x15: {  	[dreg:$0x6] =	wrdreg s7;
	s0 =	sadd.s32 s4, s0;
	s4 =	simm.s32 $0x1780  }
0x16: {  	s7 =	simm.s32 $0x1800;
	[dreg:$0x7] =	wrdreg s0;
	s0 =	simm.s32 $0x1700  }
.LBB2_5:
0x17: {  	s23 =	rddreg [dreg:$0x8]  }
0x18: {  	s22 =	rddreg [dreg:$0x4];
	s23 =	sadd.s32 $0x1, s23  }
0x19: {  	p0 =	sne.s32 s23, s22  }
.Ltmp1:
0x1a: {  	_ = 	snop;
	(pc) =	sbr.rel @!p0 .LBB2_6-.Ltmp1, $1  }
0x1b: {  	_ =	sdelay $0x3  }
.LBB2_1:
0x1c: {  	[dreg:$0x8] =	wrdreg s23  }
0x1d: {  	s22 =	rddreg [dreg:$0x3]  }
0x1e: {  	[tilespmem:s2], [sflag:$0x3] =	stream.linear.gather [hbm4b:s22+s2], $0xD00, $0x38;
	[tilespmem:$0x1BA00] =	vst v63  }
0x1f: {  	_ =	swait.ge [sflag:s10], $0xD00  }
0x20: {  	[sflag:s10] =	ssyncset.done $0x0  }
0x21: {  	[sflag:s10] =	ssyncadd.s32 $0xFFFFF300  }
0x22: {  	[tilespmem:s12], [sflag:$0x1] =	stream.indirect.gather [hbm4b:s3+s11], $0x10, s2, s11, $0xb8;
	[tilespmem:$0x1BA00] =	vst v63  }
0x23: {  	s28 =	simm.s32 $0x2200  }
0x24: {  	[tilespmem:s28], [sflag:$0x1] =	stream.indirect.gather [hbm4b:s3+s11], $0x10, s11, s11, $0xb8;
	[tilespmem:$0x1BA00] =	vst v63  }
0x25: {  	s23 =	simm.s32 $0x100;
	s24 =	simm.s32 $0x2A00  }
0x26: {  	[tilespmem:s24], [sflag:$0x1] =	stream.indirect.gather [hbm4b:s3+s11], $0x10, s23, s11, $0xb8;
	[tilespmem:$0x1BA00] =	vst v63  }
0x27: {  	s25 =	simm.s32 $0x180;
	s28 =	simm.s32 $0x3200  }
0x28: {  	[tilespmem:s28], [sflag:$0x1] =	stream.indirect.gather [hbm4b:s3+s11], $0x10, s25, s11, $0xb8;
	[tilespmem:$0x1BA00] =	vst v63  }
0x29: {  	s23 =	simm.s32 $0x200;
	s24 =	simm.s32 $0x3A00  }
0x2a: {  	[tilespmem:s24], [sflag:$0x1] =	stream.indirect.gather [hbm4b:s3+s11], $0x10, s23, s11, $0xb8;
	[tilespmem:$0x1BA00] =	vst v63  }
0x2b: {  	s25 =	simm.s32 $0x280;
	s28 =	simm.s32 $0x4200  }
0x2c: {  	[tilespmem:s28], [sflag:$0x1] =	stream.indirect.gather [hbm4b:s3+s11], $0x10, s25, s11, $0xb8;
	[tilespmem:$0x1BA00] =	vst v63  }
0x2d: {  	s23 =	simm.s32 $0x300;
	s24 =	simm.s32 $0x4A00  }
0x2e: {  	[tilespmem:s24], [sflag:$0x1] =	stream.indirect.gather [hbm4b:s3+s11], $0x10, s23, s11, $0xb8;
	[tilespmem:$0x1BA00] =	vst v63  }
0x2f: {  	s25 =	simm.s32 $0x380;
	s28 =	simm.s32 $0x5200  }
0x30: {  	[tilespmem:s28], [sflag:$0x1] =	stream.indirect.gather [hbm4b:s3+s11], $0x10, s25, s11, $0xb8;
	[tilespmem:$0x1BA00] =	vst v63  }
0x31: {  	s23 =	simm.s32 $0x400;
	s24 =	simm.s32 $0x5A00  }
0x32: {  	[tilespmem:s24], [sflag:$0x1] =	stream.indirect.gather [hbm4b:s3+s11], $0x10, s23, s11, $0xb8;
	[tilespmem:$0x1BA00] =	vst v63  }
0x33: {  	s25 =	simm.s32 $0x480;
	s28 =	simm.s32 $0x6200  }
0x34: {  	[tilespmem:s28], [sflag:$0x1] =	stream.indirect.gather [hbm4b:s3+s11], $0x10, s25, s11, $0xb8;
	[tilespmem:$0x1BA00] =	vst v63  }
0x35: {  	s23 =	simm.s32 $0x500;
	s24 =	simm.s32 $0x6A00  }
0x36: {  	[tilespmem:s24], [sflag:$0x1] =	stream.indirect.gather [hbm4b:s3+s11], $0x10, s23, s11, $0xb8;
	[tilespmem:$0x1BA00] =	vst v63  }
0x37: {  	s25 =	simm.s32 $0x580;
	s28 =	simm.s32 $0x7200  }
0x38: {  	[tilespmem:s28], [sflag:$0x1] =	stream.indirect.gather [hbm4b:s3+s11], $0x10, s25, s11, $0xb8;
	[tilespmem:$0x1BA00] =	vst v63  }
0x39: {  	s23 =	simm.s32 $0x600;
	s24 =	simm.s32 $0x7A00  }
0x3a: {  	[tilespmem:s24], [sflag:$0x1] =	stream.indirect.gather [hbm4b:s3+s11], $0x10, s23, s11, $0xb8;
	[tilespmem:$0x1BA00] =	vst v63  }
0x3b: {  	s25 =	simm.s32 $0x680;
	s28 =	simm.s32 $0x8200  }
0x3c: {  	[tilespmem:s28], [sflag:$0x1] =	stream.indirect.gather [hbm4b:s3+s11], $0x10, s25, s11, $0xb8;
	[tilespmem:$0x1BA00] =	vst v63  }
0x3d: {  	s23 =	simm.s32 $0x700;
	s24 =	simm.s32 $0x8A00  }
0x3e: {  	[tilespmem:s24], [sflag:$0x1] =	stream.indirect.gather [hbm4b:s3+s11], $0x10, s23, s11, $0xb8;
	[tilespmem:$0x1BA00] =	vst v63  }
0x3f: {  	s25 =	simm.s32 $0x780;
	s28 =	simm.s32 $0x9200  }
0x40: {  	[tilespmem:s28], [sflag:$0x1] =	stream.indirect.gather [hbm4b:s3+s11], $0x10, s25, s11, $0xb8;
	[tilespmem:$0x1BA00] =	vst v63  }
0x41: {  	s23 =	simm.s32 $0x800;
	s24 =	simm.s32 $0x9A00  }
0x42: {  	[tilespmem:s24], [sflag:$0x1] =	stream.indirect.gather [hbm4b:s3+s11], $0x10, s23, s11, $0xb8;
	[tilespmem:$0x1BA00] =	vst v63  }
0x43: {  	s25 =	simm.s32 $0x880;
	s28 =	simm.s32 $0xA200  }
0x44: {  	[tilespmem:s28], [sflag:$0x1] =	stream.indirect.gather [hbm4b:s3+s11], $0x10, s25, s11, $0xb8;
	[tilespmem:$0x1BA00] =	vst v63  }
0x45: {  	s23 =	simm.s32 $0x900;
	s24 =	simm.s32 $0xAA00  }
0x46: {  	[tilespmem:s24], [sflag:$0x1] =	stream.indirect.gather [hbm4b:s3+s11], $0x10, s23, s11, $0xb8;
	[tilespmem:$0x1BA00] =	vst v63  }
0x47: {  	s25 =	simm.s32 $0x980;
	s28 =	simm.s32 $0xB200  }
0x48: {  	[tilespmem:s28], [sflag:$0x1] =	stream.indirect.gather [hbm4b:s3+s11], $0x10, s25, s11, $0xb8;
	[tilespmem:$0x1BA00] =	vst v63  }
0x49: {  	s23 =	simm.s32 $0xA00;
	s24 =	simm.s32 $0xBA00  }
0x4a: {  	[tilespmem:s24], [sflag:$0x1] =	stream.indirect.gather [hbm4b:s3+s11], $0x10, s23, s11, $0xb8;
	[tilespmem:$0x1BA00] =	vst v63  }
0x4b: {  	s25 =	simm.s32 $0xA80;
	s28 =	simm.s32 $0xC200  }
0x4c: {  	[tilespmem:s28], [sflag:$0x1] =	stream.indirect.gather [hbm4b:s3+s11], $0x10, s25, s11, $0xb8;
	[tilespmem:$0x1BA00] =	vst v63  }
0x4d: {  	s23 =	simm.s32 $0xB00;
	s24 =	simm.s32 $0xCA00  }
0x4e: {  	[tilespmem:s24], [sflag:$0x1] =	stream.indirect.gather [hbm4b:s3+s11], $0x10, s23, s11, $0xb8;
	[tilespmem:$0x1BA00] =	vst v63  }
0x4f: {  	s25 =	simm.s32 $0xB80;
	s28 =	simm.s32 $0xD200  }
0x50: {  	[tilespmem:s28], [sflag:$0x1] =	stream.indirect.gather [hbm4b:s3+s11], $0x10, s25, s11, $0xb8;
	[tilespmem:$0x1BA00] =	vst v63  }
.Ltmp2:
0x51: {  	s22 =	rddreg [dreg:$0x7];
	(pc) =	sbr.rel .LBB2_2-.Ltmp2, $4  }
0x52: {  	s23 =	simm.s32 $0xC00;
	s24 =	simm.s32 $0xDA00;
	s25 =	simm.s32 $0xC80  }
0x53: {  	[tilespmem:s24], [sflag:$0x1] =	stream.indirect.gather [hbm4b:s3+s11], $0x10, s23, s11, $0xb8;
	[tilespmem:$0x1BA00] =	vst v63  }
0x54: {  	s28 =	simm.s32 $0xE200;
	s23 =	rddreg [dreg:$0x6];
	s24 =	simm.s32 $0x0  }
0x55: {  	[tilespmem:s28], [sflag:$0x1] =	stream.indirect.gather [hbm4b:s3+s11], $0x10, s25, s11, $0xb8;
	[tilespmem:$0x1BA00] =	vst v63  }
.LBB2_4:
0x56: {  	_ =	swait.ge [sflag:s21], $0x800  }
0x57: {  	[sflag:s21] =	ssyncset.done $0x0  }
0x58: {  	[sflag:s21] =	ssyncadd.s32 $0xFFFFF800  }
0x59: {  	_ =	swait.ge [sflag:s21], $0x800  }
0x5a: {  	[sflag:s21] =	ssyncset.done $0x0  }
0x5b: {  	[sflag:s21] =	ssyncadd.s32 $0xFFFFF800  }
0x5c: {  	_ =	swait.ge [sflag:s21], $0x800  }
0x5d: {  	[sflag:s21] =	ssyncset.done $0x0  }
0x5e: {  	[sflag:s21] =	ssyncadd.s32 $0xFFFFF800  }
0x5f: {  	_ =	swait.ge [sflag:s21], $0x800  }
0x60: {  	[sflag:s21] =	ssyncset.done $0x0  }
0x61: {  	[sflag:s21] =	ssyncadd.s32 $0xFFFFF800  }
0x62: {  	_ =	swait.ge [sflag:s21], $0x800  }
0x63: {  	[sflag:s21] =	ssyncset.done $0x0  }
0x64: {  	[sflag:s21] =	ssyncadd.s32 $0xFFFFF800  }
0x65: {  	_ =	swait.ge [sflag:s21], $0x800  }
0x66: {  	[sflag:s21] =	ssyncset.done $0x0  }
0x67: {  	[sflag:s21] =	ssyncadd.s32 $0xFFFFF800  }
0x68: {  	_ =	swait.ge [sflag:s21], $0x800  }
0x69: {  	[sflag:s21] =	ssyncset.done $0x0  }
0x6a: {  	[sflag:s21] =	ssyncadd.s32 $0xFFFFF800  }
0x6b: {  	_ =	swait.ge [sflag:s21], $0x800  }
0x6c: {  	[sflag:s21] =	ssyncset.done $0x0  }
0x6d: {  	[sflag:s21] =	ssyncadd.s32 $0xFFFFF800  }
0x6e: {  	_ =	swait.ge [sflag:s21], $0x800  }
0x6f: {  	[sflag:s21] =	ssyncset.done $0x0  }
0x70: {  	[sflag:s21] =	ssyncadd.s32 $0xFFFFF800  }
0x71: {  	_ =	swait.ge [sflag:s21], $0x800  }
0x72: {  	[sflag:s21] =	ssyncset.done $0x0  }
0x73: {  	[sflag:s21] =	ssyncadd.s32 $0xFFFFF800  }
0x74: {  	_ =	swait.ge [sflag:s21], $0x800  }
0x75: {  	[sflag:s21] =	ssyncset.done $0x0  }
0x76: {  	[sflag:s21] =	ssyncadd.s32 $0xFFFFF800  }
0x77: {  	_ =	swait.ge [sflag:s21], $0x800  }
0x78: {  	[sflag:s21] =	ssyncset.done $0x0  }
0x79: {  	[sflag:s21] =	ssyncadd.s32 $0xFFFFF800  }
0x7a: {  	_ =	swait.ge [sflag:s21], $0x800  }
0x7b: {  	[sflag:s21] =	ssyncset.done $0x0  }
0x7c: {  	[sflag:s21] =	ssyncadd.s32 $0xFFFFF800  }
0x7d: {  	_ =	swait.ge [sflag:s21], $0x800  }
0x7e: {  	[sflag:s21] =	ssyncset.done $0x0  }
0x7f: {  	[sflag:s21] =	ssyncadd.s32 $0xFFFFF800  }
0x80: {  	_ =	swait.ge [sflag:s21], $0x800  }
0x81: {  	[sflag:s21] =	ssyncset.done $0x0  }
0x82: {  	[sflag:s21] =	ssyncadd.s32 $0xFFFFF800  }
0x83: {  	_ =	swait.ge [sflag:s21], $0x800  }
0x84: {  	[sflag:s21] =	ssyncset.done $0x0  }
0x85: {  	[sflag:s21] =	ssyncadd.s32 $0xFFFFF800  }
0x86: {  	_ =	swait.ge [sflag:s21], $0x800  }
0x87: {  	[sflag:s21] =	ssyncset.done $0x0  }
0x88: {  	[sflag:s21] =	ssyncadd.s32 $0xFFFFF800  }
0x89: {  	_ =	swait.ge [sflag:s21], $0x800  }
0x8a: {  	[sflag:s21] =	ssyncset.done $0x0  }
0x8b: {  	[sflag:s21] =	ssyncadd.s32 $0xFFFFF800  }
0x8c: {  	_ =	swait.ge [sflag:s21], $0x800  }
0x8d: {  	[sflag:s21] =	ssyncset.done $0x0  }
0x8e: {  	[sflag:s21] =	ssyncadd.s32 $0xFFFFF800  }
0x8f: {  	_ =	swait.ge [sflag:s21], $0x800  }
0x90: {  	[sflag:s21] =	ssyncset.done $0x0  }
0x91: {  	[sflag:s21] =	ssyncadd.s32 $0xFFFFF800  }
0x92: {  	_ =	swait.ge [sflag:s21], $0x800  }
0x93: {  	[sflag:s21] =	ssyncset.done $0x0  }
0x94: {  	[sflag:s21] =	ssyncadd.s32 $0xFFFFF800  }
0x95: {  	_ =	swait.ge [sflag:s21], $0x800  }
0x96: {  	[sflag:s21] =	ssyncset.done $0x0  }
0x97: {  	[sflag:s21] =	ssyncadd.s32 $0xFFFFF800  }
0x98: {  	_ =	swait.ge [sflag:s21], $0x800  }
0x99: {  	[sflag:s21] =	ssyncset.done $0x0  }
0x9a: {  	[sflag:s21] =	ssyncadd.s32 $0xFFFFF800  }
0x9b: {  	_ =	swait.ge [sflag:s21], $0x800  }
0x9c: {  	[sflag:s21] =	ssyncset.done $0x0  }
0x9d: {  	[sflag:s21] =	ssyncadd.s32 $0xFFFFF800  }
0x9e: {  	_ =	swait.ge [sflag:s21], $0x800  }
0x9f: {  	[sflag:s21] =	ssyncset.done $0x0  }
0xa0: {  	[sflag:s21] =	ssyncadd.s32 $0xFFFFF800  }
0xa1: {  	s24 =	sadd.s32 $0x340, s24;
	_ =	swait.ge [sflag:s21], $0x800  }
0xa2: {  	p0 =	sne.s32 s24, $0x5140;
	[sflag:s21] =	ssyncset.done $0x0  }
.Ltmp3:
0xa3: {  	[sflag:s21] =	ssyncadd.s32 $0xFFFFF800;
	(pc) =	sbr.rel @!p0 .LBB2_5-.Ltmp3, $4  }
0xa4: {  	[hbm4b:s23+s2] =	stream.linear.scatter [tilespmem:s15], [sflag:$0x3], $0xD000, $0x38;
	[tilespmem:$0x1BA00] =	vst v63  }
0xa5: {  	_ =	swait.ge [sflag:s10], $0xD000  }
0xa6: {  	[sflag:s10] =	ssyncset.done $0x0  }
0xa7: {  	s22 =	sadd.s32 $0x3400, s22;
	s23 =	sadd.s32 $0x3400, s23;
	[sflag:s10] =	ssyncadd.s32 $0xFFFF3000  }
.LBB2_2:
0xa8: {  	s25 =	sadd.s32 s24, s8  }
0xa9: {  	[tilespmem:s14], [sflag:$0x3] =	stream.linear.gather [hbm4b:s25+s2], $0xD00, $0x38;
	[tilespmem:$0x1BA00] =	vst v63  }
0xaa: {  	_ =	swait.ge [sflag:s10], $0xD00  }
0xab: {  	[sflag:s10] =	ssyncset.done $0x0  }
0xac: {  	[sflag:s10] =	ssyncadd.s32 $0xFFFFF300  }
0xad: {  	[tilespmem:s15], [sflag:$0x2] =	stream.indirect.gather [hbm4b:s3+s11], $0x10, s14, s11, $0xb8;
	[tilespmem:$0x1BA00] =	vst v63  }
0xae: {  	s28 =	simm.s32 $0xF200  }
0xaf: {  	[tilespmem:s28], [sflag:$0x2] =	stream.indirect.gather [hbm4b:s3+s11], $0x10, s26, s11, $0xb8;
	[tilespmem:$0x1BA00] =	vst v63  }
0xb0: {  	s25 =	simm.s32 $0xE00;
	s28 =	simm.s32 $0xFA00  }
0xb1: {  	[tilespmem:s28], [sflag:$0x2] =	stream.indirect.gather [hbm4b:s3+s11], $0x10, s25, s11, $0xb8;
	[tilespmem:$0x1BA00] =	vst v63  }
0xb2: {  	s25 =	simm.s32 $0xE80;
	s28 =	simm.s32 $0x10200  }
0xb3: {  	[tilespmem:s28], [sflag:$0x2] =	stream.indirect.gather [hbm4b:s3+s11], $0x10, s25, s11, $0xb8;
	[tilespmem:$0x1BA00] =	vst v63  }
0xb4: {  	s25 =	simm.s32 $0xF00;
	s28 =	simm.s32 $0x10A00  }
0xb5: {  	[tilespmem:s28], [sflag:$0x2] =	stream.indirect.gather [hbm4b:s3+s11], $0x10, s25, s11, $0xb8;
	[tilespmem:$0x1BA00] =	vst v63  }
0xb6: {  	s25 =	simm.s32 $0xF80;
	s28 =	simm.s32 $0x11200  }
0xb7: {  	[tilespmem:s28], [sflag:$0x2] =	stream.indirect.gather [hbm4b:s3+s11], $0x10, s25, s11, $0xb8;
	[tilespmem:$0x1BA00] =	vst v63  }
0xb8: {  	s25 =	simm.s32 $0x1000;
	s28 =	simm.s32 $0x11A00  }
0xb9: {  	[tilespmem:s28], [sflag:$0x2] =	stream.indirect.gather [hbm4b:s3+s11], $0x10, s25, s11, $0xb8;
	[tilespmem:$0x1BA00] =	vst v63  }
0xba: {  	s25 =	simm.s32 $0x1080;
	s28 =	simm.s32 $0x12200  }
0xbb: {  	[tilespmem:s28], [sflag:$0x2] =	stream.indirect.gather [hbm4b:s3+s11], $0x10, s25, s11, $0xb8;
	[tilespmem:$0x1BA00] =	vst v63  }
0xbc: {  	s25 =	simm.s32 $0x1100;
	s28 =	simm.s32 $0x12A00  }
0xbd: {  	[tilespmem:s28], [sflag:$0x2] =	stream.indirect.gather [hbm4b:s3+s11], $0x10, s25, s11, $0xb8;
	[tilespmem:$0x1BA00] =	vst v63  }
0xbe: {  	s25 =	simm.s32 $0x1180;
	s28 =	simm.s32 $0x13200  }
0xbf: {  	[tilespmem:s28], [sflag:$0x2] =	stream.indirect.gather [hbm4b:s3+s11], $0x10, s25, s11, $0xb8;
	[tilespmem:$0x1BA00] =	vst v63  }
0xc0: {  	s25 =	simm.s32 $0x1200;
	s28 =	simm.s32 $0x13A00  }
0xc1: {  	[tilespmem:s28], [sflag:$0x2] =	stream.indirect.gather [hbm4b:s3+s11], $0x10, s25, s11, $0xb8;
	[tilespmem:$0x1BA00] =	vst v63  }
0xc2: {  	s25 =	simm.s32 $0x1280;
	s28 =	simm.s32 $0x14200  }
0xc3: {  	[tilespmem:s28], [sflag:$0x2] =	stream.indirect.gather [hbm4b:s3+s11], $0x10, s25, s11, $0xb8;
	[tilespmem:$0x1BA00] =	vst v63  }
0xc4: {  	s25 =	simm.s32 $0x1300;
	s28 =	simm.s32 $0x14A00  }
0xc5: {  	[tilespmem:s28], [sflag:$0x2] =	stream.indirect.gather [hbm4b:s3+s11], $0x10, s25, s11, $0xb8;
	[tilespmem:$0x1BA00] =	vst v63  }
0xc6: {  	s25 =	simm.s32 $0x1380;
	s28 =	simm.s32 $0x15200  }
0xc7: {  	[tilespmem:s28], [sflag:$0x2] =	stream.indirect.gather [hbm4b:s3+s11], $0x10, s25, s11, $0xb8;
	[tilespmem:$0x1BA00] =	vst v63  }
0xc8: {  	s25 =	simm.s32 $0x1400;
	s28 =	simm.s32 $0x15A00  }
0xc9: {  	[tilespmem:s28], [sflag:$0x2] =	stream.indirect.gather [hbm4b:s3+s11], $0x10, s25, s11, $0xb8;
	[tilespmem:$0x1BA00] =	vst v63  }
0xca: {  	s25 =	simm.s32 $0x1480;
	s28 =	simm.s32 $0x16200  }
0xcb: {  	[tilespmem:s28], [sflag:$0x2] =	stream.indirect.gather [hbm4b:s3+s11], $0x10, s25, s11, $0xb8;
	[tilespmem:$0x1BA00] =	vst v63  }
0xcc: {  	s25 =	simm.s32 $0x1500;
	s28 =	simm.s32 $0x16A00  }
0xcd: {  	[tilespmem:s28], [sflag:$0x2] =	stream.indirect.gather [hbm4b:s3+s11], $0x10, s25, s11, $0xb8;
	[tilespmem:$0x1BA00] =	vst v63  }
0xce: {  	s25 =	simm.s32 $0x1580;
	s28 =	simm.s32 $0x17200  }
0xcf: {  	[tilespmem:s28], [sflag:$0x2] =	stream.indirect.gather [hbm4b:s3+s11], $0x10, s25, s11, $0xb8;
	[tilespmem:$0x1BA00] =	vst v63  }
0xd0: {  	s28 =	simm.s32 $0x1600  }
0xd1: {  	[tilespmem:s29], [sflag:$0x2] =	stream.indirect.gather [hbm4b:s3+s11], $0x10, s28, s11, $0xb8;
	[tilespmem:$0x1BA00] =	vst v63  }
0xd2: {  	_ = 	snop  }
0xd3: {  	[tilespmem:s31], [sflag:$0x2] =	stream.indirect.gather [hbm4b:s3+s11], $0x10, s30, s11, $0xb8;
	[tilespmem:$0x1BA00] =	vst v63  }
0xd4: {  	_ = 	snop  }
0xd5: {  	[tilespmem:s1], [sflag:$0x2] =	stream.indirect.gather [hbm4b:s3+s11], $0x10, s0, s11, $0xb8;
	[tilespmem:$0x1BA00] =	vst v63  }
0xd6: {  	_ = 	snop  }
0xd7: {  	[tilespmem:s5], [sflag:$0x2] =	stream.indirect.gather [hbm4b:s3+s11], $0x10, s4, s11, $0xb8;
	[tilespmem:$0x1BA00] =	vst v63  }
0xd8: {  	_ = 	snop  }
0xd9: {  	[tilespmem:s9], [sflag:$0x2] =	stream.indirect.gather [hbm4b:s3+s11], $0x10, s7, s11, $0xb8;
	[tilespmem:$0x1BA00] =	vst v63  }
0xda: {  	_ = 	snop  }
0xdb: {  	[tilespmem:s6], [sflag:$0x2] =	stream.indirect.gather [hbm4b:s3+s11], $0x10, s13, s11, $0xb8;
	[tilespmem:$0x1BA00] =	vst v63  }
0xdc: {  	_ = 	snop  }
0xdd: {  	[tilespmem:s17], [sflag:$0x2] =	stream.indirect.gather [hbm4b:s3+s11], $0x10, s16, s11, $0xb8;
	[tilespmem:$0x1BA00] =	vst v63  }
0xde: {  	_ = 	snop  }
0xdf: {  	[tilespmem:s19], [sflag:$0x2] =	stream.indirect.gather [hbm4b:s3+s11], $0x10, s18, s11, $0xb8;
	[tilespmem:$0x1BA00] =	vst v63  }
0xe0: {  	_ =	swait.ge [sflag:s20], $0x800  }
0xe1: {  	[sflag:s20] =	ssyncset.done $0x0  }
0xe2: {  	[sflag:s20] =	ssyncadd.s32 $0xFFFFF800  }
0xe3: {  	_ =	swait.ge [sflag:s20], $0x800  }
0xe4: {  	[sflag:s20] =	ssyncset.done $0x0  }
0xe5: {  	[sflag:s20] =	ssyncadd.s32 $0xFFFFF800  }
0xe6: {  	_ =	swait.ge [sflag:s20], $0x800  }
0xe7: {  	[sflag:s20] =	ssyncset.done $0x0  }
0xe8: {  	[sflag:s20] =	ssyncadd.s32 $0xFFFFF800  }
0xe9: {  	_ =	swait.ge [sflag:s20], $0x800  }
0xea: {  	[sflag:s20] =	ssyncset.done $0x0  }
0xeb: {  	[sflag:s20] =	ssyncadd.s32 $0xFFFFF800  }
0xec: {  	_ =	swait.ge [sflag:s20], $0x800  }
0xed: {  	[sflag:s20] =	ssyncset.done $0x0  }
0xee: {  	[sflag:s20] =	ssyncadd.s32 $0xFFFFF800  }
0xef: {  	_ =	swait.ge [sflag:s20], $0x800  }
0xf0: {  	[sflag:s20] =	ssyncset.done $0x0  }
0xf1: {  	[sflag:s20] =	ssyncadd.s32 $0xFFFFF800  }
0xf2: {  	_ =	swait.ge [sflag:s20], $0x800  }
0xf3: {  	[sflag:s20] =	ssyncset.done $0x0  }
0xf4: {  	[sflag:s20] =	ssyncadd.s32 $0xFFFFF800  }
0xf5: {  	_ =	swait.ge [sflag:s20], $0x800  }
0xf6: {  	[sflag:s20] =	ssyncset.done $0x0  }
0xf7: {  	[sflag:s20] =	ssyncadd.s32 $0xFFFFF800  }
0xf8: {  	_ =	swait.ge [sflag:s20], $0x800  }
0xf9: {  	[sflag:s20] =	ssyncset.done $0x0  }
0xfa: {  	[sflag:s20] =	ssyncadd.s32 $0xFFFFF800  }
0xfb: {  	_ =	swait.ge [sflag:s20], $0x800  }
0xfc: {  	[sflag:s20] =	ssyncset.done $0x0  }
0xfd: {  	[sflag:s20] =	ssyncadd.s32 $0xFFFFF800  }
0xfe: {  	_ =	swait.ge [sflag:s20], $0x800  }
0xff: {  	[sflag:s20] =	ssyncset.done $0x0  }
0x100: {  	[sflag:s20] =	ssyncadd.s32 $0xFFFFF800  }
0x101: {  	_ =	swait.ge [sflag:s20], $0x800  }
0x102: {  	[sflag:s20] =	ssyncset.done $0x0  }
0x103: {  	[sflag:s20] =	ssyncadd.s32 $0xFFFFF800  }
0x104: {  	_ =	swait.ge [sflag:s20], $0x800  }
0x105: {  	[sflag:s20] =	ssyncset.done $0x0  }
0x106: {  	[sflag:s20] =	ssyncadd.s32 $0xFFFFF800  }
0x107: {  	_ =	swait.ge [sflag:s20], $0x800  }
0x108: {  	[sflag:s20] =	ssyncset.done $0x0  }
0x109: {  	[sflag:s20] =	ssyncadd.s32 $0xFFFFF800  }
0x10a: {  	_ =	swait.ge [sflag:s20], $0x800  }
0x10b: {  	[sflag:s20] =	ssyncset.done $0x0  }
0x10c: {  	[sflag:s20] =	ssyncadd.s32 $0xFFFFF800  }
0x10d: {  	_ =	swait.ge [sflag:s20], $0x800  }
0x10e: {  	[sflag:s20] =	ssyncset.done $0x0  }
0x10f: {  	[sflag:s20] =	ssyncadd.s32 $0xFFFFF800  }
0x110: {  	_ =	swait.ge [sflag:s20], $0x800  }
0x111: {  	[sflag:s20] =	ssyncset.done $0x0  }
0x112: {  	[sflag:s20] =	ssyncadd.s32 $0xFFFFF800  }
0x113: {  	_ =	swait.ge [sflag:s20], $0x800  }
0x114: {  	[sflag:s20] =	ssyncset.done $0x0  }
0x115: {  	[sflag:s20] =	ssyncadd.s32 $0xFFFFF800  }
0x116: {  	_ =	swait.ge [sflag:s20], $0x800  }
0x117: {  	[sflag:s20] =	ssyncset.done $0x0  }
0x118: {  	[sflag:s20] =	ssyncadd.s32 $0xFFFFF800  }
0x119: {  	_ =	swait.ge [sflag:s20], $0x800  }
0x11a: {  	[sflag:s20] =	ssyncset.done $0x0  }
0x11b: {  	[sflag:s20] =	ssyncadd.s32 $0xFFFFF800  }
0x11c: {  	_ =	swait.ge [sflag:s20], $0x800  }
0x11d: {  	[sflag:s20] =	ssyncset.done $0x0  }
0x11e: {  	[sflag:s20] =	ssyncadd.s32 $0xFFFFF800  }
0x11f: {  	_ =	swait.ge [sflag:s20], $0x800  }
0x120: {  	[sflag:s20] =	ssyncset.done $0x0  }
0x121: {  	[sflag:s20] =	ssyncadd.s32 $0xFFFFF800  }
0x122: {  	_ =	swait.ge [sflag:s20], $0x800  }
0x123: {  	[sflag:s20] =	ssyncset.done $0x0  }
0x124: {  	[sflag:s20] =	ssyncadd.s32 $0xFFFFF800  }
0x125: {  	_ =	swait.ge [sflag:s20], $0x800  }
0x126: {  	[sflag:s20] =	ssyncset.done $0x0  }
0x127: {  	[sflag:s20] =	ssyncadd.s32 $0xFFFFF800  }
0x128: {  	_ =	swait.ge [sflag:s20], $0x800  }
0x129: {  	[sflag:s20] =	ssyncset.done $0x0  }
0x12a: {  	[sflag:s20] =	ssyncadd.s32 $0xFFFFF800  }
0x12b: {  	_ =	swait.ge [sflag:s20], $0x800  }
0x12c: {  	p0 =	seq.s32 s24, $0x4E00;
	[sflag:s20] =	ssyncset.done $0x0  }
.Ltmp4:
0x12d: {  	[sflag:s20] =	ssyncadd.s32 $0xFFFFF800;
	(pc) =	sbr.rel @p0 .LBB2_4-.Ltmp4, $4  }
0x12e: {  	[hbm4b:s22+s2] =	stream.linear.scatter [tilespmem:s12], [sflag:$0x3], $0xD000, $0x38;
	[tilespmem:$0x1BA00] =	vst v63  }
0x12f: {  	_ =	swait.ge [sflag:s10], $0xD000  }
0x130: {  	[sflag:s10] =	ssyncset.done $0x0  }
0x131: {  	[sflag:s10] =	ssyncadd.s32 $0xFFFF3000  }
0x132: {  	s25 =	rddreg [dreg:$0x5]  }
0x133: {  	s25 =	sadd.s32 s24, s25  }
0x134: {  	[tilespmem:s2], [sflag:$0x3] =	stream.linear.gather [hbm4b:s25+s2], $0xD00, $0x38;
	[tilespmem:$0x1BA00] =	vst v63  }
0x135: {  	_ =	swait.ge [sflag:s10], $0xD00  }
0x136: {  	[sflag:s10] =	ssyncset.done $0x0  }
0x137: {  	[sflag:s10] =	ssyncadd.s32 $0xFFFFF300  }
0x138: {  	[tilespmem:s12], [sflag:$0x1] =	stream.indirect.gather [hbm4b:s3+s11], $0x10, s2, s11, $0xb8;
	[tilespmem:$0x1BA00] =	vst v63  }
0x139: {  	s26 =	simm.s32 $0x2200  }
0x13a: {  	[tilespmem:s26], [sflag:$0x1] =	stream.indirect.gather [hbm4b:s3+s11], $0x10, s11, s11, $0xb8;
	[tilespmem:$0x1BA00] =	vst v63  }
0x13b: {  	s28 =	simm.s32 $0x100;
	s26 =	simm.s32 $0x2A00  }
0x13c: {  	[tilespmem:s26], [sflag:$0x1] =	stream.indirect.gather [hbm4b:s3+s11], $0x10, s28, s11, $0xb8;
	[tilespmem:$0x1BA00] =	vst v63  }
0x13d: {  	s26 =	simm.s32 $0x180;
	s28 =	simm.s32 $0x3200  }
0x13e: {  	[tilespmem:s28], [sflag:$0x1] =	stream.indirect.gather [hbm4b:s3+s11], $0x10, s26, s11, $0xb8;
	[tilespmem:$0x1BA00] =	vst v63  }
0x13f: {  	s26 =	simm.s32 $0x200;
	s28 =	simm.s32 $0x3A00  }
0x140: {  	[tilespmem:s28], [sflag:$0x1] =	stream.indirect.gather [hbm4b:s3+s11], $0x10, s26, s11, $0xb8;
	[tilespmem:$0x1BA00] =	vst v63  }
0x141: {  	s26 =	simm.s32 $0x280;
	s28 =	simm.s32 $0x4200  }
0x142: {  	[tilespmem:s28], [sflag:$0x1] =	stream.indirect.gather [hbm4b:s3+s11], $0x10, s26, s11, $0xb8;
	[tilespmem:$0x1BA00] =	vst v63  }
0x143: {  	s26 =	simm.s32 $0x300;
	s28 =	simm.s32 $0x4A00  }
0x144: {  	[tilespmem:s28], [sflag:$0x1] =	stream.indirect.gather [hbm4b:s3+s11], $0x10, s26, s11, $0xb8;
	[tilespmem:$0x1BA00] =	vst v63  }
0x145: {  	s26 =	simm.s32 $0x380;
	s28 =	simm.s32 $0x5200  }
0x146: {  	[tilespmem:s28], [sflag:$0x1] =	stream.indirect.gather [hbm4b:s3+s11], $0x10, s26, s11, $0xb8;
	[tilespmem:$0x1BA00] =	vst v63  }
0x147: {  	s26 =	simm.s32 $0x400;
	s28 =	simm.s32 $0x5A00  }
0x148: {  	[tilespmem:s28], [sflag:$0x1] =	stream.indirect.gather [hbm4b:s3+s11], $0x10, s26, s11, $0xb8;
	[tilespmem:$0x1BA00] =	vst v63  }
0x149: {  	s26 =	simm.s32 $0x480;
	s28 =	simm.s32 $0x6200  }
0x14a: {  	[tilespmem:s28], [sflag:$0x1] =	stream.indirect.gather [hbm4b:s3+s11], $0x10, s26, s11, $0xb8;
	[tilespmem:$0x1BA00] =	vst v63  }
0x14b: {  	s26 =	simm.s32 $0x500;
	s28 =	simm.s32 $0x6A00  }
0x14c: {  	[tilespmem:s28], [sflag:$0x1] =	stream.indirect.gather [hbm4b:s3+s11], $0x10, s26, s11, $0xb8;
	[tilespmem:$0x1BA00] =	vst v63  }
0x14d: {  	s26 =	simm.s32 $0x580;
	s28 =	simm.s32 $0x7200  }
0x14e: {  	[tilespmem:s28], [sflag:$0x1] =	stream.indirect.gather [hbm4b:s3+s11], $0x10, s26, s11, $0xb8;
	[tilespmem:$0x1BA00] =	vst v63  }
0x14f: {  	s26 =	simm.s32 $0x600;
	s28 =	simm.s32 $0x7A00  }
0x150: {  	[tilespmem:s28], [sflag:$0x1] =	stream.indirect.gather [hbm4b:s3+s11], $0x10, s26, s11, $0xb8;
	[tilespmem:$0x1BA00] =	vst v63  }
0x151: {  	s26 =	simm.s32 $0x680;
	s28 =	simm.s32 $0x8200  }
0x152: {  	[tilespmem:s28], [sflag:$0x1] =	stream.indirect.gather [hbm4b:s3+s11], $0x10, s26, s11, $0xb8;
	[tilespmem:$0x1BA00] =	vst v63  }
0x153: {  	s26 =	simm.s32 $0x700;
	s28 =	simm.s32 $0x8A00  }
0x154: {  	[tilespmem:s28], [sflag:$0x1] =	stream.indirect.gather [hbm4b:s3+s11], $0x10, s26, s11, $0xb8;
	[tilespmem:$0x1BA00] =	vst v63  }
0x155: {  	s26 =	simm.s32 $0x780;
	s28 =	simm.s32 $0x9200  }
0x156: {  	[tilespmem:s28], [sflag:$0x1] =	stream.indirect.gather [hbm4b:s3+s11], $0x10, s26, s11, $0xb8;
	[tilespmem:$0x1BA00] =	vst v63  }
0x157: {  	s26 =	simm.s32 $0x800;
	s28 =	simm.s32 $0x9A00  }
0x158: {  	[tilespmem:s28], [sflag:$0x1] =	stream.indirect.gather [hbm4b:s3+s11], $0x10, s26, s11, $0xb8;
	[tilespmem:$0x1BA00] =	vst v63  }
0x159: {  	s26 =	simm.s32 $0x880;
	s28 =	simm.s32 $0xA200  }
0x15a: {  	[tilespmem:s28], [sflag:$0x1] =	stream.indirect.gather [hbm4b:s3+s11], $0x10, s26, s11, $0xb8;
	[tilespmem:$0x1BA00] =	vst v63  }
0x15b: {  	s26 =	simm.s32 $0x900;
	s28 =	simm.s32 $0xAA00  }
0x15c: {  	[tilespmem:s28], [sflag:$0x1] =	stream.indirect.gather [hbm4b:s3+s11], $0x10, s26, s11, $0xb8;
	[tilespmem:$0x1BA00] =	vst v63  }
0x15d: {  	s26 =	simm.s32 $0x980;
	s28 =	simm.s32 $0xB200  }
0x15e: {  	[tilespmem:s28], [sflag:$0x1] =	stream.indirect.gather [hbm4b:s3+s11], $0x10, s26, s11, $0xb8;
	[tilespmem:$0x1BA00] =	vst v63  }
0x15f: {  	s26 =	simm.s32 $0xA00;
	s28 =	simm.s32 $0xBA00  }
0x160: {  	[tilespmem:s28], [sflag:$0x1] =	stream.indirect.gather [hbm4b:s3+s11], $0x10, s26, s11, $0xb8;
	[tilespmem:$0x1BA00] =	vst v63  }
0x161: {  	s26 =	simm.s32 $0xA80;
	s28 =	simm.s32 $0xC200  }
0x162: {  	[tilespmem:s28], [sflag:$0x1] =	stream.indirect.gather [hbm4b:s3+s11], $0x10, s26, s11, $0xb8;
	[tilespmem:$0x1BA00] =	vst v63  }
0x163: {  	s26 =	simm.s32 $0xB00;
	s28 =	simm.s32 $0xCA00  }
0x164: {  	[tilespmem:s28], [sflag:$0x1] =	stream.indirect.gather [hbm4b:s3+s11], $0x10, s26, s11, $0xb8;
	[tilespmem:$0x1BA00] =	vst v63  }
0x165: {  	s26 =	simm.s32 $0xB80;
	s28 =	simm.s32 $0xD200  }
0x166: {  	[tilespmem:s28], [sflag:$0x1] =	stream.indirect.gather [hbm4b:s3+s11], $0x10, s26, s11, $0xb8;
	[tilespmem:$0x1BA00] =	vst v63  }
.Ltmp5:
0x167: {  	s26 =	simm.s32 $0xC00;
	s28 =	simm.s32 $0xDA00;
	(pc) =	sbr.rel .LBB2_4-.Ltmp5, $4  }
0x168: {  	[tilespmem:s28], [sflag:$0x1] =	stream.indirect.gather [hbm4b:s3+s11], $0x10, s26, s11, $0xb8;
	[tilespmem:$0x1BA00] =	vst v63  }
0x169: {  	s26 =	simm.s32 $0xC80;
	s28 =	simm.s32 $0xE200  }
0x16a: {  	[tilespmem:s28], [sflag:$0x1] =	stream.indirect.gather [hbm4b:s3+s11], $0x10, s26, s11, $0xb8;
	[tilespmem:$0x1BA00] =	vst v63  }
0x16b: {  	s26 =	simm.s32 $0xD80  }
.LBB2_6:
0x16c: {  	_ =	sfence.sel $0x180000  }
0x16d: {  	[bflag:$0x0] =	sbarrier.arrive $0xFFFF  }
0x16e: {  	_ =	strace $0x90000047  }
0x16f: {  	s0 =	stileid.u32;
	[bflag:$0x2] =	sbarrier.arrive $0xFFFF  }
0x170: {  	p0 =	sne.s32 s0, $0x0;
	s0 =	rddreg [dreg:$0x2]  }
0x171: {  	s0 =	sadd.s32 @!p0 $0x100000, s0  }
0x172: {  	[sflag:s0] =	ssyncadd.tile.s32 @!p0 $0x1;
	_ =	shalt  }
.Lfunc_end2:
_tile_overlayer_lowered:
.L_overlay_start_2:
0x173: {  	(tag) =	ssettag $0x2  }
0x174: {  	s0 =	rddreg [dreg:$0x0];
	s2 =	stileid.u32  }
0x175: {  	s1 =	rddreg [dreg:$0x1];
	p0 =	sne.s32 s2, $0x0  }
0x176: {  	s3 =	rddreg [dreg:$0x2];
	[bflag:$0x3] =	sbarrier.arrive $0xFFFF;
	s2 =	simm.s32 @!p0 $0x1C03  }
0x177: {  	[timem:s3], [sflag:s2] =	dma.local @!p0 [hbm:s0], s1  }
0x178: {  	s0 =	simm.s32 @!p0 $0x3  }
0x179: {  	_ =	swait.ge @!p0 [sflag:s0], s1  }
0x17a: {  	s1 =	ssub.s32 @!p0 $0x0, s1;
	[sflag:s0] =	ssyncset.done @!p0 $0x0  }
0x17b: {  	[sflag:s0] =	ssyncadd.s32 @!p0 s1  }
0x17c: {  	[bflag:$0x3] =	sbarrier.arrive $0xFFFF  }
0x17d: {  	_ =	shalt  }

// kernel: sparse-core-data-format-call.cloned.1.call-start
scs
called_computation_lowered:
.L_overlay_start_0:
0x0: {  	s2 =	sld [smem:$0x3FD9]  }
0x1: {  	s3 =	sld [smem:$0x3FFE];
	_ =	sdelay $0x1  }
0x2: {  	s1 =	srdreg.scid  }
0x3: {  	s0 =	sand.u32 $0x1, s1  }
0x4: {  	s18 =	sshll.u32 s0, $0xA;
	s2 =	sadd.s32 s3, s2  }
0x5: {  	s2 =	sadd.s32 s2, s18  }
0x6: {  	[smem:$0x3FBE] =	sst s2  }
0x7: {  	_ = 	snop  }
0x8: {  	s2 =	sld [smem:$0x3FD0];
	(tm) =	ssettm $0x1  }
0x9: {  	s19 =	sld [smem:$0x3FFB];
	_ =	sdelay $0x3  }
0xa: {  	_ =	strace s19  }
0xb: {  	s3 =	sld [smem:$0x3FFC];
	_ =	sdelay $0x3  }
0xc: {  	_ =	strace s3  }
0xd: {  	s3 =	sld [smem:$0x3FFD];
	_ =	sdelay $0x3  }
0xe: {  	_ =	strace s3  }
0xf: {  	_ =	strace $0x8FFFFFFF  }
0x10: {  	s20 =	sld [smem:$0x3FDB];
	_ =	sdelay $0x1  }
0x11: {  	s4 =	simm.s32 $_scs_section_size  }
0x12: {  	s5 =	simm.s32 $_size__tile_overlayer_lowered;
	s6 =	simm.s32 $_tile_overlayer_lowered  }
0x13: {  	s23 =	simm.s32 $0x1BFF;
	s22 =	sshll.u32 s6, $0x1;
	s3 =	sadd.s32 s4, s20  }
0x14: {  	s7 =	simm.s32 $0x0;
	s21 =	sshll.u32 s5, $0x1;
	s5 =	sadd.s32 s22, s3  }
0x15: {  	[timem:s7], [sflag:s23] =	dma.local [hbm:s5], s21  }
0x16: {  	_ =	swait.ge [sflag:s23], s21  }
0x17: {  	s4 =	ssub.s32 $0x0, s21;
	[sflag:s23] =	ssyncset.done $0x0  }
0x18: {  	[sflag:s23] =	ssyncadd.s32 s4;
	_ =	sdelay $0x1  }
0x19: {  	s24 =	simm.s32 $0x1B8B  }
0x1a: {  	_ =	swait.ge [sflag:s24], $0x1  }
0x1b: {  	[sflag:s24] =	ssyncset.done $0x0  }
0x1c: {  	s26 =	simm.s32 $0x1B8E;
	s25 =	sld [smem:$0x3FFE];
	[sflag:s24] =	ssyncadd.s32 $0xFFFFFFFF  }
0x1d: {  	s27 =	simm.s32 $execute0_lowered;
	[smem:$0x3FD2] =	sst s26  }
0x1e: {  	s5 =	sshll.u32 s27, $0x1;
	_ =	strace $0x80000049;
	[dreg:$0x1] =	wrdreg $0xFFFFFFFF  }
0x1f: {  	s28 =	simm.s32 $_size_execute0_lowered;
	s3 =	sadd.s32 s3, s5;
	[dreg:$0x0] =	wrdreg $0x0  }
0x20: {  	s5 =	sshll.u32 s28, $0x1;
	[dreg:$0x2] =	wrdreg s3  }
0x21: {  	[dreg:$0x3] =	wrdreg s5  }
0x22: {  	[dreg:$0x4] =	wrdreg $0xC0  }
0x23: {  	_ =	task [dreg:s7], $0x5FFFF  }
0x24: {  	[dreg:$0x1] =	wrdreg $0xFFFFFFFF  }
0x25: {  	[dreg:$0x0] =	wrdreg $0x60  }
0x26: {  	[dreg:$0x2] =	wrdreg s25  }
0x27: {  	[dreg:$0x3] =	wrdreg s2  }
0x28: {  	[dreg:$0x4] =	wrdreg $0x9  }
0x29: {  	_ =	task.clear_ibuf [dreg:s7], $0x5FFFF;
	_ =	strace $0x90000049  }
0x2a: {  	s29 =	simm.s32 $0x9;
	_ =	strace $0x8000004B  }
0x2b: {  	_ =	swait.ge [sflag:s29], $0x1  }
0x2c: {  	[sflag:s29] =	ssyncadd.s32 $0xFFFFFFFF  }
0x2d: {  	_ =	strace $0x9000004B  }
0x2e: {  	_ =	sfence  }
0x2f: {  	s30 =	sld [smem:$0x0];
	_ =	sdelay $0x2  }
0x30: {  	s31 =	sshll.u32 s1, $0xD;
	s1 =	sshrl.u32 s1, $0x2  }
0x31: {  	s3 =	sand.u32 $0x4000, s31;
	s1 =	sadd.s32 s1, s30  }
0x32: {  	s0 =	sor.u32 s3, s0;
	s1 =	sshll.u32 s1, $0x11  }
0x33: {  	s0 =	sor.u32 s1, s0  }
0x34: {  	s0 =	sadd.s32 $0x8F2B, s0  }
0x35: {  	[sflag:s0] =	ssyncadd.remote.s32 $0x1  }
0x36: {  	_ =	sfence.sel $0xFFFF  }
0x37: {  	[dreg:$0x0] =	wrdreg $0xFFFFFFFF;
	(pc) =	sbr.abs _section_cstart, $3  }
0x38: {  	[dreg:$0x1] =	wrdreg $0xFFFFFFFF  }
0x39: {  	_ =	task.clear_ibuf [dreg:s7], $0x2FFFF;
	_ =	strace $0x9FFFFFFF  }
0x3a: {  	(tm) =	ssettm $0x7FFFFFFF  }
0x3b: {  	_ =	shalt  }
tec
execute0_lowered:
.L_overlay_start_1:
0x0: {  	(tag) =	ssettag $0x1  }
0x1: {  	s0 =	srdreg.scid  }
0x2: {  	s1 =	sshll.u32 s0, $0x4  }
0x3: {  	s0 =	stileid.u32;
	s1 =	sand.u32 $0x10, s1  }
0x4: {  	s1 =	sor.u32 s0, s1  }
0x5: {  	s6 =	rddreg [dreg:$0x0];
	s4 =	simm.s32 $0x1;
	s2 =	sshll.u32 s1, $0x7  }
0x6: {  	s7 =	simm.s32 $0x2;
	s12 =	simm.s32 $0x0;
	s1 =	ssub.s32 $0x1000, s2  }
0x7: {  	s8 =	simm.s32 $0x8000;
	s13 =	simm.s32 $0x0;
	s3 =	sand.u32 $0xF80, s1  }
0x8: {  	s9 =	simm.s32 $0x0;
	s5 =	sshrl.u32 s1, $0xC;
	p0 =	sne.s32 s3, $0x0  }
.Ltmp0:
0x9: {  	s1 =	rddreg [dreg:$0x2];
	s4 =	simm.s32 @!p0 $0x0;
	(pc) =	sbr.rel .LBB1_1-.Ltmp0, $4  }
0xa: {  	s11 =	simm.s32 $0x0;
	s3 =	rddreg [dreg:$0x1];
	s5 =	sadd.s32 s4, s5  }
0xb: {  	_ =	strace $0x8000004A;
	s4 =	simm.s32 $0x1;
	s5 =	smul.u32 $0x32, s5  }
0xc: {  	s6 =	sadd.s32 $0x321A00, s6;
	s10 =	smov.u32 s2;
	[sflag:s4] =	ssyncpa.u1 $0x0  }
0xd: {  	p0 =	por $0x0, $0x0;
	[sflag:s7] =	ssyncpa.u1 $0x0;
	s7 =	sor.u32 $0x1, s5  }
.LBB1_4:
0xe: {  	s16 =	sshll.u32 s13, $0x3;
	s17 =	sand.u32 $0x78, s13  }
0xf: {  	s30 =	sand.u32 $0x7E00, s13;
	s12 =	sshll.u32 s12, $0xF;
	s16 =	sand.u32 $0xC00, s16  }
0x10: {  	[tilespmem:s15+$0x810 ss:$0x81] =	vst.msk $0xffff, v2;
	s31 =	sand.u32 $0x7, s13;
	s16 =	sor.u32 s17, s16;
	s17 =	sadd.s32 s3, s30  }
0x11: {  	[tilespmem:s15+$0x1020 ss:$0x81] =	vst.msk $0xffff, v0;
	s13 =	sshll.u32 s31, $0x12;
	s12 =	sadd.s32 s12, s17;
	s16 =	sshrl.u32 s16, $0x3  }
0x12: {  	[tilespmem:s15+$0x0 ss:$0x81] =	vst.msk $0xffff, v1;
	s13 =	sor.u32 $0x400, s13;
	s12 =	sadd.s32 s16, s12  }
0x13: {  	[hbm4b:s12+s13] =	stream.strided.scatter [tilespmem:s14], [sflag:$0x2], $0x2000, s8, s13, $0x20;
	[tilespmem:$0x8080] =	vst v63  }
.LBB1_5:
0x14: {  	s14 =	sadd.s32 $0x1, s9  }
0x15: {  	s12 =	sadd.s32 $0x1000, s10;
	s16 =	smov.u32 s10;
	p2 =	sgt.s32 s14, $0x31  }
0x16: {  	s16 =	smov.u32 @p2 s12  }
0x17: {  	s14 =	simm.s32 @p2 $0x0;
	p2 =	sgt.s32 s16, $0xFFF  }
0x18: {  	s16 =	smov.u32 @p2 s2;
	p2 =	sne.s32 s11, s7  }
.Ltmp1:
0x19: {  	p1 =	slt.u32 s11, $0x2;
	(pc) =	sbr.rel @!p2 .LBB1_6-.Ltmp1, $4  }
0x1a: {  	s15 =	simm.s32 @!p1 $0x2  }
0x1b: {  	s13 =	smov.u32 s10;
	p0 =	por !p0, !p0;
	_ =	swait.ge @!p1 [sflag:s15], $0x2000  }
0x1c: {  	s12 =	smov.u32 s9;
	[sflag:s15] =	ssyncset.done @!p1 $0x0;
	s9 =	smov.u32 s14  }
0x1d: {  	s11 =	sadd.s32 $0x1, s11;
	[sflag:s15] =	ssyncadd.s32 @!p1 $0xFFFFE000;
	s10 =	smov.u32 s16  }
.LBB1_1:
0x1e: {  	p1 =	sge.u32 s11, s5  }
0x1f: {  	s14 =	sand.u32 @!p1 $0x1FFFFFF, s9  }
0x20: {  	s15 =	smulhi.u32 @!p1 $0x4924925, s14;
	_ =	sdelay $0x1  }
0x21: {  	s15 =	smul.u32 @!p1 $0x38, s15  }
0x22: {  	s16 =	sxor.u32 @!p1 $0xFFFFFFFF, s11;
	s17 =	smul.u32 @!p1 $0x380, s10  }
0x23: {  	s31 =	sadd.s32 $0xFFFFFFFF, s11;
	s16 =	sshll.u32 @!p1 s16, $0xD;
	s14 =	ssub.s32 @!p1 s14, s15  }
0x24: {  	s15 =	sand.u32 @!p1 $0x2000, s16;
	s16 =	sadd.s32 @!p1 s6, s17;
	s14 =	sshll.u32 @!p1 s14, $0x4  }
0x25: {  	s17 =	simm.s32 @!p1 $0x1C00;
	s14 =	sadd.s32 @!p1 s14, s16;
	s16 =	simm.s32 @!p1 $0x40  }
0x26: {  	[tilespmem:s15], [sflag:$0x1] =	stream.strided.gather @!p1 [hbm4b:s14+s16], $0x2000, s17, s16, $0x38;
	[tilespmem:$0x8080] =	vst v63  }
0x27: {  	p1 =	sge.u32 s31, s5  }
.Ltmp2:
0x28: {  	_ = 	snop;
	(pc) =	sbr.rel @p1 .LBB1_5-.Ltmp2, $1  }
0x29: {  	_ =	sdelay $0x3  }
0x2a: {  	s14 =	simm.s32 $0x1  }
0x2b: {  	_ =	swait.ge [sflag:s4], $0x2000;
	s14 =	simm.s32 @!p0 $0x0  }
0x2c: {  	[sflag:s4] =	ssyncset.done $0x0;
	s15 =	sshll.u32 s14, $0xD  }
0x2d: {  	[sflag:s4] =	ssyncadd.s32 $0xFFFFE000;
	s18 =	sor.u32 $0x20, s15  }
0x2e: {  	s14 =	smul.u32 $0x8100, s14;
	v3 =	vld [tilespmem:s18+$0x10]  }
0x2f: {  	s30 =	sand.u32 $0x1, s11;
	v2 =	vld [tilespmem:s18+$0xFFFFFFF0]  }
0x30: {  	s15 =	smul.u32 $0x8100, s30;
	s14 =	sshrl.u32 s14, $0x2;
	v0 =	vld [tilespmem:s18+$0x0]  }
0x31: {  	v1 =	vld [tilespmem:s18+$0xFFFFFFE0];
	s16 =	sor.u32 $0x4000, s14  }
0x32: {  	s31 =	sshrl.u32 s15, $0x2;
	s15 =	sadd.s32 $0x0, s16  }
0x33: {  	s17 =	simm.s32 $0x4;
	s18 =	sadd.s32 $0x40, s18;
	s14 =	sor.u32 $0x4000, s31;
	[tilespmem:s15+$0x1830 ss:$0x81] =	vst.msk $0xffff, v3  }
.LBB1_3:
0x34: {  	v3 =	vld [tilespmem:s18+$0x10];
	p1 =	sne.s32 s17, $0x1FC;
	[tilespmem:s15+$0x810 ss:$0x81] =	vst.msk $0xffff, v2;
	s19 =	smov.u32 s17;
	s17 =	sadd.s32 $0x4, s17  }
.Ltmp3:
0x35: {  	v2 =	vld [tilespmem:s18+$0xFFFFFFF0];
	[tilespmem:s15+$0x1020 ss:$0x81] =	vst.msk $0xffff, v0;
	(pc) =	sbr.rel @p1 .LBB1_3-.Ltmp3, $4  }
0x36: {  	v0 =	vld [tilespmem:s18+$0x0];
	[tilespmem:s15+$0x0 ss:$0x81] =	vst.msk $0xffff, v1  }
0x37: {  	s15 =	sshra.s32 s19, $0x2;
	v1 =	vld [tilespmem:s18+$0xFFFFFFE0]  }
0x38: {  	s15 =	sadd.s32 s15, s16  }
0x39: {  	s18 =	sadd.s32 $0x40, s18;
	[tilespmem:s15+$0x1830 ss:$0x81] =	vst.msk $0xffff, v3  }
.Ltmp4:
0x3a: {  	_ = 	snop;
	(pc) =	sbr.rel .LBB1_4-.Ltmp4, $1  }
0x3b: {  	_ =	sdelay $0x3  }
.LBB1_6:
0x3c: {  	_ =	sfence.sel $0x180000  }
0x3d: {  	s2 =	simm.s32 $0x1;
	[bflag:$0x0] =	sbarrier.arrive $0xFFFF  }
0x3e: {  	s31 =	simm.s32 $0x2;
	[sflag:s2] =	ssyncpa.u1 $0x1  }
0x3f: {  	[sflag:s31] =	ssyncpa.u1 $0x1  }
0x40: {  	p0 =	sne.s32 s0, $0x0;
	_ =	strace $0x9000004A  }
0x41: {  	s0 =	sadd.s32 @!p0 $0x100000, s1;
	[bflag:$0x2] =	sbarrier.arrive $0xFFFF  }
0x42: {  	[sflag:s0] =	ssyncadd.tile.s32 @!p0 $0x1;
	_ =	shalt  }
.Lfunc_end1:
_tile_overlayer_lowered:
.L_overlay_start_2:
0x43: {  	(tag) =	ssettag $0x2  }
0x44: {  	s0 =	rddreg [dreg:$0x0];
	s2 =	stileid.u32  }
0x45: {  	s1 =	rddreg [dreg:$0x1];
	p0 =	sne.s32 s2, $0x0  }
0x46: {  	s3 =	rddreg [dreg:$0x2];
	[bflag:$0x3] =	sbarrier.arrive $0xFFFF;
	s2 =	simm.s32 @!p0 $0x1C01  }
0x47: {  	[timem:s3], [sflag:s2] =	dma.local @!p0 [hbm:s0], s1  }
0x48: {  	s0 =	simm.s32 @!p0 $0x1  }
0x49: {  	_ =	swait.ge @!p0 [sflag:s0], s1  }
0x4a: {  	s1 =	ssub.s32 @!p0 $0x0, s1;
	[sflag:s0] =	ssyncset.done @!p0 $0x0  }
0x4b: {  	[sflag:s0] =	ssyncadd.s32 @!p0 s1  }
0x4c: {  	[bflag:$0x3] =	sbarrier.arrive $0xFFFF  }
0x4d: {  	_ =	shalt  }

</sc_bundles>
